<compile_context>
chip_gen: v7x
topology: tpu7x:2x2x1
jax: 0.10.2.dev20260603
libtpu: 0.0.44.dev20260713+nightly
codegen_flags: <defaults>
</compile_context>

<pallas_src>
import functools

import jax
import jax.numpy as jnp
from jax import lax
from jax.experimental import pallas as pl
from jax.experimental.pallas import tpu as pltpu
from jax.experimental.pallas import tpu_sc as plsc

N = 10000
E = 320000
D = 128

NUM_CORES = 2
NUM_SUBCORES = 16
ROW_CHUNK = 80
NUM_ROW_CHUNKS = N // ROW_CHUNK
ROW_CHUNKS_PER_SUBCORE = -(-NUM_ROW_CHUNKS // NUM_SUBCORES)
EDGES_PER_CORE = E // NUM_CORES
EDGES_PER_WORKER = EDGES_PER_CORE // NUM_SUBCORES
CHUNK = 125
CHUNKS_PER_WORKER = EDGES_PER_WORKER // CHUNK
IDX_ROWS = E // CHUNK
IDX_ROWS_PER_CORE = IDX_ROWS // NUM_CORES

A_CHUNK = 125
A_CHUNKS = EDGES_PER_WORKER // A_CHUNK
A_PHASES = 2
A_PHASE_CHUNKS = A_CHUNKS // A_PHASES
NUM_WORKERS = NUM_CORES * NUM_SUBCORES

DEG_W = 128


def _sc_mesh():
  return plsc.VectorSubcoreMesh(core_axis_name="c", subcore_axis_name="s")


def _sc_degree(dst):
  @functools.partial(
      pl.kernel,
      mesh=_sc_mesh(),
      out_type=jax.ShapeDtypeStruct((NUM_CORES, N, DEG_W), jnp.float32),
      scratch_types=[
          pltpu.VMEM((CHUNKS_PER_WORKER, CHUNK), jnp.int32),
          pltpu.VMEM((CHUNK, DEG_W), jnp.float32),
          pltpu.VMEM((ROW_CHUNK, DEG_W), jnp.float32),
          pltpu.VMEM_SHARED((N, DEG_W), jnp.float32),
          pltpu.SemaphoreType.DMA,
      ],
  )
  def deg_kernel(dst_hbm, out_hbm, idx_d, ones_v, zbuf, acc, sem):
    cid = lax.axis_index("c")
    sid = lax.axis_index("s")

    irow = cid * IDX_ROWS_PER_CORE + sid * CHUNKS_PER_WORKER
    pltpu.sync_copy(dst_hbm.at[pl.ds(irow, CHUNKS_PER_WORKER)], idx_d)

    @pl.loop(0, CHUNK)
    def _(r):
      @pl.loop(0, DEG_W, step=16)
      def _(j):
        ones_v[r, pl.ds(j, 16)] = jnp.ones((16,), jnp.float32)

    @pl.loop(0, ROW_CHUNK)
    def _(r):
      @pl.loop(0, DEG_W, step=16)
      def _(j):
        zbuf[r, pl.ds(j, 16)] = jnp.zeros((16,), jnp.float32)

    @pl.loop(0, ROW_CHUNKS_PER_SUBCORE)
    def _(z):
      c = z * NUM_SUBCORES + sid

      @pl.when(c < NUM_ROW_CHUNKS)
      def _():
        pltpu.sync_copy(zbuf, acc.at[pl.ds(c * ROW_CHUNK, ROW_CHUNK)])

    plsc.subcore_barrier()

    @pl.loop(0, CHUNKS_PER_WORKER)
    def _(i):
      pltpu.sync_copy(ones_v, acc.at[idx_d.at[i]], add=True)

    plsc.subcore_barrier()

    @pl.loop(0, ROW_CHUNKS_PER_SUBCORE)
    def _(z):
      c = z * NUM_SUBCORES + sid

      @pl.when(c < NUM_ROW_CHUNKS)
      def _():
        pltpu.sync_copy(
            acc.at[pl.ds(c * ROW_CHUNK, ROW_CHUNK)],
            out_hbm.at[cid].at[pl.ds(c * ROW_CHUNK, ROW_CHUNK)],
        )

  return deg_kernel(dst)


def _sc_aggregate(rows_hbm, src, dst):
  @functools.partial(
      pl.kernel,
      mesh=_sc_mesh(),
      out_type=jax.ShapeDtypeStruct((NUM_CORES, N, D), jnp.float32),
      scratch_types=[
          pltpu.VMEM((A_PHASE_CHUNKS, A_CHUNK), jnp.int32),
          pltpu.VMEM((A_PHASE_CHUNKS, A_CHUNK), jnp.int32),
          pltpu.VMEM((A_CHUNK, D), jnp.float32),
          pltpu.VMEM((A_CHUNK, D), jnp.float32),
          pltpu.VMEM_SHARED((N, D), jnp.float32),
          pltpu.SemaphoreType.DMA,
          pltpu.SemaphoreType.DMA,
      ],
  )
  def agg_kernel(rows_ref, src_hbm, dst_hbm, out_hbm,
                 idx_s, idx_d, rows0, rows1, acc, gsem0, gsem1):
    cid = lax.axis_index("c")
    sid = lax.axis_index("s")
    wid = cid * NUM_SUBCORES + sid

    @pl.loop(0, ROW_CHUNK)
    def _(r):
      @pl.loop(0, D, step=16)
      def _(j):
        rows0[r, pl.ds(j, 16)] = jnp.zeros((16,), jnp.float32)

    @pl.loop(0, ROW_CHUNKS_PER_SUBCORE)
    def _(z):
      c = z * NUM_SUBCORES + sid

      @pl.when(c < NUM_ROW_CHUNKS)
      def _():
        pltpu.sync_copy(rows0.at[pl.ds(0, ROW_CHUNK)],
                        acc.at[pl.ds(c * ROW_CHUNK, ROW_CHUNK)])

    plsc.subcore_barrier()

    for h in range(A_PHASES):
      pltpu.sync_copy(
          src_hbm.at[wid].at[pl.ds(h * A_PHASE_CHUNKS, A_PHASE_CHUNKS)],
          idx_s)
      pltpu.sync_copy(
          dst_hbm.at[wid].at[pl.ds(h * A_PHASE_CHUNKS, A_PHASE_CHUNKS)],
          idx_d)
      pltpu.async_copy(rows_ref.at[idx_s.at[0]], rows0, gsem0)

      @pl.loop(0, A_PHASE_CHUNKS, step=2)
      def _(i):
        pltpu.make_async_copy(rows_ref.at[idx_s.at[i]], rows0, gsem0).wait()
        pltpu.async_copy(rows_ref.at[idx_s.at[i + 1]], rows1, gsem1)
        pltpu.sync_copy(rows0, acc.at[idx_d.at[i]], add=True)

        pltpu.make_async_copy(
            rows_ref.at[idx_s.at[i + 1]], rows1, gsem1).wait()

        @pl.when(i + 2 < A_PHASE_CHUNKS)
        def _():
          pltpu.async_copy(rows_ref.at[idx_s.at[i + 2]], rows0, gsem0)

        pltpu.sync_copy(rows1, acc.at[idx_d.at[i + 1]], add=True)

    plsc.subcore_barrier()

    @pl.loop(0, ROW_CHUNKS_PER_SUBCORE)
    def _(z):
      c = z * NUM_SUBCORES + sid

      @pl.when(c < NUM_ROW_CHUNKS)
      def _():
        pltpu.sync_copy(
            acc.at[pl.ds(c * ROW_CHUNK, ROW_CHUNK)],
            out_hbm.at[cid].at[pl.ds(c * ROW_CHUNK, ROW_CHUNK)],
        )

  return agg_kernel(rows_hbm, src, dst)


_BLK = 1000
_GRID = N // _BLK


def _tc_matmul(x, w):
  def body(x_ref, w_ref, o_ref):
    o_ref[...] = jnp.dot(x_ref[...], w_ref[...],
                         preferred_element_type=jnp.float32)

  return pl.pallas_call(
      body,
      grid=(_GRID,),
      in_specs=[
          pl.BlockSpec((_BLK, D), lambda i: (i, 0)),
          pl.BlockSpec((D, D), lambda i: (0, 0)),
      ],
      out_specs=pl.BlockSpec((_BLK, D), lambda i: (i, 0)),
      out_shape=jax.ShapeDtypeStruct((N, D), jnp.float32),
  )(x, w)


def _dinv_from_deg(degp_ref):
  deg = degp_ref[0, :, 0:1] + degp_ref[1, :, 0:1] + 1.0
  return lax.rsqrt(deg)


def _tc_scale(h, degp):
  def body(h_ref, degp_ref, o_ref):
    o_ref[...] = h_ref[...] * _dinv_from_deg(degp_ref)

  return pl.pallas_call(
      body,
      grid=(_GRID,),
      in_specs=[
          pl.BlockSpec((_BLK, D), lambda i: (i, 0)),
          pl.BlockSpec((NUM_CORES, _BLK, DEG_W), lambda i: (0, i, 0)),
      ],
      out_specs=pl.BlockSpec((_BLK, D), lambda i: (i, 0)),
      out_shape=jax.ShapeDtypeStruct((N, D), jnp.float32),
  )(h, degp)


def _tc_epilogue_mm(accp, hs, degp, b, w):
  def body(accp_ref, hs_ref, degp_ref, b_ref, w_ref, o_ref):
    dinv = _dinv_from_deg(degp_ref)
    t = dinv * (accp_ref[0] + accp_ref[1] + hs_ref[...]) + b_ref[...]
    t = jnp.maximum(t, 0.0)
    o_ref[...] = jnp.dot(t, w_ref[...],
                         preferred_element_type=jnp.float32) * dinv

  return pl.pallas_call(
      body,
      grid=(_GRID,),
      in_specs=[
          pl.BlockSpec((NUM_CORES, _BLK, D), lambda i: (0, i, 0)),
          pl.BlockSpec((_BLK, D), lambda i: (i, 0)),
          pl.BlockSpec((NUM_CORES, _BLK, DEG_W), lambda i: (0, i, 0)),
          pl.BlockSpec((1, D), lambda i: (0, 0)),
          pl.BlockSpec((D, D), lambda i: (0, 0)),
      ],
      out_specs=pl.BlockSpec((_BLK, D), lambda i: (i, 0)),
      out_shape=jax.ShapeDtypeStruct((N, D), jnp.float32),
  )(accp, hs, degp, b, w)


def _tc_epilogue(accp, hs, degp, b):
  def body(accp_ref, hs_ref, degp_ref, b_ref, o_ref):
    dinv = _dinv_from_deg(degp_ref)
    t = dinv * (accp_ref[0] + accp_ref[1] + hs_ref[...]) + b_ref[...]
    o_ref[...] = jnp.maximum(t, 0.0)

  return pl.pallas_call(
      body,
      grid=(_GRID,),
      in_specs=[
          pl.BlockSpec((NUM_CORES, _BLK, D), lambda i: (0, i, 0)),
          pl.BlockSpec((_BLK, D), lambda i: (i, 0)),
          pl.BlockSpec((NUM_CORES, _BLK, DEG_W), lambda i: (0, i, 0)),
          pl.BlockSpec((1, D), lambda i: (0, 0)),
      ],
      out_specs=pl.BlockSpec((_BLK, D), lambda i: (i, 0)),
      out_shape=jax.ShapeDtypeStruct((N, D), jnp.float32),
  )(accp, hs, degp, b)


def kernel(x, edge_index, W1, b1, W2, b2):
  src_i = edge_index[0].astype(jnp.int32)
  dst_i = edge_index[1].astype(jnp.int32)
  dst = dst_i.reshape(IDX_ROWS, CHUNK)
  src_a = src_i.reshape(NUM_WORKERS, A_CHUNKS, A_CHUNK)
  dst_a = dst_i.reshape(NUM_WORKERS, A_CHUNKS, A_CHUNK)
  b1r = b1.reshape(1, D)
  b2r = b2.reshape(1, D)

  degp = _sc_degree(dst)
  h1 = _tc_matmul(x, W1)

  hs1 = _tc_scale(h1, degp)
  acc1 = _sc_aggregate(hs1, src_a, dst_a)
  hs2 = _tc_epilogue_mm(acc1, hs1, degp, b1r, W2)
  acc2 = _sc_aggregate(hs2, src_a, dst_a)
  return _tc_epilogue(acc2, hs2, degp, b2r)

# --- scband reference (transcript-rebuilt; emitter-appended) ---
"""Pipeline reference for scband-gcnencoder-13271448945348 (READ-ONLY COPY).

The authoritative reference and input builder live on the scoring server;
editing this copy changes nothing except your own understanding.
"""

import jax, jax.numpy as jnp
import numpy as np

N = 10000
E = 320000
D_IN = 128
HIDDEN = 128


def setup_inputs(seed: int = 0) -> dict:
    key = jax.random.key(seed)
    k1, k2, k3, k4, k5, k6 = jax.random.split(key, 6)
    x = jax.random.normal(k1, (N, D_IN), dtype=jnp.float32)
    edge_index = jax.random.randint(k2, (2, E), 0, N)
    # GCNConv parameters (2 layers): glorot-ish init
    s1 = float(np.sqrt(2.0 / (D_IN + HIDDEN)))
    s2 = float(np.sqrt(2.0 / (HIDDEN + HIDDEN)))
    W1 = jax.random.normal(k3, (D_IN, HIDDEN), dtype=jnp.float32) * s1
    b1 = jnp.zeros((HIDDEN,), dtype=jnp.float32)
    W2 = jax.random.normal(k4, (HIDDEN, HIDDEN), dtype=jnp.float32) * s2
    b2 = jnp.zeros((HIDDEN,), dtype=jnp.float32)
    return {"x": x, "edge_index": edge_index, "W1": W1, "b1": b1, "W2": W2, "b2": b2}


def _gcn_conv(x, src, dst, norm, W, b):
    # PyG GCNConv: linear transform first, then normalized scatter-add aggregation
    h = x @ W
    msg = h[src] * norm[:, None]
    out = jnp.zeros((x.shape[0], h.shape[1]), dtype=h.dtype).at[dst].add(msg)
    return out + b


def reference(x, edge_index, W1, b1, W2, b2):
    n = x.shape[0]
    self_loops = jnp.arange(n, dtype=edge_index.dtype)
    src = jnp.concatenate([edge_index[0], self_loops])
    dst = jnp.concatenate([edge_index[1], self_loops])
    # symmetric normalization D^{-1/2} (A+I) D^{-1/2}
    deg = jnp.zeros((n,), dtype=x.dtype).at[dst].add(1.0)
    dinv = jnp.where(deg > 0, deg ** -0.5, 0.0)
    norm = dinv[src] * dinv[dst]
    # layer 1 + relu (dropout p=0.0 / eval mode -> identity)
    h = jax.nn.relu(_gcn_conv(x, src, dst, norm, W1, b1))
    # layer 2 + relu
    h = jax.nn.relu(_gcn_conv(h, src, dst, norm, W2, b2))
    return h

if __name__ == "__main__":
    import jax
    _d = setup_inputs()
    print(jax.jit(kernel)(*tuple(_d.values())))

</pallas_src>

<mosaic_0001>
#map = affine_map<(d0, d1) -> (0, 0)>
#map1 = affine_map<(d0, d1) -> (0, 0, 0)>
module attributes {stable_mosaic.version = 14 : i64} {
  func.func @deg_kernel(%arg0: i32, %arg1: i32, %arg2: memref<2560x125xi32, #tpu.memory_space<hbm>>, %arg3: memref<2x10000x128xf32, #tpu.memory_space<hbm>>, %arg4: memref<80x125xi32, #tpu.memory_space<vmem>>, %arg5: memref<125x128xf32, #tpu.memory_space<vmem>>, %arg6: memref<80x128xf32, #tpu.memory_space<vmem>>, %arg7: memref<10000x128xf32, #tpu.memory_space<vmem_shared>>, %arg8: memref<!tpu.dma_semaphore, #tpu.memory_space<semaphore_mem>>) attributes {dimension_semantics = [#tpu.dimension_semantics<core_parallel>, #tpu.dimension_semantics<subcore_parallel>], iteration_bounds = array<i64: 2, 16>, scalar_prefetch = 0 : i64, scratch_operands = 5 : i64, tpu.core_type = #tpu.core_type<sc_vector_subcore>, window_params = [{transform_indices = #map}, {transform_indices = #map1}]} {
    %mul3A = arith.constant 1280 : i32
    %mul3A_0 = arith.muli %arg0, %mul3A : i32
    %mul3A_1 = arith.constant 80 : i32
    %mul3A_2 = arith.muli %arg1, %mul3A_1 : i32
    %add3A = arith.addi %mul3A_0, %mul3A_2 : i32
    "tpu.region"() ({
      %run_scoped3A = tpu.sem_alloc : memref<!tpu.dma_semaphore, #tpu.memory_space<semaphore_mem>>
      %dma_start3A = arith.constant 0 : i32
      %dma_start3A_28 = tpu.memref_slice %arg2[%add3A, %dma_start3A] : memref<2560x125xi32, #tpu.memory_space<hbm>> -> memref<80x125xi32, #tpu.memory_space<hbm>>
      %dma_start3A_29 = arith.constant 0 : i32
      %dma_start3A_30 = tpu.memref_slice %arg2[%add3A, %dma_start3A_29] : memref<2560x125xi32, #tpu.memory_space<hbm>> -> memref<80x125xi32, #tpu.memory_space<hbm>>
      tpu.enqueue_dma source(%dma_start3A_30 : memref<80x125xi32, #tpu.memory_space<hbm>>) target(%arg4 : memref<80x125xi32, #tpu.memory_space<vmem>>) target_semaphore(%run_scoped3A : memref<!tpu.dma_semaphore, #tpu.memory_space<semaphore_mem>>)
      %dma_wait3A = arith.constant 0 : i32
      %dma_wait3A_31 = tpu.memref_slice %arg2[%add3A, %dma_wait3A] : memref<2560x125xi32, #tpu.memory_space<hbm>> -> memref<80x125xi32, #tpu.memory_space<hbm>>
      %dma_wait3A_32 = arith.constant 0 : i32
      %dma_wait3A_33 = tpu.memref_slice %arg2[%add3A, %dma_wait3A_32] : memref<2560x125xi32, #tpu.memory_space<hbm>> -> memref<80x125xi32, #tpu.memory_space<hbm>>
      tpu.wait_dma2 semaphore(%run_scoped3A : memref<!tpu.dma_semaphore, #tpu.memory_space<semaphore_mem>>) src(%dma_wait3A_33 : memref<80x125xi32, #tpu.memory_space<hbm>>) dst(%arg4 : memref<80x125xi32, #tpu.memory_space<vmem>>)
      tpu.yield
    }) : () -> ()
    %scan3A = arith.constant 0 : i32
    %scan3A_3 = arith.constant 125 : i32
    %scan3A_4 = arith.addi %scan3A, %scan3A_3 : i32
    %scan3A_5 = arith.constant 1 : i32
    scf.for %scan3A_28 = %scan3A to %scan3A_4 step %scan3A_5  : i32 {
      %mul3A_29 = arith.constant 1 : i32
      %mul3A_30 = arith.muli %scan3A_28, %mul3A_29 : i32
      %add3A_31 = arith.constant 0 : i32
      %add3A_32 = arith.addi %add3A_31, %mul3A_30 : i32
      %scan3A_33 = arith.constant 0 : i32
      %scan3A_34 = arith.constant 8 : i32
      %scan3A_35 = arith.addi %scan3A_33, %scan3A_34 : i32
      %scan3A_36 = arith.constant 1 : i32
      scf.for %scan3A_38 = %scan3A_33 to %scan3A_35 step %scan3A_36  : i32 {
        %mul3A_39 = arith.constant 16 : i32
        %mul3A_40 = arith.muli %scan3A_38, %mul3A_39 : i32
        %add3A_41 = arith.constant 0 : i32
        %add3A_42 = arith.addi %add3A_41, %mul3A_40 : i32
        %broadcast_in_dim3A = arith.constant 1.000000e+00 : f32
        %broadcast_in_dim3A_43 = vector.broadcast %broadcast_in_dim3A : f32 to vector<16xf32>
        %swap3A = arith.index_cast %add3A_32 : i32 to index
        %swap3A_44 = arith.index_cast %add3A_42 : i32 to index
        %swap3A_45 = tpu.vector_load %arg5[%swap3A, %swap3A_44] {strides = array<i32>} : memref<125x128xf32, #tpu.memory_space<vmem>>, vector<1x16xf32>,
        %swap3A_46 = vector.shape_cast %swap3A_45 : vector<1x16xf32> to vector<16xf32>
        %swap3A_47 = vector.shape_cast %broadcast_in_dim3A_43 : vector<16xf32> to vector<1x16xf32>
        tpu.vector_store %arg5[%swap3A, %swap3A_44], %swap3A_47 {strides = array<i32>} : memref<125x128xf32, #tpu.memory_space<vmem>>, vector<1x16xf32>,
      }
      %scan3A_37 = arith.constant 8 : i32
    }
    %scan3A_6 = arith.constant 125 : i32
    %scan3A_7 = arith.constant 0 : i32
    %scan3A_8 = arith.constant 80 : i32
    %scan3A_9 = arith.addi %scan3A_7, %scan3A_8 : i32
    %scan3A_10 = arith.constant 1 : i32
    scf.for %scan3A_28 = %scan3A_7 to %scan3A_9 step %scan3A_10  : i32 {
      %mul3A_29 = arith.constant 1 : i32
      %mul3A_30 = arith.muli %scan3A_28, %mul3A_29 : i32
      %add3A_31 = arith.constant 0 : i32
      %add3A_32 = arith.addi %add3A_31, %mul3A_30 : i32
      %scan3A_33 = arith.constant 0 : i32
      %scan3A_34 = arith.constant 8 : i32
      %scan3A_35 = arith.addi %scan3A_33, %scan3A_34 : i32
      %scan3A_36 = arith.constant 1 : i32
      scf.for %scan3A_38 = %scan3A_33 to %scan3A_35 step %scan3A_36  : i32 {
        %mul3A_39 = arith.constant 16 : i32
        %mul3A_40 = arith.muli %scan3A_38, %mul3A_39 : i32
        %add3A_41 = arith.constant 0 : i32
        %add3A_42 = arith.addi %add3A_41, %mul3A_40 : i32
        %broadcast_in_dim3A = arith.constant 0.000000e+00 : f32
        %broadcast_in_dim3A_43 = vector.broadcast %broadcast_in_dim3A : f32 to vector<16xf32>
        %swap3A = arith.index_cast %add3A_32 : i32 to index
        %swap3A_44 = arith.index_cast %add3A_42 : i32 to index
        %swap3A_45 = tpu.vector_load %arg6[%swap3A, %swap3A_44] {strides = array<i32>} : memref<80x128xf32, #tpu.memory_space<vmem>>, vector<1x16xf32>,
        %swap3A_46 = vector.shape_cast %swap3A_45 : vector<1x16xf32> to vector<16xf32>
        %swap3A_47 = vector.shape_cast %broadcast_in_dim3A_43 : vector<16xf32> to vector<1x16xf32>
        tpu.vector_store %arg6[%swap3A, %swap3A_44], %swap3A_47 {strides = array<i32>} : memref<80x128xf32, #tpu.memory_space<vmem>>, vector<1x16xf32>,
      }
      %scan3A_37 = arith.constant 8 : i32
    }
    %scan3A_11 = arith.constant 80 : i32
    %scan3A_12 = arith.constant 0 : i32
    %scan3A_13 = arith.constant 8 : i32
    %scan3A_14 = arith.addi %scan3A_12, %scan3A_13 : i32
    %scan3A_15 = arith.constant 1 : i32
    scf.for %scan3A_28 = %scan3A_12 to %scan3A_14 step %scan3A_15  : i32 {
      %mul3A_29 = arith.constant 1 : i32
      %mul3A_30 = arith.muli %scan3A_28, %mul3A_29 : i32
      %add3A_31 = arith.constant 0 : i32
      %add3A_32 = arith.addi %add3A_31, %mul3A_30 : i32
      %mul3A_33 = arith.constant 16 : i32
      %mul3A_34 = arith.muli %add3A_32, %mul3A_33 : i32
      %add3A_35 = arith.addi %mul3A_34, %arg1 : i32
      %lt3A = arith.constant 125 : i32
      %lt3A_36 = arith.cmpi slt, %add3A_35, %lt3A : i32
      %convert_element_type3A = arith.extui %lt3A_36 : i1 to i32
      %cond3A = arith.constant 0 : i32
      %cond3A_37 = arith.cmpi ne, %convert_element_type3A, %cond3A : i32
      scf.if %cond3A_37 {
        %mul3A_38 = arith.constant 80 : i32
        %mul3A_39 = arith.muli %add3A_35, %mul3A_38 : i32
        "tpu.region"() ({
          %run_scoped3A = tpu.sem_alloc : memref<!tpu.dma_semaphore, #tpu.memory_space<semaphore_mem>>
          %dma_start3A = arith.constant 0 : i32
          %dma_start3A_40 = tpu.memref_slice %arg7[%mul3A_39, %dma_start3A] : memref<10000x128xf32, #tpu.memory_space<vmem_shared>> -> memref<80x128xf32, #tpu.memory_space<vmem_shared>>
          %dma_start3A_41 = arith.constant 0 : i32
          %dma_start3A_42 = tpu.memref_slice %arg7[%mul3A_39, %dma_start3A_41] : memref<10000x128xf32, #tpu.memory_space<vmem_shared>> -> memref<80x128xf32, #tpu.memory_space<vmem_shared>>
          tpu.enqueue_dma source(%arg6 : memref<80x128xf32, #tpu.memory_space<vmem>>) target(%dma_start3A_42 : memref<80x128xf32, #tpu.memory_space<vmem_shared>>) target_semaphore(%run_scoped3A : memref<!tpu.dma_semaphore, #tpu.memory_space<semaphore_mem>>)
          %dma_wait3A = arith.constant 0 : i32
          %dma_wait3A_43 = tpu.memref_slice %arg7[%mul3A_39, %dma_wait3A] : memref<10000x128xf32, #tpu.memory_space<vmem_shared>> -> memref<80x128xf32, #tpu.memory_space<vmem_shared>>
          %dma_wait3A_44 = arith.constant 0 : i32
          %dma_wait3A_45 = tpu.memref_slice %arg7[%mul3A_39, %dma_wait3A_44] : memref<10000x128xf32, #tpu.memory_space<vmem_shared>> -> memref<80x128xf32, #tpu.memory_space<vmem_shared>>
          tpu.wait_dma2 semaphore(%run_scoped3A : memref<!tpu.dma_semaphore, #tpu.memory_space<semaphore_mem>>) src(%arg6 : memref<80x128xf32, #tpu.memory_space<vmem>>) dst(%dma_wait3A_45 : memref<80x128xf32, #tpu.memory_space<vmem_shared>>)
          tpu.yield
        }) : () -> ()
      } else {
      }
    }
    %scan3A_16 = arith.constant 8 : i32
    %barrier3A = arith.constant 0 : index
    tpu.barrier barrier_id(%barrier3A)
    %scan3A_17 = arith.constant 0 : i32
    %scan3A_18 = arith.constant 80 : i32
    %scan3A_19 = arith.addi %scan3A_17, %scan3A_18 : i32
    %scan3A_20 = arith.constant 1 : i32
    scf.for %scan3A_28 = %scan3A_17 to %scan3A_19 step %scan3A_20  : i32 {
      %mul3A_29 = arith.constant 1 : i32
      %mul3A_30 = arith.muli %scan3A_28, %mul3A_29 : i32
      %add3A_31 = arith.constant 0 : i32
      %add3A_32 = arith.addi %add3A_31, %mul3A_30 : i32
      "tpu.region"() ({
        %run_scoped3A = tpu.sem_alloc : memref<!tpu.dma_semaphore, #tpu.memory_space<semaphore_mem>>
        %dma_start3A = arith.constant 0 : i32
        %dma_start3A_33 = tpu.memref_slice %arg4[%add3A_32, %dma_start3A] : memref<80x125xi32, #tpu.memory_space<vmem>> -> memref<1x125xi32, #tpu.memory_space<vmem>>
        %dma_start3A_34 = tpu.memref_squeeze %dma_start3A_33 : memref<1x125xi32, #tpu.memory_space<vmem>> -> memref<125xi32, #tpu.memory_space<vmem>>
        %dma_start3A_35 = arith.constant 0 : i32
        %dma_start3A_36 = arith.constant 0 : i32
        %dma_start3A_37 = tpu.memref_slice %arg7[%dma_start3A_35, %dma_start3A_36] : memref<10000x128xf32, #tpu.memory_space<vmem_shared>> -> memref<10000x128xf32, #tpu.memory_space<vmem_shared>>
        tpu.enqueue_indirect_dma source(%arg5 : memref<125x128xf32, #tpu.memory_space<vmem>>) target(%dma_start3A_37 : memref<10000x128xf32, #tpu.memory_space<vmem_shared>>) offsets(%dma_start3A_34 : memref<125xi32, #tpu.memory_space<vmem>>) semaphore(%run_scoped3A : memref<!tpu.dma_semaphore, #tpu.memory_space<semaphore_mem>>) {add = true}
        %dma_wait3A = arith.constant 0 : i32
        %dma_wait3A_38 = tpu.memref_slice %arg4[%add3A_32, %dma_wait3A] : memref<80x125xi32, #tpu.memory_space<vmem>> -> memref<1x125xi32, #tpu.memory_space<vmem>>
        %dma_wait3A_39 = tpu.memref_squeeze %dma_wait3A_38 : memref<1x125xi32, #tpu.memory_space<vmem>> -> memref<125xi32, #tpu.memory_space<vmem>>
        %dma_wait3A_40 = arith.constant 0 : i32
        %dma_wait3A_41 = arith.constant 0 : i32
        %dma_wait3A_42 = tpu.memref_slice %arg7[%dma_wait3A_40, %dma_wait3A_41] : memref<10000x128xf32, #tpu.memory_space<vmem_shared>> -> memref<10000x128xf32, #tpu.memory_space<vmem_shared>>
        tpu.wait_indirect_dma semaphore(%run_scoped3A : memref<!tpu.dma_semaphore, #tpu.memory_space<semaphore_mem>>) src(%arg5 : memref<125x128xf32, #tpu.memory_space<vmem>>) dst(%dma_wait3A_42 : memref<10000x128xf32, #tpu.memory_space<vmem_shared>>)
        tpu.yield
      }) : () -> ()
    }
    %scan3A_21 = arith.constant 80 : i32
    %barrier3A_22 = arith.constant 0 : index
    tpu.barrier barrier_id(%barrier3A_22)
    %scan3A_23 = arith.constant 0 : i32
    %scan3A_24 = arith.constant 8 : i32
    %scan3A_25 = arith.addi %scan3A_23, %scan3A_24 : i32
    %scan3A_26 = arith.constant 1 : i32
    scf.for %scan3A_28 = %scan3A_23 to %scan3A_25 step %scan3A_26  : i32 {
      %mul3A_29 = arith.constant 1 : i32
      %mul3A_30 = arith.muli %scan3A_28, %mul3A_29 : i32
      %add3A_31 = arith.constant 0 : i32
      %add3A_32 = arith.addi %add3A_31, %mul3A_30 : i32
      %mul3A_33 = arith.constant 16 : i32
      %mul3A_34 = arith.muli %add3A_32, %mul3A_33 : i32
      %add3A_35 = arith.addi %mul3A_34, %arg1 : i32
      %lt3A = arith.constant 125 : i32
      %lt3A_36 = arith.cmpi slt, %add3A_35, %lt3A : i32
      %convert_element_type3A = arith.extui %lt3A_36 : i1 to i32
      %cond3A = arith.constant 0 : i32
      %cond3A_37 = arith.cmpi ne, %convert_element_type3A, %cond3A : i32
      scf.if %cond3A_37 {
        %mul3A_38 = arith.constant 80 : i32
        %mul3A_39 = arith.muli %add3A_35, %mul3A_38 : i32
        %mul3A_40 = arith.constant 80 : i32
        %mul3A_41 = arith.muli %add3A_35, %mul3A_40 : i32
        "tpu.region"() ({
          %run_scoped3A = tpu.sem_alloc : memref<!tpu.dma_semaphore, #tpu.memory_space<semaphore_mem>>
          %dma_start3A = arith.constant 0 : i32
          %dma_start3A_42 = arith.constant 0 : i32
          %dma_start3A_43 = tpu.memref_slice %arg3[%arg0, %dma_start3A, %dma_start3A_42] : memref<2x10000x128xf32, #tpu.memory_space<hbm>> -> memref<1x10000x128xf32, #tpu.memory_space<hbm>>
          %dma_start3A_44 = tpu.memref_squeeze %dma_start3A_43 : memref<1x10000x128xf32, #tpu.memory_space<hbm>> -> memref<10000x128xf32, #tpu.memory_space<hbm>>
          %dma_start3A_45 = arith.constant 0 : i32
          %dma_start3A_46 = tpu.memref_slice %dma_start3A_44[%mul3A_41, %dma_start3A_45] : memref<10000x128xf32, #tpu.memory_space<hbm>> -> memref<80x128xf32, #tpu.memory_space<hbm>>
          %dma_start3A_47 = arith.constant 0 : i32
          %dma_start3A_48 = tpu.memref_slice %arg7[%mul3A_39, %dma_start3A_47] : memref<10000x128xf32, #tpu.memory_space<vmem_shared>> -> memref<80x128xf32, #tpu.memory_space<vmem_shared>>
          tpu.enqueue_dma source(%dma_start3A_48 : memref<80x128xf32, #tpu.memory_space<vmem_shared>>) target(%dma_start3A_46 : memref<80x128xf32, #tpu.memory_space<hbm>>) target_semaphore(%run_scoped3A : memref<!tpu.dma_semaphore, #tpu.memory_space<semaphore_mem>>)
          %dma_wait3A = arith.constant 0 : i32
          %dma_wait3A_49 = arith.constant 0 : i32
          %dma_wait3A_50 = tpu.memref_slice %arg3[%arg0, %dma_wait3A, %dma_wait3A_49] : memref<2x10000x128xf32, #tpu.memory_space<hbm>> -> memref<1x10000x128xf32, #tpu.memory_space<hbm>>
          %dma_wait3A_51 = tpu.memref_squeeze %dma_wait3A_50 : memref<1x10000x128xf32, #tpu.memory_space<hbm>> -> memref<10000x128xf32, #tpu.memory_space<hbm>>
          %dma_wait3A_52 = arith.constant 0 : i32
          %dma_wait3A_53 = tpu.memref_slice %dma_wait3A_51[%mul3A_41, %dma_wait3A_52] : memref<10000x128xf32, #tpu.memory_space<hbm>> -> memref<80x128xf32, #tpu.memory_space<hbm>>
          %dma_wait3A_54 = arith.constant 0 : i32
          %dma_wait3A_55 = tpu.memref_slice %arg7[%mul3A_39, %dma_wait3A_54] : memref<10000x128xf32, #tpu.memory_space<vmem_shared>> -> memref<80x128xf32, #tpu.memory_space<vmem_shared>>
          tpu.wait_dma2 semaphore(%run_scoped3A : memref<!tpu.dma_semaphore, #tpu.memory_space<semaphore_mem>>) src(%dma_wait3A_55 : memref<80x128xf32, #tpu.memory_space<vmem_shared>>) dst(%dma_wait3A_53 : memref<80x128xf32, #tpu.memory_space<hbm>>)
          tpu.yield
        }) : () -> ()
      } else {
      }
    }
    %scan3A_27 = arith.constant 8 : i32
    return
  }
}

#map = affine_map<(d0, d1) -> (0, 0)>
#map1 = affine_map<(d0, d1) -> (0, 0, 0)>
module attributes {stable_mosaic.version = 14 : i64} {
  func.func @agg_kernel(%arg0: i32, %arg1: i32, %arg2: memref<10000x128xf32, #tpu.memory_space<hbm>>, %arg3: memref<32x80x125xi32, #tpu.memory_space<hbm>>, %arg4: memref<32x80x125xi32, #tpu.memory_space<hbm>>, %arg5: memref<2x10000x128xf32, #tpu.memory_space<hbm>>, %arg6: memref<40x125xi32, #tpu.memory_space<vmem>>, %arg7: memref<40x125xi32, #tpu.memory_space<vmem>>, %arg8: memref<125x128xf32, #tpu.memory_space<vmem>>, %arg9: memref<125x128xf32, #tpu.memory_space<vmem>>, %arg10: memref<10000x128xf32, #tpu.memory_space<vmem_shared>>, %arg11: memref<!tpu.dma_semaphore, #tpu.memory_space<semaphore_mem>>, %arg12: memref<!tpu.dma_semaphore, #tpu.memory_space<semaphore_mem>>) attributes {dimension_semantics = [#tpu.dimension_semantics<core_parallel>, #tpu.dimension_semantics<subcore_parallel>], iteration_bounds = array<i64: 2, 16>, scalar_prefetch = 0 : i64, scratch_operands = 7 : i64, tpu.core_type = #tpu.core_type<sc_vector_subcore>, window_params = [{transform_indices = #map}, {transform_indices = #map1}, {transform_indices = #map1}, {transform_indices = #map1}]} {
    %mul3A = arith.constant 16 : i32
    %mul3A_0 = arith.muli %arg0, %mul3A : i32
    %add3A = arith.addi %mul3A_0, %arg1 : i32
    %scan3A = arith.constant 0 : i32
    %scan3A_1 = arith.constant 80 : i32
    %scan3A_2 = arith.addi %scan3A, %scan3A_1 : i32
    %scan3A_3 = arith.constant 1 : i32
    scf.for %scan3A_39 = %scan3A to %scan3A_2 step %scan3A_3  : i32 {
      %mul3A_40 = arith.constant 1 : i32
      %mul3A_41 = arith.muli %scan3A_39, %mul3A_40 : i32
      %add3A_42 = arith.constant 0 : i32
      %add3A_43 = arith.addi %add3A_42, %mul3A_41 : i32
      %scan3A_44 = arith.constant 0 : i32
      %scan3A_45 = arith.constant 8 : i32
      %scan3A_46 = arith.addi %scan3A_44, %scan3A_45 : i32
      %scan3A_47 = arith.constant 1 : i32
      scf.for %scan3A_49 = %scan3A_44 to %scan3A_46 step %scan3A_47  : i32 {
        %mul3A_50 = arith.constant 16 : i32
        %mul3A_51 = arith.muli %scan3A_49, %mul3A_50 : i32
        %add3A_52 = arith.constant 0 : i32
        %add3A_53 = arith.addi %add3A_52, %mul3A_51 : i32
        %broadcast_in_dim3A = arith.constant 0.000000e+00 : f32
        %broadcast_in_dim3A_54 = vector.broadcast %broadcast_in_dim3A : f32 to vector<16xf32>
        %swap3A = arith.index_cast %add3A_43 : i32 to index
        %swap3A_55 = arith.index_cast %add3A_53 : i32 to index
        %swap3A_56 = tpu.vector_load %arg8[%swap3A, %swap3A_55] {strides = array<i32>} : memref<125x128xf32, #tpu.memory_space<vmem>>, vector<1x16xf32>,
        %swap3A_57 = vector.shape_cast %swap3A_56 : vector<1x16xf32> to vector<16xf32>
        %swap3A_58 = vector.shape_cast %broadcast_in_dim3A_54 : vector<16xf32> to vector<1x16xf32>
        tpu.vector_store %arg8[%swap3A, %swap3A_55], %swap3A_58 {strides = array<i32>} : memref<125x128xf32, #tpu.memory_space<vmem>>, vector<1x16xf32>,
      }
      %scan3A_48 = arith.constant 8 : i32
    }
    %scan3A_4 = arith.constant 80 : i32
    %scan3A_5 = arith.constant 0 : i32
    %scan3A_6 = arith.constant 8 : i32
    %scan3A_7 = arith.addi %scan3A_5, %scan3A_6 : i32
    %scan3A_8 = arith.constant 1 : i32
    scf.for %scan3A_39 = %scan3A_5 to %scan3A_7 step %scan3A_8  : i32 {
      %mul3A_40 = arith.constant 1 : i32
      %mul3A_41 = arith.muli %scan3A_39, %mul3A_40 : i32
      %add3A_42 = arith.constant 0 : i32
      %add3A_43 = arith.addi %add3A_42, %mul3A_41 : i32
      %mul3A_44 = arith.constant 16 : i32
      %mul3A_45 = arith.muli %add3A_43, %mul3A_44 : i32
      %add3A_46 = arith.addi %mul3A_45, %arg1 : i32
      %lt3A = arith.constant 125 : i32
      %lt3A_47 = arith.cmpi slt, %add3A_46, %lt3A : i32
      %convert_element_type3A = arith.extui %lt3A_47 : i1 to i32
      %cond3A = arith.constant 0 : i32
      %cond3A_48 = arith.cmpi ne, %convert_element_type3A, %cond3A : i32
      scf.if %cond3A_48 {
        %mul3A_49 = arith.constant 80 : i32
        %mul3A_50 = arith.muli %add3A_46, %mul3A_49 : i32
        "tpu.region"() ({
          %run_scoped3A = tpu.sem_alloc : memref<!tpu.dma_semaphore, #tpu.memory_space<semaphore_mem>>
          %dma_start3A_51 = arith.constant 0 : i32
          %dma_start3A_52 = arith.constant 0 : i32
          %dma_start3A_53 = tpu.memref_slice %arg8[%dma_start3A_51, %dma_start3A_52] : memref<125x128xf32, #tpu.memory_space<vmem>> -> memref<80x128xf32, #tpu.memory_space<vmem>>
          %dma_start3A_54 = arith.constant 0 : i32
          %dma_start3A_55 = tpu.memref_slice %arg10[%mul3A_50, %dma_start3A_54] : memref<10000x128xf32, #tpu.memory_space<vmem_shared>> -> memref<80x128xf32, #tpu.memory_space<vmem_shared>>
          %dma_start3A_56 = arith.constant 0 : i32
          %dma_start3A_57 = tpu.memref_slice %arg10[%mul3A_50, %dma_start3A_56] : memref<10000x128xf32, #tpu.memory_space<vmem_shared>> -> memref<80x128xf32, #tpu.memory_space<vmem_shared>>
          %dma_start3A_58 = arith.constant 0 : i32
          %dma_start3A_59 = arith.constant 0 : i32
          %dma_start3A_60 = tpu.memref_slice %arg8[%dma_start3A_58, %dma_start3A_59] : memref<125x128xf32, #tpu.memory_space<vmem>> -> memref<80x128xf32, #tpu.memory_space<vmem>>
          tpu.enqueue_dma source(%dma_start3A_60 : memref<80x128xf32, #tpu.memory_space<vmem>>) target(%dma_start3A_57 : memref<80x128xf32, #tpu.memory_space<vmem_shared>>) target_semaphore(%run_scoped3A : memref<!tpu.dma_semaphore, #tpu.memory_space<semaphore_mem>>)
          %dma_wait3A = arith.constant 0 : i32
          %dma_wait3A_61 = arith.constant 0 : i32
          %dma_wait3A_62 = tpu.memref_slice %arg8[%dma_wait3A, %dma_wait3A_61] : memref<125x128xf32, #tpu.memory_space<vmem>> -> memref<80x128xf32, #tpu.memory_space<vmem>>
          %dma_wait3A_63 = arith.constant 0 : i32
          %dma_wait3A_64 = tpu.memref_slice %arg10[%mul3A_50, %dma_wait3A_63] : memref<10000x128xf32, #tpu.memory_space<vmem_shared>> -> memref<80x128xf32, #tpu.memory_space<vmem_shared>>
          %dma_wait3A_65 = arith.constant 0 : i32
          %dma_wait3A_66 = tpu.memref_slice %arg10[%mul3A_50, %dma_wait3A_65] : memref<10000x128xf32, #tpu.memory_space<vmem_shared>> -> memref<80x128xf32, #tpu.memory_space<vmem_shared>>
          %dma_wait3A_67 = arith.constant 0 : i32
          %dma_wait3A_68 = arith.constant 0 : i32
          %dma_wait3A_69 = tpu.memref_slice %arg8[%dma_wait3A_67, %dma_wait3A_68] : memref<125x128xf32, #tpu.memory_space<vmem>> -> memref<80x128xf32, #tpu.memory_space<vmem>>
          tpu.wait_dma2 semaphore(%run_scoped3A : memref<!tpu.dma_semaphore, #tpu.memory_space<semaphore_mem>>) src(%dma_wait3A_69 : memref<80x128xf32, #tpu.memory_space<vmem>>) dst(%dma_wait3A_66 : memref<80x128xf32, #tpu.memory_space<vmem_shared>>)
          tpu.yield
        }) : () -> ()
      } else {
      }
    }
    %scan3A_9 = arith.constant 8 : i32
    %barrier3A = arith.constant 0 : index
    tpu.barrier barrier_id(%barrier3A)
    "tpu.region"() ({
      %run_scoped3A = tpu.sem_alloc : memref<!tpu.dma_semaphore, #tpu.memory_space<semaphore_mem>>
      %dma_start3A_39 = arith.constant 0 : i32
      %dma_start3A_40 = arith.constant 0 : i32
      %dma_start3A_41 = tpu.memref_slice %arg3[%add3A, %dma_start3A_39, %dma_start3A_40] : memref<32x80x125xi32, #tpu.memory_space<hbm>> -> memref<1x80x125xi32, #tpu.memory_space<hbm>>
      %dma_start3A_42 = tpu.memref_squeeze %dma_start3A_41 : memref<1x80x125xi32, #tpu.memory_space<hbm>> -> memref<80x125xi32, #tpu.memory_space<hbm>>
      %dma_start3A_43 = arith.constant 0 : i32
      %dma_start3A_44 = arith.constant 0 : i32
      %dma_start3A_45 = tpu.memref_slice %dma_start3A_42[%dma_start3A_43, %dma_start3A_44] : memref<80x125xi32, #tpu.memory_space<hbm>> -> memref<40x125xi32, #tpu.memory_space<hbm>>
      %dma_start3A_46 = arith.constant 0 : i32
      %dma_start3A_47 = arith.constant 0 : i32
      %dma_start3A_48 = tpu.memref_slice %arg3[%add3A, %dma_start3A_46, %dma_start3A_47] : memref<32x80x125xi32, #tpu.memory_space<hbm>> -> memref<1x80x125xi32, #tpu.memory_space<hbm>>
      %dma_start3A_49 = tpu.memref_squeeze %dma_start3A_48 : memref<1x80x125xi32, #tpu.memory_space<hbm>> -> memref<80x125xi32, #tpu.memory_space<hbm>>
      %dma_start3A_50 = arith.constant 0 : i32
      %dma_start3A_51 = arith.constant 0 : i32
      %dma_start3A_52 = tpu.memref_slice %dma_start3A_49[%dma_start3A_50, %dma_start3A_51] : memref<80x125xi32, #tpu.memory_space<hbm>> -> memref<40x125xi32, #tpu.memory_space<hbm>>
      tpu.enqueue_dma source(%dma_start3A_52 : memref<40x125xi32, #tpu.memory_space<hbm>>) target(%arg6 : memref<40x125xi32, #tpu.memory_space<vmem>>) target_semaphore(%run_scoped3A : memref<!tpu.dma_semaphore, #tpu.memory_space<semaphore_mem>>)
      %dma_wait3A = arith.constant 0 : i32
      %dma_wait3A_53 = arith.constant 0 : i32
      %dma_wait3A_54 = tpu.memref_slice %arg3[%add3A, %dma_wait3A, %dma_wait3A_53] : memref<32x80x125xi32, #tpu.memory_space<hbm>> -> memref<1x80x125xi32, #tpu.memory_space<hbm>>
      %dma_wait3A_55 = tpu.memref_squeeze %dma_wait3A_54 : memref<1x80x125xi32, #tpu.memory_space<hbm>> -> memref<80x125xi32, #tpu.memory_space<hbm>>
      %dma_wait3A_56 = arith.constant 0 : i32
      %dma_wait3A_57 = arith.constant 0 : i32
      %dma_wait3A_58 = tpu.memref_slice %dma_wait3A_55[%dma_wait3A_56, %dma_wait3A_57] : memref<80x125xi32, #tpu.memory_space<hbm>> -> memref<40x125xi32, #tpu.memory_space<hbm>>
      %dma_wait3A_59 = arith.constant 0 : i32
      %dma_wait3A_60 = arith.constant 0 : i32
      %dma_wait3A_61 = tpu.memref_slice %arg3[%add3A, %dma_wait3A_59, %dma_wait3A_60] : memref<32x80x125xi32, #tpu.memory_space<hbm>> -> memref<1x80x125xi32, #tpu.memory_space<hbm>>
      %dma_wait3A_62 = tpu.memref_squeeze %dma_wait3A_61 : memref<1x80x125xi32, #tpu.memory_space<hbm>> -> memref<80x125xi32, #tpu.memory_space<hbm>>
      %dma_wait3A_63 = arith.constant 0 : i32
      %dma_wait3A_64 = arith.constant 0 : i32
      %dma_wait3A_65 = tpu.memref_slice %dma_wait3A_62[%dma_wait3A_63, %dma_wait3A_64] : memref<80x125xi32, #tpu.memory_space<hbm>> -> memref<40x125xi32, #tpu.memory_space<hbm>>
      tpu.wait_dma2 semaphore(%run_scoped3A : memref<!tpu.dma_semaphore, #tpu.memory_space<semaphore_mem>>) src(%dma_wait3A_65 : memref<40x125xi32, #tpu.memory_space<hbm>>) dst(%arg6 : memref<40x125xi32, #tpu.memory_space<vmem>>)
      tpu.yield
    }) : () -> ()
    "tpu.region"() ({
      %run_scoped3A = tpu.sem_alloc : memref<!tpu.dma_semaphore, #tpu.memory_space<semaphore_mem>>
      %dma_start3A_39 = arith.constant 0 : i32
      %dma_start3A_40 = arith.constant 0 : i32
      %dma_start3A_41 = tpu.memref_slice %arg4[%add3A, %dma_start3A_39, %dma_start3A_40] : memref<32x80x125xi32, #tpu.memory_space<hbm>> -> memref<1x80x125xi32, #tpu.memory_space<hbm>>
      %dma_start3A_42 = tpu.memref_squeeze %dma_start3A_41 : memref<1x80x125xi32, #tpu.memory_space<hbm>> -> memref<80x125xi32, #tpu.memory_space<hbm>>
      %dma_start3A_43 = arith.constant 0 : i32
      %dma_start3A_44 = arith.constant 0 : i32
      %dma_start3A_45 = tpu.memref_slice %dma_start3A_42[%dma_start3A_43, %dma_start3A_44] : memref<80x125xi32, #tpu.memory_space<hbm>> -> memref<40x125xi32, #tpu.memory_space<hbm>>
      %dma_start3A_46 = arith.constant 0 : i32
      %dma_start3A_47 = arith.constant 0 : i32
      %dma_start3A_48 = tpu.memref_slice %arg4[%add3A, %dma_start3A_46, %dma_start3A_47] : memref<32x80x125xi32, #tpu.memory_space<hbm>> -> memref<1x80x125xi32, #tpu.memory_space<hbm>>
      %dma_start3A_49 = tpu.memref_squeeze %dma_start3A_48 : memref<1x80x125xi32, #tpu.memory_space<hbm>> -> memref<80x125xi32, #tpu.memory_space<hbm>>
      %dma_start3A_50 = arith.constant 0 : i32
      %dma_start3A_51 = arith.constant 0 : i32
      %dma_start3A_52 = tpu.memref_slice %dma_start3A_49[%dma_start3A_50, %dma_start3A_51] : memref<80x125xi32, #tpu.memory_space<hbm>> -> memref<40x125xi32, #tpu.memory_space<hbm>>
      tpu.enqueue_dma source(%dma_start3A_52 : memref<40x125xi32, #tpu.memory_space<hbm>>) target(%arg7 : memref<40x125xi32, #tpu.memory_space<vmem>>) target_semaphore(%run_scoped3A : memref<!tpu.dma_semaphore, #tpu.memory_space<semaphore_mem>>)
      %dma_wait3A = arith.constant 0 : i32
      %dma_wait3A_53 = arith.constant 0 : i32
      %dma_wait3A_54 = tpu.memref_slice %arg4[%add3A, %dma_wait3A, %dma_wait3A_53] : memref<32x80x125xi32, #tpu.memory_space<hbm>> -> memref<1x80x125xi32, #tpu.memory_space<hbm>>
      %dma_wait3A_55 = tpu.memref_squeeze %dma_wait3A_54 : memref<1x80x125xi32, #tpu.memory_space<hbm>> -> memref<80x125xi32, #tpu.memory_space<hbm>>
      %dma_wait3A_56 = arith.constant 0 : i32
      %dma_wait3A_57 = arith.constant 0 : i32
      %dma_wait3A_58 = tpu.memref_slice %dma_wait3A_55[%dma_wait3A_56, %dma_wait3A_57] : memref<80x125xi32, #tpu.memory_space<hbm>> -> memref<40x125xi32, #tpu.memory_space<hbm>>
      %dma_wait3A_59 = arith.constant 0 : i32
      %dma_wait3A_60 = arith.constant 0 : i32
      %dma_wait3A_61 = tpu.memref_slice %arg4[%add3A, %dma_wait3A_59, %dma_wait3A_60] : memref<32x80x125xi32, #tpu.memory_space<hbm>> -> memref<1x80x125xi32, #tpu.memory_space<hbm>>
      %dma_wait3A_62 = tpu.memref_squeeze %dma_wait3A_61 : memref<1x80x125xi32, #tpu.memory_space<hbm>> -> memref<80x125xi32, #tpu.memory_space<hbm>>
      %dma_wait3A_63 = arith.constant 0 : i32
      %dma_wait3A_64 = arith.constant 0 : i32
      %dma_wait3A_65 = tpu.memref_slice %dma_wait3A_62[%dma_wait3A_63, %dma_wait3A_64] : memref<80x125xi32, #tpu.memory_space<hbm>> -> memref<40x125xi32, #tpu.memory_space<hbm>>
      tpu.wait_dma2 semaphore(%run_scoped3A : memref<!tpu.dma_semaphore, #tpu.memory_space<semaphore_mem>>) src(%dma_wait3A_65 : memref<40x125xi32, #tpu.memory_space<hbm>>) dst(%arg7 : memref<40x125xi32, #tpu.memory_space<vmem>>)
      tpu.yield
    }) : () -> ()
    %dma_start3A = arith.constant 0 : i32
    %dma_start3A_10 = arith.constant 0 : i32
    %dma_start3A_11 = tpu.memref_slice %arg6[%dma_start3A, %dma_start3A_10] : memref<40x125xi32, #tpu.memory_space<vmem>> -> memref<1x125xi32, #tpu.memory_space<vmem>>
    %dma_start3A_12 = tpu.memref_squeeze %dma_start3A_11 : memref<1x125xi32, #tpu.memory_space<vmem>> -> memref<125xi32, #tpu.memory_space<vmem>>
    %dma_start3A_13 = arith.constant 0 : i32
    %dma_start3A_14 = arith.constant 0 : i32
    %dma_start3A_15 = tpu.memref_slice %arg2[%dma_start3A_13, %dma_start3A_14] : memref<10000x128xf32, #tpu.memory_space<hbm>> -> memref<10000x128xf32, #tpu.memory_space<hbm>>
    tpu.enqueue_indirect_dma source(%dma_start3A_15 : memref<10000x128xf32, #tpu.memory_space<hbm>>) target(%arg8 : memref<125x128xf32, #tpu.memory_space<vmem>>) offsets(%dma_start3A_12 : memref<125xi32, #tpu.memory_space<vmem>>) semaphore(%arg11 : memref<!tpu.dma_semaphore, #tpu.memory_space<semaphore_mem>>)
    %scan3A_16 = arith.constant 0 : i32
    %scan3A_17 = arith.constant 20 : i32
    %scan3A_18 = arith.addi %scan3A_16, %scan3A_17 : i32
    %scan3A_19 = arith.constant 1 : i32
    scf.for %scan3A_39 = %scan3A_16 to %scan3A_18 step %scan3A_19  : i32 {
      %mul3A_40 = arith.constant 2 : i32
      %mul3A_41 = arith.muli %scan3A_39, %mul3A_40 : i32
      %add3A_42 = arith.constant 0 : i32
      %add3A_43 = arith.addi %add3A_42, %mul3A_41 : i32
      %dma_wait3A = arith.constant 0 : i32
      %dma_wait3A_44 = tpu.memref_slice %arg6[%add3A_43, %dma_wait3A] : memref<40x125xi32, #tpu.memory_space<vmem>> -> memref<1x125xi32, #tpu.memory_space<vmem>>
      %dma_wait3A_45 = tpu.memref_squeeze %dma_wait3A_44 : memref<1x125xi32, #tpu.memory_space<vmem>> -> memref<125xi32, #tpu.memory_space<vmem>>
      %dma_wait3A_46 = arith.constant 0 : i32
      %dma_wait3A_47 = arith.constant 0 : i32
      %dma_wait3A_48 = tpu.memref_slice %arg2[%dma_wait3A_46, %dma_wait3A_47] : memref<10000x128xf32, #tpu.memory_space<hbm>> -> memref<10000x128xf32, #tpu.memory_space<hbm>>
      tpu.wait_indirect_dma semaphore(%arg11 : memref<!tpu.dma_semaphore, #tpu.memory_space<semaphore_mem>>) src(%dma_wait3A_48 : memref<10000x128xf32, #tpu.memory_space<hbm>>) dst(%arg8 : memref<125x128xf32, #tpu.memory_space<vmem>>)
      %add3A_49 = arith.constant 1 : i32
      %add3A_50 = arith.addi %add3A_43, %add3A_49 : i32
      %dma_start3A_51 = arith.constant 0 : i32
      %dma_start3A_52 = tpu.memref_slice %arg6[%add3A_50, %dma_start3A_51] : memref<40x125xi32, #tpu.memory_space<vmem>> -> memref<1x125xi32, #tpu.memory_space<vmem>>
      %dma_start3A_53 = tpu.memref_squeeze %dma_start3A_52 : memref<1x125xi32, #tpu.memory_space<vmem>> -> memref<125xi32, #tpu.memory_space<vmem>>
      %dma_start3A_54 = arith.constant 0 : i32
      %dma_start3A_55 = arith.constant 0 : i32
      %dma_start3A_56 = tpu.memref_slice %arg2[%dma_start3A_54, %dma_start3A_55] : memref<10000x128xf32, #tpu.memory_space<hbm>> -> memref<10000x128xf32, #tpu.memory_space<hbm>>
      tpu.enqueue_indirect_dma source(%dma_start3A_56 : memref<10000x128xf32, #tpu.memory_space<hbm>>) target(%arg9 : memref<125x128xf32, #tpu.memory_space<vmem>>) offsets(%dma_start3A_53 : memref<125xi32, #tpu.memory_space<vmem>>) semaphore(%arg12 : memref<!tpu.dma_semaphore, #tpu.memory_space<semaphore_mem>>)
      "tpu.region"() ({
        %run_scoped3A = tpu.sem_alloc : memref<!tpu.dma_semaphore, #tpu.memory_space<semaphore_mem>>
        %dma_start3A_71 = arith.constant 0 : i32
        %dma_start3A_72 = tpu.memref_slice %arg7[%add3A_43, %dma_start3A_71] : memref<40x125xi32, #tpu.memory_space<vmem>> -> memref<1x125xi32, #tpu.memory_space<vmem>>
        %dma_start3A_73 = tpu.memref_squeeze %dma_start3A_72 : memref<1x125xi32, #tpu.memory_space<vmem>> -> memref<125xi32, #tpu.memory_space<vmem>>
        %dma_start3A_74 = arith.constant 0 : i32
        %dma_start3A_75 = arith.constant 0 : i32
        %dma_start3A_76 = tpu.memref_slice %arg10[%dma_start3A_74, %dma_start3A_75] : memref<10000x128xf32, #tpu.memory_space<vmem_shared>> -> memref<10000x128xf32, #tpu.memory_space<vmem_shared>>
        tpu.enqueue_indirect_dma source(%arg8 : memref<125x128xf32, #tpu.memory_space<vmem>>) target(%dma_start3A_76 : memref<10000x128xf32, #tpu.memory_space<vmem_shared>>) offsets(%dma_start3A_73 : memref<125xi32, #tpu.memory_space<vmem>>) semaphore(%run_scoped3A : memref<!tpu.dma_semaphore, #tpu.memory_space<semaphore_mem>>) {add = true}
        %dma_wait3A_77 = arith.constant 0 : i32
        %dma_wait3A_78 = tpu.memref_slice %arg7[%add3A_43, %dma_wait3A_77] : memref<40x125xi32, #tpu.memory_space<vmem>> -> memref<1x125xi32, #tpu.memory_space<vmem>>
        %dma_wait3A_79 = tpu.memref_squeeze %dma_wait3A_78 : memref<1x125xi32, #tpu.memory_space<vmem>> -> memref<125xi32, #tpu.memory_space<vmem>>
        %dma_wait3A_80 = arith.constant 0 : i32
        %dma_wait3A_81 = arith.constant 0 : i32
        %dma_wait3A_82 = tpu.memref_slice %arg10[%dma_wait3A_80, %dma_wait3A_81] : memref<10000x128xf32, #tpu.memory_space<vmem_shared>> -> memref<10000x128xf32, #tpu.memory_space<vmem_shared>>
        tpu.wait_indirect_dma semaphore(%run_scoped3A : memref<!tpu.dma_semaphore, #tpu.memory_space<semaphore_mem>>) src(%arg8 : memref<125x128xf32, #tpu.memory_space<vmem>>) dst(%dma_wait3A_82 : memref<10000x128xf32, #tpu.memory_space<vmem_shared>>)
        tpu.yield
      }) : () -> ()
      %add3A_57 = arith.constant 1 : i32
      %add3A_58 = arith.addi %add3A_43, %add3A_57 : i32
      %dma_wait3A_59 = arith.constant 0 : i32
      %dma_wait3A_60 = tpu.memref_slice %arg6[%add3A_58, %dma_wait3A_59] : memref<40x125xi32, #tpu.memory_space<vmem>> -> memref<1x125xi32, #tpu.memory_space<vmem>>
      %dma_wait3A_61 = tpu.memref_squeeze %dma_wait3A_60 : memref<1x125xi32, #tpu.memory_space<vmem>> -> memref<125xi32, #tpu.memory_space<vmem>>
      %dma_wait3A_62 = arith.constant 0 : i32
      %dma_wait3A_63 = arith.constant 0 : i32
      %dma_wait3A_64 = tpu.memref_slice %arg2[%dma_wait3A_62, %dma_wait3A_63] : memref<10000x128xf32, #tpu.memory_space<hbm>> -> memref<10000x128xf32, #tpu.memory_space<hbm>>
      tpu.wait_indirect_dma semaphore(%arg12 : memref<!tpu.dma_semaphore, #tpu.memory_space<semaphore_mem>>) src(%dma_wait3A_64 : memref<10000x128xf32, #tpu.memory_space<hbm>>) dst(%arg9 : memref<125x128xf32, #tpu.memory_space<vmem>>)
      %add3A_65 = arith.constant 2 : i32
      %add3A_66 = arith.addi %add3A_43, %add3A_65 : i32
      %lt3A = arith.constant 40 : i32
      %lt3A_67 = arith.cmpi slt, %add3A_66, %lt3A : i32
      %convert_element_type3A = arith.extui %lt3A_67 : i1 to i32
      %cond3A = arith.constant 0 : i32
      %cond3A_68 = arith.cmpi ne, %convert_element_type3A, %cond3A : i32
      scf.if %cond3A_68 {
        %add3A_71 = arith.constant 2 : i32
        %add3A_72 = arith.addi %add3A_43, %add3A_71 : i32
        %dma_start3A_73 = arith.constant 0 : i32
        %dma_start3A_74 = tpu.memref_slice %arg6[%add3A_72, %dma_start3A_73] : memref<40x125xi32, #tpu.memory_space<vmem>> -> memref<1x125xi32, #tpu.memory_space<vmem>>
        %dma_start3A_75 = tpu.memref_squeeze %dma_start3A_74 : memref<1x125xi32, #tpu.memory_space<vmem>> -> memref<125xi32, #tpu.memory_space<vmem>>
        %dma_start3A_76 = arith.constant 0 : i32
        %dma_start3A_77 = arith.constant 0 : i32
        %dma_start3A_78 = tpu.memref_slice %arg2[%dma_start3A_76, %dma_start3A_77] : memref<10000x128xf32, #tpu.memory_space<hbm>> -> memref<10000x128xf32, #tpu.memory_space<hbm>>
        tpu.enqueue_indirect_dma source(%dma_start3A_78 : memref<10000x128xf32, #tpu.memory_space<hbm>>) target(%arg8 : memref<125x128xf32, #tpu.memory_space<vmem>>) offsets(%dma_start3A_75 : memref<125xi32, #tpu.memory_space<vmem>>) semaphore(%arg11 : memref<!tpu.dma_semaphore, #tpu.memory_space<semaphore_mem>>)
      } else {
      }
      %add3A_69 = arith.constant 1 : i32
      %add3A_70 = arith.addi %add3A_43, %add3A_69 : i32
      "tpu.region"() ({
        %run_scoped3A = tpu.sem_alloc : memref<!tpu.dma_semaphore, #tpu.memory_space<semaphore_mem>>
        %dma_start3A_71 = arith.constant 0 : i32
        %dma_start3A_72 = tpu.memref_slice %arg7[%add3A_70, %dma_start3A_71] : memref<40x125xi32, #tpu.memory_space<vmem>> -> memref<1x125xi32, #tpu.memory_space<vmem>>
        %dma_start3A_73 = tpu.memref_squeeze %dma_start3A_72 : memref<1x125xi32, #tpu.memory_space<vmem>> -> memref<125xi32, #tpu.memory_space<vmem>>
        %dma_start3A_74 = arith.constant 0 : i32
        %dma_start3A_75 = arith.constant 0 : i32
        %dma_start3A_76 = tpu.memref_slice %arg10[%dma_start3A_74, %dma_start3A_75] : memref<10000x128xf32, #tpu.memory_space<vmem_shared>> -> memref<10000x128xf32, #tpu.memory_space<vmem_shared>>
        tpu.enqueue_indirect_dma source(%arg9 : memref<125x128xf32, #tpu.memory_space<vmem>>) target(%dma_start3A_76 : memref<10000x128xf32, #tpu.memory_space<vmem_shared>>) offsets(%dma_start3A_73 : memref<125xi32, #tpu.memory_space<vmem>>) semaphore(%run_scoped3A : memref<!tpu.dma_semaphore, #tpu.memory_space<semaphore_mem>>) {add = true}
        %dma_wait3A_77 = arith.constant 0 : i32
        %dma_wait3A_78 = tpu.memref_slice %arg7[%add3A_70, %dma_wait3A_77] : memref<40x125xi32, #tpu.memory_space<vmem>> -> memref<1x125xi32, #tpu.memory_space<vmem>>
        %dma_wait3A_79 = tpu.memref_squeeze %dma_wait3A_78 : memref<1x125xi32, #tpu.memory_space<vmem>> -> memref<125xi32, #tpu.memory_space<vmem>>
        %dma_wait3A_80 = arith.constant 0 : i32
        %dma_wait3A_81 = arith.constant 0 : i32
        %dma_wait3A_82 = tpu.memref_slice %arg10[%dma_wait3A_80, %dma_wait3A_81] : memref<10000x128xf32, #tpu.memory_space<vmem_shared>> -> memref<10000x128xf32, #tpu.memory_space<vmem_shared>>
        tpu.wait_indirect_dma semaphore(%run_scoped3A : memref<!tpu.dma_semaphore, #tpu.memory_space<semaphore_mem>>) src(%arg9 : memref<125x128xf32, #tpu.memory_space<vmem>>) dst(%dma_wait3A_82 : memref<10000x128xf32, #tpu.memory_space<vmem_shared>>)
        tpu.yield
      }) : () -> ()
    }
    %scan3A_20 = arith.constant 20 : i32
    "tpu.region"() ({
      %run_scoped3A = tpu.sem_alloc : memref<!tpu.dma_semaphore, #tpu.memory_space<semaphore_mem>>
      %dma_start3A_39 = arith.constant 0 : i32
      %dma_start3A_40 = arith.constant 0 : i32
      %dma_start3A_41 = tpu.memref_slice %arg3[%add3A, %dma_start3A_39, %dma_start3A_40] : memref<32x80x125xi32, #tpu.memory_space<hbm>> -> memref<1x80x125xi32, #tpu.memory_space<hbm>>
      %dma_start3A_42 = tpu.memref_squeeze %dma_start3A_41 : memref<1x80x125xi32, #tpu.memory_space<hbm>> -> memref<80x125xi32, #tpu.memory_space<hbm>>
      %dma_start3A_43 = arith.constant 40 : i32
      %dma_start3A_44 = arith.constant 0 : i32
      %dma_start3A_45 = tpu.memref_slice %dma_start3A_42[%dma_start3A_43, %dma_start3A_44] : memref<80x125xi32, #tpu.memory_space<hbm>> -> memref<40x125xi32, #tpu.memory_space<hbm>>
      %dma_start3A_46 = arith.constant 0 : i32
      %dma_start3A_47 = arith.constant 0 : i32
      %dma_start3A_48 = tpu.memref_slice %arg3[%add3A, %dma_start3A_46, %dma_start3A_47] : memref<32x80x125xi32, #tpu.memory_space<hbm>> -> memref<1x80x125xi32, #tpu.memory_space<hbm>>
      %dma_start3A_49 = tpu.memref_squeeze %dma_start3A_48 : memref<1x80x125xi32, #tpu.memory_space<hbm>> -> memref<80x125xi32, #tpu.memory_space<hbm>>
      %dma_start3A_50 = arith.constant 40 : i32
      %dma_start3A_51 = arith.constant 0 : i32
      %dma_start3A_52 = tpu.memref_slice %dma_start3A_49[%dma_start3A_50, %dma_start3A_51] : memref<80x125xi32, #tpu.memory_space<hbm>> -> memref<40x125xi32, #tpu.memory_space<hbm>>
      tpu.enqueue_dma source(%dma_start3A_52 : memref<40x125xi32, #tpu.memory_space<hbm>>) target(%arg6 : memref<40x125xi32, #tpu.memory_space<vmem>>) target_semaphore(%run_scoped3A : memref<!tpu.dma_semaphore, #tpu.memory_space<semaphore_mem>>)
      %dma_wait3A = arith.constant 0 : i32
      %dma_wait3A_53 = arith.constant 0 : i32
      %dma_wait3A_54 = tpu.memref_slice %arg3[%add3A, %dma_wait3A, %dma_wait3A_53] : memref<32x80x125xi32, #tpu.memory_space<hbm>> -> memref<1x80x125xi32, #tpu.memory_space<hbm>>
      %dma_wait3A_55 = tpu.memref_squeeze %dma_wait3A_54 : memref<1x80x125xi32, #tpu.memory_space<hbm>> -> memref<80x125xi32, #tpu.memory_space<hbm>>
      %dma_wait3A_56 = arith.constant 40 : i32
      %dma_wait3A_57 = arith.constant 0 : i32
      %dma_wait3A_58 = tpu.memref_slice %dma_wait3A_55[%dma_wait3A_56, %dma_wait3A_57] : memref<80x125xi32, #tpu.memory_space<hbm>> -> memref<40x125xi32, #tpu.memory_space<hbm>>
      %dma_wait3A_59 = arith.constant 0 : i32
      %dma_wait3A_60 = arith.constant 0 : i32
      %dma_wait3A_61 = tpu.memref_slice %arg3[%add3A, %dma_wait3A_59, %dma_wait3A_60] : memref<32x80x125xi32, #tpu.memory_space<hbm>> -> memref<1x80x125xi32, #tpu.memory_space<hbm>>
      %dma_wait3A_62 = tpu.memref_squeeze %dma_wait3A_61 : memref<1x80x125xi32, #tpu.memory_space<hbm>> -> memref<80x125xi32, #tpu.memory_space<hbm>>
      %dma_wait3A_63 = arith.constant 40 : i32
      %dma_wait3A_64 = arith.constant 0 : i32
      %dma_wait3A_65 = tpu.memref_slice %dma_wait3A_62[%dma_wait3A_63, %dma_wait3A_64] : memref<80x125xi32, #tpu.memory_space<hbm>> -> memref<40x125xi32, #tpu.memory_space<hbm>>
      tpu.wait_dma2 semaphore(%run_scoped3A : memref<!tpu.dma_semaphore, #tpu.memory_space<semaphore_mem>>) src(%dma_wait3A_65 : memref<40x125xi32, #tpu.memory_space<hbm>>) dst(%arg6 : memref<40x125xi32, #tpu.memory_space<vmem>>)
      tpu.yield
    }) : () -> ()
    "tpu.region"() ({
      %run_scoped3A = tpu.sem_alloc : memref<!tpu.dma_semaphore, #tpu.memory_space<semaphore_mem>>
      %dma_start3A_39 = arith.constant 0 : i32
      %dma_start3A_40 = arith.constant 0 : i32
      %dma_start3A_41 = tpu.memref_slice %arg4[%add3A, %dma_start3A_39, %dma_start3A_40] : memref<32x80x125xi32, #tpu.memory_space<hbm>> -> memref<1x80x125xi32, #tpu.memory_space<hbm>>
      %dma_start3A_42 = tpu.memref_squeeze %dma_start3A_41 : memref<1x80x125xi32, #tpu.memory_space<hbm>> -> memref<80x125xi32, #tpu.memory_space<hbm>>
      %dma_start3A_43 = arith.constant 40 : i32
      %dma_start3A_44 = arith.constant 0 : i32
      %dma_start3A_45 = tpu.memref_slice %dma_start3A_42[%dma_start3A_43, %dma_start3A_44] : memref<80x125xi32, #tpu.memory_space<hbm>> -> memref<40x125xi32, #tpu.memory_space<hbm>>
      %dma_start3A_46 = arith.constant 0 : i32
      %dma_start3A_47 = arith.constant 0 : i32
      %dma_start3A_48 = tpu.memref_slice %arg4[%add3A, %dma_start3A_46, %dma_start3A_47] : memref<32x80x125xi32, #tpu.memory_space<hbm>> -> memref<1x80x125xi32, #tpu.memory_space<hbm>>
      %dma_start3A_49 = tpu.memref_squeeze %dma_start3A_48 : memref<1x80x125xi32, #tpu.memory_space<hbm>> -> memref<80x125xi32, #tpu.memory_space<hbm>>
      %dma_start3A_50 = arith.constant 40 : i32
      %dma_start3A_51 = arith.constant 0 : i32
      %dma_start3A_52 = tpu.memref_slice %dma_start3A_49[%dma_start3A_50, %dma_start3A_51] : memref<80x125xi32, #tpu.memory_space<hbm>> -> memref<40x125xi32, #tpu.memory_space<hbm>>
      tpu.enqueue_dma source(%dma_start3A_52 : memref<40x125xi32, #tpu.memory_space<hbm>>) target(%arg7 : memref<40x125xi32, #tpu.memory_space<vmem>>) target_semaphore(%run_scoped3A : memref<!tpu.dma_semaphore, #tpu.memory_space<semaphore_mem>>)
      %dma_wait3A = arith.constant 0 : i32
      %dma_wait3A_53 = arith.constant 0 : i32
      %dma_wait3A_54 = tpu.memref_slice %arg4[%add3A, %dma_wait3A, %dma_wait3A_53] : memref<32x80x125xi32, #tpu.memory_space<hbm>> -> memref<1x80x125xi32, #tpu.memory_space<hbm>>
      %dma_wait3A_55 = tpu.memref_squeeze %dma_wait3A_54 : memref<1x80x125xi32, #tpu.memory_space<hbm>> -> memref<80x125xi32, #tpu.memory_space<hbm>>
      %dma_wait3A_56 = arith.constant 40 : i32
      %dma_wait3A_57 = arith.constant 0 : i32
      %dma_wait3A_58 = tpu.memref_slice %dma_wait3A_55[%dma_wait3A_56, %dma_wait3A_57] : memref<80x125xi32, #tpu.memory_space<hbm>> -> memref<40x125xi32, #tpu.memory_space<hbm>>
      %dma_wait3A_59 = arith.constant 0 : i32
      %dma_wait3A_60 = arith.constant 0 : i32
      %dma_wait3A_61 = tpu.memref_slice %arg4[%add3A, %dma_wait3A_59, %dma_wait3A_60] : memref<32x80x125xi32, #tpu.memory_space<hbm>> -> memref<1x80x125xi32, #tpu.memory_space<hbm>>
      %dma_wait3A_62 = tpu.memref_squeeze %dma_wait3A_61 : memref<1x80x125xi32, #tpu.memory_space<hbm>> -> memref<80x125xi32, #tpu.memory_space<hbm>>
      %dma_wait3A_63 = arith.constant 40 : i32
      %dma_wait3A_64 = arith.constant 0 : i32
      %dma_wait3A_65 = tpu.memref_slice %dma_wait3A_62[%dma_wait3A_63, %dma_wait3A_64] : memref<80x125xi32, #tpu.memory_space<hbm>> -> memref<40x125xi32, #tpu.memory_space<hbm>>
      tpu.wait_dma2 semaphore(%run_scoped3A : memref<!tpu.dma_semaphore, #tpu.memory_space<semaphore_mem>>) src(%dma_wait3A_65 : memref<40x125xi32, #tpu.memory_space<hbm>>) dst(%arg7 : memref<40x125xi32, #tpu.memory_space<vmem>>)
      tpu.yield
    }) : () -> ()
    %dma_start3A_21 = arith.constant 0 : i32
    %dma_start3A_22 = arith.constant 0 : i32
    %dma_start3A_23 = tpu.memref_slice %arg6[%dma_start3A_21, %dma_start3A_22] : memref<40x125xi32, #tpu.memory_space<vmem>> -> memref<1x125xi32, #tpu.memory_space<vmem>>
    %dma_start3A_24 = tpu.memref_squeeze %dma_start3A_23 : memref<1x125xi32, #tpu.memory_space<vmem>> -> memref<125xi32, #tpu.memory_space<vmem>>
    %dma_start3A_25 = arith.constant 0 : i32
    %dma_start3A_26 = arith.constant 0 : i32
    %dma_start3A_27 = tpu.memref_slice %arg2[%dma_start3A_25, %dma_start3A_26] : memref<10000x128xf32, #tpu.memory_space<hbm>> -> memref<10000x128xf32, #tpu.memory_space<hbm>>
    tpu.enqueue_indirect_dma source(%dma_start3A_27 : memref<10000x128xf32, #tpu.memory_space<hbm>>) target(%arg8 : memref<125x128xf32, #tpu.memory_space<vmem>>) offsets(%dma_start3A_24 : memref<125xi32, #tpu.memory_space<vmem>>) semaphore(%arg11 : memref<!tpu.dma_semaphore, #tpu.memory_space<semaphore_mem>>)
    %scan3A_28 = arith.constant 0 : i32
    %scan3A_29 = arith.constant 20 : i32
    %scan3A_30 = arith.addi %scan3A_28, %scan3A_29 : i32
    %scan3A_31 = arith.constant 1 : i32
    scf.for %scan3A_39 = %scan3A_28 to %scan3A_30 step %scan3A_31  : i32 {
      %mul3A_40 = arith.constant 2 : i32
      %mul3A_41 = arith.muli %scan3A_39, %mul3A_40 : i32
      %add3A_42 = arith.constant 0 : i32
      %add3A_43 = arith.addi %add3A_42, %mul3A_41 : i32
      %dma_wait3A = arith.constant 0 : i32
      %dma_wait3A_44 = tpu.memref_slice %arg6[%add3A_43, %dma_wait3A] : memref<40x125xi32, #tpu.memory_space<vmem>> -> memref<1x125xi32, #tpu.memory_space<vmem>>
      %dma_wait3A_45 = tpu.memref_squeeze %dma_wait3A_44 : memref<1x125xi32, #tpu.memory_space<vmem>> -> memref<125xi32, #tpu.memory_space<vmem>>
      %dma_wait3A_46 = arith.constant 0 : i32
      %dma_wait3A_47 = arith.constant 0 : i32
      %dma_wait3A_48 = tpu.memref_slice %arg2[%dma_wait3A_46, %dma_wait3A_47] : memref<10000x128xf32, #tpu.memory_space<hbm>> -> memref<10000x128xf32, #tpu.memory_space<hbm>>
      tpu.wait_indirect_dma semaphore(%arg11 : memref<!tpu.dma_semaphore, #tpu.memory_space<semaphore_mem>>) src(%dma_wait3A_48 : memref<10000x128xf32, #tpu.memory_space<hbm>>) dst(%arg8 : memref<125x128xf32, #tpu.memory_space<vmem>>)
      %add3A_49 = arith.constant 1 : i32
      %add3A_50 = arith.addi %add3A_43, %add3A_49 : i32
      %dma_start3A_51 = arith.constant 0 : i32
      %dma_start3A_52 = tpu.memref_slice %arg6[%add3A_50, %dma_start3A_51] : memref<40x125xi32, #tpu.memory_space<vmem>> -> memref<1x125xi32, #tpu.memory_space<vmem>>
      %dma_start3A_53 = tpu.memref_squeeze %dma_start3A_52 : memref<1x125xi32, #tpu.memory_space<vmem>> -> memref<125xi32, #tpu.memory_space<vmem>>
      %dma_start3A_54 = arith.constant 0 : i32
      %dma_start3A_55 = arith.constant 0 : i32
      %dma_start3A_56 = tpu.memref_slice %arg2[%dma_start3A_54, %dma_start3A_55] : memref<10000x128xf32, #tpu.memory_space<hbm>> -> memref<10000x128xf32, #tpu.memory_space<hbm>>
      tpu.enqueue_indirect_dma source(%dma_start3A_56 : memref<10000x128xf32, #tpu.memory_space<hbm>>) target(%arg9 : memref<125x128xf32, #tpu.memory_space<vmem>>) offsets(%dma_start3A_53 : memref<125xi32, #tpu.memory_space<vmem>>) semaphore(%arg12 : memref<!tpu.dma_semaphore, #tpu.memory_space<semaphore_mem>>)
      "tpu.region"() ({
        %run_scoped3A = tpu.sem_alloc : memref<!tpu.dma_semaphore, #tpu.memory_space<semaphore_mem>>
        %dma_start3A_71 = arith.constant 0 : i32
        %dma_start3A_72 = tpu.memref_slice %arg7[%add3A_43, %dma_start3A_71] : memref<40x125xi32, #tpu.memory_space<vmem>> -> memref<1x125xi32, #tpu.memory_space<vmem>>
        %dma_start3A_73 = tpu.memref_squeeze %dma_start3A_72 : memref<1x125xi32, #tpu.memory_space<vmem>> -> memref<125xi32, #tpu.memory_space<vmem>>
        %dma_start3A_74 = arith.constant 0 : i32
        %dma_start3A_75 = arith.constant 0 : i32
        %dma_start3A_76 = tpu.memref_slice %arg10[%dma_start3A_74, %dma_start3A_75] : memref<10000x128xf32, #tpu.memory_space<vmem_shared>> -> memref<10000x128xf32, #tpu.memory_space<vmem_shared>>
        tpu.enqueue_indirect_dma source(%arg8 : memref<125x128xf32, #tpu.memory_space<vmem>>) target(%dma_start3A_76 : memref<10000x128xf32, #tpu.memory_space<vmem_shared>>) offsets(%dma_start3A_73 : memref<125xi32, #tpu.memory_space<vmem>>) semaphore(%run_scoped3A : memref<!tpu.dma_semaphore, #tpu.memory_space<semaphore_mem>>) {add = true}
        %dma_wait3A_77 = arith.constant 0 : i32
        %dma_wait3A_78 = tpu.memref_slice %arg7[%add3A_43, %dma_wait3A_77] : memref<40x125xi32, #tpu.memory_space<vmem>> -> memref<1x125xi32, #tpu.memory_space<vmem>>
        %dma_wait3A_79 = tpu.memref_squeeze %dma_wait3A_78 : memref<1x125xi32, #tpu.memory_space<vmem>> -> memref<125xi32, #tpu.memory_space<vmem>>
        %dma_wait3A_80 = arith.constant 0 : i32
        %dma_wait3A_81 = arith.constant 0 : i32
        %dma_wait3A_82 = tpu.memref_slice %arg10[%dma_wait3A_80, %dma_wait3A_81] : memref<10000x128xf32, #tpu.memory_space<vmem_shared>> -> memref<10000x128xf32, #tpu.memory_space<vmem_shared>>
        tpu.wait_indirect_dma semaphore(%run_scoped3A : memref<!tpu.dma_semaphore, #tpu.memory_space<semaphore_mem>>) src(%arg8 : memref<125x128xf32, #tpu.memory_space<vmem>>) dst(%dma_wait3A_82 : memref<10000x128xf32, #tpu.memory_space<vmem_shared>>)
        tpu.yield
      }) : () -> ()
      %add3A_57 = arith.constant 1 : i32
      %add3A_58 = arith.addi %add3A_43, %add3A_57 : i32
      %dma_wait3A_59 = arith.constant 0 : i32
      %dma_wait3A_60 = tpu.memref_slice %arg6[%add3A_58, %dma_wait3A_59] : memref<40x125xi32, #tpu.memory_space<vmem>> -> memref<1x125xi32, #tpu.memory_space<vmem>>
      %dma_wait3A_61 = tpu.memref_squeeze %dma_wait3A_60 : memref<1x125xi32, #tpu.memory_space<vmem>> -> memref<125xi32, #tpu.memory_space<vmem>>
      %dma_wait3A_62 = arith.constant 0 : i32
      %dma_wait3A_63 = arith.constant 0 : i32
      %dma_wait3A_64 = tpu.memref_slice %arg2[%dma_wait3A_62, %dma_wait3A_63] : memref<10000x128xf32, #tpu.memory_space<hbm>> -> memref<10000x128xf32, #tpu.memory_space<hbm>>
      tpu.wait_indirect_dma semaphore(%arg12 : memref<!tpu.dma_semaphore, #tpu.memory_space<semaphore_mem>>) src(%dma_wait3A_64 : memref<10000x128xf32, #tpu.memory_space<hbm>>) dst(%arg9 : memref<125x128xf32, #tpu.memory_space<vmem>>)
      %add3A_65 = arith.constant 2 : i32
      %add3A_66 = arith.addi %add3A_43, %add3A_65 : i32
      %lt3A = arith.constant 40 : i32
      %lt3A_67 = arith.cmpi slt, %add3A_66, %lt3A : i32
      %convert_element_type3A = arith.extui %lt3A_67 : i1 to i32
      %cond3A = arith.constant 0 : i32
      %cond3A_68 = arith.cmpi ne, %convert_element_type3A, %cond3A : i32
      scf.if %cond3A_68 {
        %add3A_71 = arith.constant 2 : i32
        %add3A_72 = arith.addi %add3A_43, %add3A_71 : i32
        %dma_start3A_73 = arith.constant 0 : i32
        %dma_start3A_74 = tpu.memref_slice %arg6[%add3A_72, %dma_start3A_73] : memref<40x125xi32, #tpu.memory_space<vmem>> -> memref<1x125xi32, #tpu.memory_space<vmem>>
        %dma_start3A_75 = tpu.memref_squeeze %dma_start3A_74 : memref<1x125xi32, #tpu.memory_space<vmem>> -> memref<125xi32, #tpu.memory_space<vmem>>
        %dma_start3A_76 = arith.constant 0 : i32
        %dma_start3A_77 = arith.constant 0 : i32
        %dma_start3A_78 = tpu.memref_slice %arg2[%dma_start3A_76, %dma_start3A_77] : memref<10000x128xf32, #tpu.memory_space<hbm>> -> memref<10000x128xf32, #tpu.memory_space<hbm>>
        tpu.enqueue_indirect_dma source(%dma_start3A_78 : memref<10000x128xf32, #tpu.memory_space<hbm>>) target(%arg8 : memref<125x128xf32, #tpu.memory_space<vmem>>) offsets(%dma_start3A_75 : memref<125xi32, #tpu.memory_space<vmem>>) semaphore(%arg11 : memref<!tpu.dma_semaphore, #tpu.memory_space<semaphore_mem>>)
      } else {
      }
      %add3A_69 = arith.constant 1 : i32
      %add3A_70 = arith.addi %add3A_43, %add3A_69 : i32
      "tpu.region"() ({
        %run_scoped3A = tpu.sem_alloc : memref<!tpu.dma_semaphore, #tpu.memory_space<semaphore_mem>>
        %dma_start3A_71 = arith.constant 0 : i32
        %dma_start3A_72 = tpu.memref_slice %arg7[%add3A_70, %dma_start3A_71] : memref<40x125xi32, #tpu.memory_space<vmem>> -> memref<1x125xi32, #tpu.memory_space<vmem>>
        %dma_start3A_73 = tpu.memref_squeeze %dma_start3A_72 : memref<1x125xi32, #tpu.memory_space<vmem>> -> memref<125xi32, #tpu.memory_space<vmem>>
        %dma_start3A_74 = arith.constant 0 : i32
        %dma_start3A_75 = arith.constant 0 : i32
        %dma_start3A_76 = tpu.memref_slice %arg10[%dma_start3A_74, %dma_start3A_75] : memref<10000x128xf32, #tpu.memory_space<vmem_shared>> -> memref<10000x128xf32, #tpu.memory_space<vmem_shared>>
        tpu.enqueue_indirect_dma source(%arg9 : memref<125x128xf32, #tpu.memory_space<vmem>>) target(%dma_start3A_76 : memref<10000x128xf32, #tpu.memory_space<vmem_shared>>) offsets(%dma_start3A_73 : memref<125xi32, #tpu.memory_space<vmem>>) semaphore(%run_scoped3A : memref<!tpu.dma_semaphore, #tpu.memory_space<semaphore_mem>>) {add = true}
        %dma_wait3A_77 = arith.constant 0 : i32
        %dma_wait3A_78 = tpu.memref_slice %arg7[%add3A_70, %dma_wait3A_77] : memref<40x125xi32, #tpu.memory_space<vmem>> -> memref<1x125xi32, #tpu.memory_space<vmem>>
        %dma_wait3A_79 = tpu.memref_squeeze %dma_wait3A_78 : memref<1x125xi32, #tpu.memory_space<vmem>> -> memref<125xi32, #tpu.memory_space<vmem>>
        %dma_wait3A_80 = arith.constant 0 : i32
        %dma_wait3A_81 = arith.constant 0 : i32
        %dma_wait3A_82 = tpu.memref_slice %arg10[%dma_wait3A_80, %dma_wait3A_81] : memref<10000x128xf32, #tpu.memory_space<vmem_shared>> -> memref<10000x128xf32, #tpu.memory_space<vmem_shared>>
        tpu.wait_indirect_dma semaphore(%run_scoped3A : memref<!tpu.dma_semaphore, #tpu.memory_space<semaphore_mem>>) src(%arg9 : memref<125x128xf32, #tpu.memory_space<vmem>>) dst(%dma_wait3A_82 : memref<10000x128xf32, #tpu.memory_space<vmem_shared>>)
        tpu.yield
      }) : () -> ()
    }
    %scan3A_32 = arith.constant 20 : i32
    %barrier3A_33 = arith.constant 0 : index
    tpu.barrier barrier_id(%barrier3A_33)
    %scan3A_34 = arith.constant 0 : i32
    %scan3A_35 = arith.constant 8 : i32
    %scan3A_36 = arith.addi %scan3A_34, %scan3A_35 : i32
    %scan3A_37 = arith.constant 1 : i32
    scf.for %scan3A_39 = %scan3A_34 to %scan3A_36 step %scan3A_37  : i32 {
      %mul3A_40 = arith.constant 1 : i32
      %mul3A_41 = arith.muli %scan3A_39, %mul3A_40 : i32
      %add3A_42 = arith.constant 0 : i32
      %add3A_43 = arith.addi %add3A_42, %mul3A_41 : i32
      %mul3A_44 = arith.constant 16 : i32
      %mul3A_45 = arith.muli %add3A_43, %mul3A_44 : i32
      %add3A_46 = arith.addi %mul3A_45, %arg1 : i32
      %lt3A = arith.constant 125 : i32
      %lt3A_47 = arith.cmpi slt, %add3A_46, %lt3A : i32
      %convert_element_type3A = arith.extui %lt3A_47 : i1 to i32
      %cond3A = arith.constant 0 : i32
      %cond3A_48 = arith.cmpi ne, %convert_element_type3A, %cond3A : i32
      scf.if %cond3A_48 {
        %mul3A_49 = arith.constant 80 : i32
        %mul3A_50 = arith.muli %add3A_46, %mul3A_49 : i32
        %mul3A_51 = arith.constant 80 : i32
        %mul3A_52 = arith.muli %add3A_46, %mul3A_51 : i32
        "tpu.region"() ({
          %run_scoped3A = tpu.sem_alloc : memref<!tpu.dma_semaphore, #tpu.memory_space<semaphore_mem>>
          %dma_start3A_53 = arith.constant 0 : i32
          %dma_start3A_54 = arith.constant 0 : i32
          %dma_start3A_55 = tpu.memref_slice %arg5[%arg0, %dma_start3A_53, %dma_start3A_54] : memref<2x10000x128xf32, #tpu.memory_space<hbm>> -> memref<1x10000x128xf32, #tpu.memory_space<hbm>>
          %dma_start3A_56 = tpu.memref_squeeze %dma_start3A_55 : memref<1x10000x128xf32, #tpu.memory_space<hbm>> -> memref<10000x128xf32, #tpu.memory_space<hbm>>
          %dma_start3A_57 = arith.constant 0 : i32
          %dma_start3A_58 = tpu.memref_slice %dma_start3A_56[%mul3A_52, %dma_start3A_57] : memref<10000x128xf32, #tpu.memory_space<hbm>> -> memref<80x128xf32, #tpu.memory_space<hbm>>
          %dma_start3A_59 = arith.constant 0 : i32
          %dma_start3A_60 = tpu.memref_slice %arg10[%mul3A_50, %dma_start3A_59] : memref<10000x128xf32, #tpu.memory_space<vmem_shared>> -> memref<80x128xf32, #tpu.memory_space<vmem_shared>>
          tpu.enqueue_dma source(%dma_start3A_60 : memref<80x128xf32, #tpu.memory_space<vmem_shared>>) target(%dma_start3A_58 : memref<80x128xf32, #tpu.memory_space<hbm>>) target_semaphore(%run_scoped3A : memref<!tpu.dma_semaphore, #tpu.memory_space<semaphore_mem>>)
          %dma_wait3A = arith.constant 0 : i32
          %dma_wait3A_61 = arith.constant 0 : i32
          %dma_wait3A_62 = tpu.memref_slice %arg5[%arg0, %dma_wait3A, %dma_wait3A_61] : memref<2x10000x128xf32, #tpu.memory_space<hbm>> -> memref<1x10000x128xf32, #tpu.memory_space<hbm>>
          %dma_wait3A_63 = tpu.memref_squeeze %dma_wait3A_62 : memref<1x10000x128xf32, #tpu.memory_space<hbm>> -> memref<10000x128xf32, #tpu.memory_space<hbm>>
          %dma_wait3A_64 = arith.constant 0 : i32
          %dma_wait3A_65 = tpu.memref_slice %dma_wait3A_63[%mul3A_52, %dma_wait3A_64] : memref<10000x128xf32, #tpu.memory_space<hbm>> -> memref<80x128xf32, #tpu.memory_space<hbm>>
          %dma_wait3A_66 = arith.constant 0 : i32
          %dma_wait3A_67 = tpu.memref_slice %arg10[%mul3A_50, %dma_wait3A_66] : memref<10000x128xf32, #tpu.memory_space<vmem_shared>> -> memref<80x128xf32, #tpu.memory_space<vmem_shared>>
          tpu.wait_dma2 semaphore(%run_scoped3A : memref<!tpu.dma_semaphore, #tpu.memory_space<semaphore_mem>>) src(%dma_wait3A_67 : memref<80x128xf32, #tpu.memory_space<vmem_shared>>) dst(%dma_wait3A_65 : memref<80x128xf32, #tpu.memory_space<hbm>>)
          tpu.yield
        }) : () -> ()
      } else {
      }
    }
    %scan3A_38 = arith.constant 8 : i32
    return
  }
}

#map = affine_map<(d0, d1) -> (0, 0)>
#map1 = affine_map<(d0, d1) -> (0, 0, 0)>
module attributes {stable_mosaic.version = 14 : i64} {
  func.func @agg_kernel(%arg0: i32, %arg1: i32, %arg2: memref<10000x128xf32, #tpu.memory_space<hbm>>, %arg3: memref<32x80x125xi32, #tpu.memory_space<hbm>>, %arg4: memref<32x80x125xi32, #tpu.memory_space<hbm>>, %arg5: memref<2x10000x128xf32, #tpu.memory_space<hbm>>, %arg6: memref<40x125xi32, #tpu.memory_space<vmem>>, %arg7: memref<40x125xi32, #tpu.memory_space<vmem>>, %arg8: memref<125x128xf32, #tpu.memory_space<vmem>>, %arg9: memref<125x128xf32, #tpu.memory_space<vmem>>, %arg10: memref<10000x128xf32, #tpu.memory_space<vmem_shared>>, %arg11: memref<!tpu.dma_semaphore, #tpu.memory_space<semaphore_mem>>, %arg12: memref<!tpu.dma_semaphore, #tpu.memory_space<semaphore_mem>>) attributes {dimension_semantics = [#tpu.dimension_semantics<core_parallel>, #tpu.dimension_semantics<subcore_parallel>], iteration_bounds = array<i64: 2, 16>, scalar_prefetch = 0 : i64, scratch_operands = 7 : i64, tpu.core_type = #tpu.core_type<sc_vector_subcore>, window_params = [{transform_indices = #map}, {transform_indices = #map1}, {transform_indices = #map1}, {transform_indices = #map1}]} {
    %mul3A = arith.constant 16 : i32
    %mul3A_0 = arith.muli %arg0, %mul3A : i32
    %add3A = arith.addi %mul3A_0, %arg1 : i32
    %scan3A = arith.constant 0 : i32
    %scan3A_1 = arith.constant 80 : i32
    %scan3A_2 = arith.addi %scan3A, %scan3A_1 : i32
    %scan3A_3 = arith.constant 1 : i32
    scf.for %scan3A_39 = %scan3A to %scan3A_2 step %scan3A_3  : i32 {
      %mul3A_40 = arith.constant 1 : i32
      %mul3A_41 = arith.muli %scan3A_39, %mul3A_40 : i32
      %add3A_42 = arith.constant 0 : i32
      %add3A_43 = arith.addi %add3A_42, %mul3A_41 : i32
      %scan3A_44 = arith.constant 0 : i32
      %scan3A_45 = arith.constant 8 : i32
      %scan3A_46 = arith.addi %scan3A_44, %scan3A_45 : i32
      %scan3A_47 = arith.constant 1 : i32
      scf.for %scan3A_49 = %scan3A_44 to %scan3A_46 step %scan3A_47  : i32 {
        %mul3A_50 = arith.constant 16 : i32
        %mul3A_51 = arith.muli %scan3A_49, %mul3A_50 : i32
        %add3A_52 = arith.constant 0 : i32
        %add3A_53 = arith.addi %add3A_52, %mul3A_51 : i32
        %broadcast_in_dim3A = arith.constant 0.000000e+00 : f32
        %broadcast_in_dim3A_54 = vector.broadcast %broadcast_in_dim3A : f32 to vector<16xf32>
        %swap3A = arith.index_cast %add3A_43 : i32 to index
        %swap3A_55 = arith.index_cast %add3A_53 : i32 to index
        %swap3A_56 = tpu.vector_load %arg8[%swap3A, %swap3A_55] {strides = array<i32>} : memref<125x128xf32, #tpu.memory_space<vmem>>, vector<1x16xf32>,
        %swap3A_57 = vector.shape_cast %swap3A_56 : vector<1x16xf32> to vector<16xf32>
        %swap3A_58 = vector.shape_cast %broadcast_in_dim3A_54 : vector<16xf32> to vector<1x16xf32>
        tpu.vector_store %arg8[%swap3A, %swap3A_55], %swap3A_58 {strides = array<i32>} : memref<125x128xf32, #tpu.memory_space<vmem>>, vector<1x16xf32>,
      }
      %scan3A_48 = arith.constant 8 : i32
    }
    %scan3A_4 = arith.constant 80 : i32
    %scan3A_5 = arith.constant 0 : i32
    %scan3A_6 = arith.constant 8 : i32
    %scan3A_7 = arith.addi %scan3A_5, %scan3A_6 : i32
    %scan3A_8 = arith.constant 1 : i32
    scf.for %scan3A_39 = %scan3A_5 to %scan3A_7 step %scan3A_8  : i32 {
      %mul3A_40 = arith.constant 1 : i32
      %mul3A_41 = arith.muli %scan3A_39, %mul3A_40 : i32
      %add3A_42 = arith.constant 0 : i32
      %add3A_43 = arith.addi %add3A_42, %mul3A_41 : i32
      %mul3A_44 = arith.constant 16 : i32
      %mul3A_45 = arith.muli %add3A_43, %mul3A_44 : i32
      %add3A_46 = arith.addi %mul3A_45, %arg1 : i32
      %lt3A = arith.constant 125 : i32
      %lt3A_47 = arith.cmpi slt, %add3A_46, %lt3A : i32
      %convert_element_type3A = arith.extui %lt3A_47 : i1 to i32
      %cond3A = arith.constant 0 : i32
      %cond3A_48 = arith.cmpi ne, %convert_element_type3A, %cond3A : i32
      scf.if %cond3A_48 {
        %mul3A_49 = arith.constant 80 : i32
        %mul3A_50 = arith.muli %add3A_46, %mul3A_49 : i32
        "tpu.region"() ({
          %run_scoped3A = tpu.sem_alloc : memref<!tpu.dma_semaphore, #tpu.memory_space<semaphore_mem>>
          %dma_start3A_51 = arith.constant 0 : i32
          %dma_start3A_52 = arith.constant 0 : i32
          %dma_start3A_53 = tpu.memref_slice %arg8[%dma_start3A_51, %dma_start3A_52] : memref<125x128xf32, #tpu.memory_space<vmem>> -> memref<80x128xf32, #tpu.memory_space<vmem>>
          %dma_start3A_54 = arith.constant 0 : i32
          %dma_start3A_55 = tpu.memref_slice %arg10[%mul3A_50, %dma_start3A_54] : memref<10000x128xf32, #tpu.memory_space<vmem_shared>> -> memref<80x128xf32, #tpu.memory_space<vmem_shared>>
          %dma_start3A_56 = arith.constant 0 : i32
          %dma_start3A_57 = tpu.memref_slice %arg10[%mul3A_50, %dma_start3A_56] : memref<10000x128xf32, #tpu.memory_space<vmem_shared>> -> memref<80x128xf32, #tpu.memory_space<vmem_shared>>
          %dma_start3A_58 = arith.constant 0 : i32
          %dma_start3A_59 = arith.constant 0 : i32
          %dma_start3A_60 = tpu.memref_slice %arg8[%dma_start3A_58, %dma_start3A_59] : memref<125x128xf32, #tpu.memory_space<vmem>> -> memref<80x128xf32, #tpu.memory_space<vmem>>
          tpu.enqueue_dma source(%dma_start3A_60 : memref<80x128xf32, #tpu.memory_space<vmem>>) target(%dma_start3A_57 : memref<80x128xf32, #tpu.memory_space<vmem_shared>>) target_semaphore(%run_scoped3A : memref<!tpu.dma_semaphore, #tpu.memory_space<semaphore_mem>>)
          %dma_wait3A = arith.constant 0 : i32
          %dma_wait3A_61 = arith.constant 0 : i32
          %dma_wait3A_62 = tpu.memref_slice %arg8[%dma_wait3A, %dma_wait3A_61] : memref<125x128xf32, #tpu.memory_space<vmem>> -> memref<80x128xf32, #tpu.memory_space<vmem>>
          %dma_wait3A_63 = arith.constant 0 : i32
          %dma_wait3A_64 = tpu.memref_slice %arg10[%mul3A_50, %dma_wait3A_63] : memref<10000x128xf32, #tpu.memory_space<vmem_shared>> -> memref<80x128xf32, #tpu.memory_space<vmem_shared>>
          %dma_wait3A_65 = arith.constant 0 : i32
          %dma_wait3A_66 = tpu.memref_slice %arg10[%mul3A_50, %dma_wait3A_65] : memref<10000x128xf32, #tpu.memory_space<vmem_shared>> -> memref<80x128xf32, #tpu.memory_space<vmem_shared>>
          %dma_wait3A_67 = arith.constant 0 : i32
          %dma_wait3A_68 = arith.constant 0 : i32
          %dma_wait3A_69 = tpu.memref_slice %arg8[%dma_wait3A_67, %dma_wait3A_68] : memref<125x128xf32, #tpu.memory_space<vmem>> -> memref<80x128xf32, #tpu.memory_space<vmem>>
          tpu.wait_dma2 semaphore(%run_scoped3A : memref<!tpu.dma_semaphore, #tpu.memory_space<semaphore_mem>>) src(%dma_wait3A_69 : memref<80x128xf32, #tpu.memory_space<vmem>>) dst(%dma_wait3A_66 : memref<80x128xf32, #tpu.memory_space<vmem_shared>>)
          tpu.yield
        }) : () -> ()
      } else {
      }
    }
    %scan3A_9 = arith.constant 8 : i32
    %barrier3A = arith.constant 0 : index
    tpu.barrier barrier_id(%barrier3A)
    "tpu.region"() ({
      %run_scoped3A = tpu.sem_alloc : memref<!tpu.dma_semaphore, #tpu.memory_space<semaphore_mem>>
      %dma_start3A_39 = arith.constant 0 : i32
      %dma_start3A_40 = arith.constant 0 : i32
      %dma_start3A_41 = tpu.memref_slice %arg3[%add3A, %dma_start3A_39, %dma_start3A_40] : memref<32x80x125xi32, #tpu.memory_space<hbm>> -> memref<1x80x125xi32, #tpu.memory_space<hbm>>
      %dma_start3A_42 = tpu.memref_squeeze %dma_start3A_41 : memref<1x80x125xi32, #tpu.memory_space<hbm>> -> memref<80x125xi32, #tpu.memory_space<hbm>>
      %dma_start3A_43 = arith.constant 0 : i32
      %dma_start3A_44 = arith.constant 0 : i32
      %dma_start3A_45 = tpu.memref_slice %dma_start3A_42[%dma_start3A_43, %dma_start3A_44] : memref<80x125xi32, #tpu.memory_space<hbm>> -> memref<40x125xi32, #tpu.memory_space<hbm>>
      %dma_start3A_46 = arith.constant 0 : i32
      %dma_start3A_47 = arith.constant 0 : i32
      %dma_start3A_48 = tpu.memref_slice %arg3[%add3A, %dma_start3A_46, %dma_start3A_47] : memref<32x80x125xi32, #tpu.memory_space<hbm>> -> memref<1x80x125xi32, #tpu.memory_space<hbm>>
      %dma_start3A_49 = tpu.memref_squeeze %dma_start3A_48 : memref<1x80x125xi32, #tpu.memory_space<hbm>> -> memref<80x125xi32, #tpu.memory_space<hbm>>
      %dma_start3A_50 = arith.constant 0 : i32
      %dma_start3A_51 = arith.constant 0 : i32
      %dma_start3A_52 = tpu.memref_slice %dma_start3A_49[%dma_start3A_50, %dma_start3A_51] : memref<80x125xi32, #tpu.memory_space<hbm>> -> memref<40x125xi32, #tpu.memory_space<hbm>>
      tpu.enqueue_dma source(%dma_start3A_52 : memref<40x125xi32, #tpu.memory_space<hbm>>) target(%arg6 : memref<40x125xi32, #tpu.memory_space<vmem>>) target_semaphore(%run_scoped3A : memref<!tpu.dma_semaphore, #tpu.memory_space<semaphore_mem>>)
      %dma_wait3A = arith.constant 0 : i32
      %dma_wait3A_53 = arith.constant 0 : i32
      %dma_wait3A_54 = tpu.memref_slice %arg3[%add3A, %dma_wait3A, %dma_wait3A_53] : memref<32x80x125xi32, #tpu.memory_space<hbm>> -> memref<1x80x125xi32, #tpu.memory_space<hbm>>
      %dma_wait3A_55 = tpu.memref_squeeze %dma_wait3A_54 : memref<1x80x125xi32, #tpu.memory_space<hbm>> -> memref<80x125xi32, #tpu.memory_space<hbm>>
      %dma_wait3A_56 = arith.constant 0 : i32
      %dma_wait3A_57 = arith.constant 0 : i32
      %dma_wait3A_58 = tpu.memref_slice %dma_wait3A_55[%dma_wait3A_56, %dma_wait3A_57] : memref<80x125xi32, #tpu.memory_space<hbm>> -> memref<40x125xi32, #tpu.memory_space<hbm>>
      %dma_wait3A_59 = arith.constant 0 : i32
      %dma_wait3A_60 = arith.constant 0 : i32
      %dma_wait3A_61 = tpu.memref_slice %arg3[%add3A, %dma_wait3A_59, %dma_wait3A_60] : memref<32x80x125xi32, #tpu.memory_space<hbm>> -> memref<1x80x125xi32, #tpu.memory_space<hbm>>
      %dma_wait3A_62 = tpu.memref_squeeze %dma_wait3A_61 : memref<1x80x125xi32, #tpu.memory_space<hbm>> -> memref<80x125xi32, #tpu.memory_space<hbm>>
      %dma_wait3A_63 = arith.constant 0 : i32
      %dma_wait3A_64 = arith.constant 0 : i32
      %dma_wait3A_65 = tpu.memref_slice %dma_wait3A_62[%dma_wait3A_63, %dma_wait3A_64] : memref<80x125xi32, #tpu.memory_space<hbm>> -> memref<40x125xi32, #tpu.memory_space<hbm>>
      tpu.wait_dma2 semaphore(%run_scoped3A : memref<!tpu.dma_semaphore, #tpu.memory_space<semaphore_mem>>) src(%dma_wait3A_65 : memref<40x125xi32, #tpu.memory_space<hbm>>) dst(%arg6 : memref<40x125xi32, #tpu.memory_space<vmem>>)
      tpu.yield
    }) : () -> ()
    "tpu.region"() ({
      %run_scoped3A = tpu.sem_alloc : memref<!tpu.dma_semaphore, #tpu.memory_space<semaphore_mem>>
      %dma_start3A_39 = arith.constant 0 : i32
      %dma_start3A_40 = arith.constant 0 : i32
      %dma_start3A_41 = tpu.memref_slice %arg4[%add3A, %dma_start3A_39, %dma_start3A_40] : memref<32x80x125xi32, #tpu.memory_space<hbm>> -> memref<1x80x125xi32, #tpu.memory_space<hbm>>
      %dma_start3A_42 = tpu.memref_squeeze %dma_start3A_41 : memref<1x80x125xi32, #tpu.memory_space<hbm>> -> memref<80x125xi32, #tpu.memory_space<hbm>>
      %dma_start3A_43 = arith.constant 0 : i32
      %dma_start3A_44 = arith.constant 0 : i32
      %dma_start3A_45 = tpu.memref_slice %dma_start3A_42[%dma_start3A_43, %dma_start3A_44] : memref<80x125xi32, #tpu.memory_space<hbm>> -> memref<40x125xi32, #tpu.memory_space<hbm>>
      %dma_start3A_46 = arith.constant 0 : i32
      %dma_start3A_47 = arith.constant 0 : i32
      %dma_start3A_48 = tpu.memref_slice %arg4[%add3A, %dma_start3A_46, %dma_start3A_47] : memref<32x80x125xi32, #tpu.memory_space<hbm>> -> memref<1x80x125xi32, #tpu.memory_space<hbm>>
      %dma_start3A_49 = tpu.memref_squeeze %dma_start3A_48 : memref<1x80x125xi32, #tpu.memory_space<hbm>> -> memref<80x125xi32, #tpu.memory_space<hbm>>
      %dma_start3A_50 = arith.constant 0 : i32
      %dma_start3A_51 = arith.constant 0 : i32
      %dma_start3A_52 = tpu.memref_slice %dma_start3A_49[%dma_start3A_50, %dma_start3A_51] : memref<80x125xi32, #tpu.memory_space<hbm>> -> memref<40x125xi32, #tpu.memory_space<hbm>>
      tpu.enqueue_dma source(%dma_start3A_52 : memref<40x125xi32, #tpu.memory_space<hbm>>) target(%arg7 : memref<40x125xi32, #tpu.memory_space<vmem>>) target_semaphore(%run_scoped3A : memref<!tpu.dma_semaphore, #tpu.memory_space<semaphore_mem>>)
      %dma_wait3A = arith.constant 0 : i32
      %dma_wait3A_53 = arith.constant 0 : i32
      %dma_wait3A_54 = tpu.memref_slice %arg4[%add3A, %dma_wait3A, %dma_wait3A_53] : memref<32x80x125xi32, #tpu.memory_space<hbm>> -> memref<1x80x125xi32, #tpu.memory_space<hbm>>
      %dma_wait3A_55 = tpu.memref_squeeze %dma_wait3A_54 : memref<1x80x125xi32, #tpu.memory_space<hbm>> -> memref<80x125xi32, #tpu.memory_space<hbm>>
      %dma_wait3A_56 = arith.constant 0 : i32
      %dma_wait3A_57 = arith.constant 0 : i32
      %dma_wait3A_58 = tpu.memref_slice %dma_wait3A_55[%dma_wait3A_56, %dma_wait3A_57] : memref<80x125xi32, #tpu.memory_space<hbm>> -> memref<40x125xi32, #tpu.memory_space<hbm>>
      %dma_wait3A_59 = arith.constant 0 : i32
      %dma_wait3A_60 = arith.constant 0 : i32
      %dma_wait3A_61 = tpu.memref_slice %arg4[%add3A, %dma_wait3A_59, %dma_wait3A_60] : memref<32x80x125xi32, #tpu.memory_space<hbm>> -> memref<1x80x125xi32, #tpu.memory_space<hbm>>
      %dma_wait3A_62 = tpu.memref_squeeze %dma_wait3A_61 : memref<1x80x125xi32, #tpu.memory_space<hbm>> -> memref<80x125xi32, #tpu.memory_space<hbm>>
      %dma_wait3A_63 = arith.constant 0 : i32
      %dma_wait3A_64 = arith.constant 0 : i32
      %dma_wait3A_65 = tpu.memref_slice %dma_wait3A_62[%dma_wait3A_63, %dma_wait3A_64] : memref<80x125xi32, #tpu.memory_space<hbm>> -> memref<40x125xi32, #tpu.memory_space<hbm>>
      tpu.wait_dma2 semaphore(%run_scoped3A : memref<!tpu.dma_semaphore, #tpu.memory_space<semaphore_mem>>) src(%dma_wait3A_65 : memref<40x125xi32, #tpu.memory_space<hbm>>) dst(%arg7 : memref<40x125xi32, #tpu.memory_space<vmem>>)
      tpu.yield
    }) : () -> ()
    %dma_start3A = arith.constant 0 : i32
    %dma_start3A_10 = arith.constant 0 : i32
    %dma_start3A_11 = tpu.memref_slice %arg6[%dma_start3A, %dma_start3A_10] : memref<40x125xi32, #tpu.memory_space<vmem>> -> memref<1x125xi32, #tpu.memory_space<vmem>>
    %dma_start3A_12 = tpu.memref_squeeze %dma_start3A_11 : memref<1x125xi32, #tpu.memory_space<vmem>> -> memref<125xi32, #tpu.memory_space<vmem>>
    %dma_start3A_13 = arith.constant 0 : i32
    %dma_start3A_14 = arith.constant 0 : i32
    %dma_start3A_15 = tpu.memref_slice %arg2[%dma_start3A_13, %dma_start3A_14] : memref<10000x128xf32, #tpu.memory_space<hbm>> -> memref<10000x128xf32, #tpu.memory_space<hbm>>
    tpu.enqueue_indirect_dma source(%dma_start3A_15 : memref<10000x128xf32, #tpu.memory_space<hbm>>) target(%arg8 : memref<125x128xf32, #tpu.memory_space<vmem>>) offsets(%dma_start3A_12 : memref<125xi32, #tpu.memory_space<vmem>>) semaphore(%arg11 : memref<!tpu.dma_semaphore, #tpu.memory_space<semaphore_mem>>)
    %scan3A_16 = arith.constant 0 : i32
    %scan3A_17 = arith.constant 20 : i32
    %scan3A_18 = arith.addi %scan3A_16, %scan3A_17 : i32
    %scan3A_19 = arith.constant 1 : i32
    scf.for %scan3A_39 = %scan3A_16 to %scan3A_18 step %scan3A_19  : i32 {
      %mul3A_40 = arith.constant 2 : i32
      %mul3A_41 = arith.muli %scan3A_39, %mul3A_40 : i32
      %add3A_42 = arith.constant 0 : i32
      %add3A_43 = arith.addi %add3A_42, %mul3A_41 : i32
      %dma_wait3A = arith.constant 0 : i32
      %dma_wait3A_44 = tpu.memref_slice %arg6[%add3A_43, %dma_wait3A] : memref<40x125xi32, #tpu.memory_space<vmem>> -> memref<1x125xi32, #tpu.memory_space<vmem>>
      %dma_wait3A_45 = tpu.memref_squeeze %dma_wait3A_44 : memref<1x125xi32, #tpu.memory_space<vmem>> -> memref<125xi32, #tpu.memory_space<vmem>>
      %dma_wait3A_46 = arith.constant 0 : i32
      %dma_wait3A_47 = arith.constant 0 : i32
      %dma_wait3A_48 = tpu.memref_slice %arg2[%dma_wait3A_46, %dma_wait3A_47] : memref<10000x128xf32, #tpu.memory_space<hbm>> -> memref<10000x128xf32, #tpu.memory_space<hbm>>
      tpu.wait_indirect_dma semaphore(%arg11 : memref<!tpu.dma_semaphore, #tpu.memory_space<semaphore_mem>>) src(%dma_wait3A_48 : memref<10000x128xf32, #tpu.memory_space<hbm>>) dst(%arg8 : memref<125x128xf32, #tpu.memory_space<vmem>>)
      %add3A_49 = arith.constant 1 : i32
      %add3A_50 = arith.addi %add3A_43, %add3A_49 : i32
      %dma_start3A_51 = arith.constant 0 : i32
      %dma_start3A_52 = tpu.memref_slice %arg6[%add3A_50, %dma_start3A_51] : memref<40x125xi32, #tpu.memory_space<vmem>> -> memref<1x125xi32, #tpu.memory_space<vmem>>
      %dma_start3A_53 = tpu.memref_squeeze %dma_start3A_52 : memref<1x125xi32, #tpu.memory_space<vmem>> -> memref<125xi32, #tpu.memory_space<vmem>>
      %dma_start3A_54 = arith.constant 0 : i32
      %dma_start3A_55 = arith.constant 0 : i32
      %dma_start3A_56 = tpu.memref_slice %arg2[%dma_start3A_54, %dma_start3A_55] : memref<10000x128xf32, #tpu.memory_space<hbm>> -> memref<10000x128xf32, #tpu.memory_space<hbm>>
      tpu.enqueue_indirect_dma source(%dma_start3A_56 : memref<10000x128xf32, #tpu.memory_space<hbm>>) target(%arg9 : memref<125x128xf32, #tpu.memory_space<vmem>>) offsets(%dma_start3A_53 : memref<125xi32, #tpu.memory_space<vmem>>) semaphore(%arg12 : memref<!tpu.dma_semaphore, #tpu.memory_space<semaphore_mem>>)
      "tpu.region"() ({
        %run_scoped3A = tpu.sem_alloc : memref<!tpu.dma_semaphore, #tpu.memory_space<semaphore_mem>>
        %dma_start3A_71 = arith.constant 0 : i32
        %dma_start3A_72 = tpu.memref_slice %arg7[%add3A_43, %dma_start3A_71] : memref<40x125xi32, #tpu.memory_space<vmem>> -> memref<1x125xi32, #tpu.memory_space<vmem>>
        %dma_start3A_73 = tpu.memref_squeeze %dma_start3A_72 : memref<1x125xi32, #tpu.memory_space<vmem>> -> memref<125xi32, #tpu.memory_space<vmem>>
        %dma_start3A_74 = arith.constant 0 : i32
        %dma_start3A_75 = arith.constant 0 : i32
        %dma_start3A_76 = tpu.memref_slice %arg10[%dma_start3A_74, %dma_start3A_75] : memref<10000x128xf32, #tpu.memory_space<vmem_shared>> -> memref<10000x128xf32, #tpu.memory_space<vmem_shared>>
        tpu.enqueue_indirect_dma source(%arg8 : memref<125x128xf32, #tpu.memory_space<vmem>>) target(%dma_start3A_76 : memref<10000x128xf32, #tpu.memory_space<vmem_shared>>) offsets(%dma_start3A_73 : memref<125xi32, #tpu.memory_space<vmem>>) semaphore(%run_scoped3A : memref<!tpu.dma_semaphore, #tpu.memory_space<semaphore_mem>>) {add = true}
        %dma_wait3A_77 = arith.constant 0 : i32
        %dma_wait3A_78 = tpu.memref_slice %arg7[%add3A_43, %dma_wait3A_77] : memref<40x125xi32, #tpu.memory_space<vmem>> -> memref<1x125xi32, #tpu.memory_space<vmem>>
        %dma_wait3A_79 = tpu.memref_squeeze %dma_wait3A_78 : memref<1x125xi32, #tpu.memory_space<vmem>> -> memref<125xi32, #tpu.memory_space<vmem>>
        %dma_wait3A_80 = arith.constant 0 : i32
        %dma_wait3A_81 = arith.constant 0 : i32
        %dma_wait3A_82 = tpu.memref_slice %arg10[%dma_wait3A_80, %dma_wait3A_81] : memref<10000x128xf32, #tpu.memory_space<vmem_shared>> -> memref<10000x128xf32, #tpu.memory_space<vmem_shared>>
        tpu.wait_indirect_dma semaphore(%run_scoped3A : memref<!tpu.dma_semaphore, #tpu.memory_space<semaphore_mem>>) src(%arg8 : memref<125x128xf32, #tpu.memory_space<vmem>>) dst(%dma_wait3A_82 : memref<10000x128xf32, #tpu.memory_space<vmem_shared>>)
        tpu.yield
      }) : () -> ()
      %add3A_57 = arith.constant 1 : i32
      %add3A_58 = arith.addi %add3A_43, %add3A_57 : i32
      %dma_wait3A_59 = arith.constant 0 : i32
      %dma_wait3A_60 = tpu.memref_slice %arg6[%add3A_58, %dma_wait3A_59] : memref<40x125xi32, #tpu.memory_space<vmem>> -> memref<1x125xi32, #tpu.memory_space<vmem>>
      %dma_wait3A_61 = tpu.memref_squeeze %dma_wait3A_60 : memref<1x125xi32, #tpu.memory_space<vmem>> -> memref<125xi32, #tpu.memory_space<vmem>>
      %dma_wait3A_62 = arith.constant 0 : i32
      %dma_wait3A_63 = arith.constant 0 : i32
      %dma_wait3A_64 = tpu.memref_slice %arg2[%dma_wait3A_62, %dma_wait3A_63] : memref<10000x128xf32, #tpu.memory_space<hbm>> -> memref<10000x128xf32, #tpu.memory_space<hbm>>
      tpu.wait_indirect_dma semaphore(%arg12 : memref<!tpu.dma_semaphore, #tpu.memory_space<semaphore_mem>>) src(%dma_wait3A_64 : memref<10000x128xf32, #tpu.memory_space<hbm>>) dst(%arg9 : memref<125x128xf32, #tpu.memory_space<vmem>>)
      %add3A_65 = arith.constant 2 : i32
      %add3A_66 = arith.addi %add3A_43, %add3A_65 : i32
      %lt3A = arith.constant 40 : i32
      %lt3A_67 = arith.cmpi slt, %add3A_66, %lt3A : i32
      %convert_element_type3A = arith.extui %lt3A_67 : i1 to i32
      %cond3A = arith.constant 0 : i32
      %cond3A_68 = arith.cmpi ne, %convert_element_type3A, %cond3A : i32
      scf.if %cond3A_68 {
        %add3A_71 = arith.constant 2 : i32
        %add3A_72 = arith.addi %add3A_43, %add3A_71 : i32
        %dma_start3A_73 = arith.constant 0 : i32
        %dma_start3A_74 = tpu.memref_slice %arg6[%add3A_72, %dma_start3A_73] : memref<40x125xi32, #tpu.memory_space<vmem>> -> memref<1x125xi32, #tpu.memory_space<vmem>>
        %dma_start3A_75 = tpu.memref_squeeze %dma_start3A_74 : memref<1x125xi32, #tpu.memory_space<vmem>> -> memref<125xi32, #tpu.memory_space<vmem>>
        %dma_start3A_76 = arith.constant 0 : i32
        %dma_start3A_77 = arith.constant 0 : i32
        %dma_start3A_78 = tpu.memref_slice %arg2[%dma_start3A_76, %dma_start3A_77] : memref<10000x128xf32, #tpu.memory_space<hbm>> -> memref<10000x128xf32, #tpu.memory_space<hbm>>
        tpu.enqueue_indirect_dma source(%dma_start3A_78 : memref<10000x128xf32, #tpu.memory_space<hbm>>) target(%arg8 : memref<125x128xf32, #tpu.memory_space<vmem>>) offsets(%dma_start3A_75 : memref<125xi32, #tpu.memory_space<vmem>>) semaphore(%arg11 : memref<!tpu.dma_semaphore, #tpu.memory_space<semaphore_mem>>)
      } else {
      }
      %add3A_69 = arith.constant 1 : i32
      %add3A_70 = arith.addi %add3A_43, %add3A_69 : i32
      "tpu.region"() ({
        %run_scoped3A = tpu.sem_alloc : memref<!tpu.dma_semaphore, #tpu.memory_space<semaphore_mem>>
        %dma_start3A_71 = arith.constant 0 : i32
        %dma_start3A_72 = tpu.memref_slice %arg7[%add3A_70, %dma_start3A_71] : memref<40x125xi32, #tpu.memory_space<vmem>> -> memref<1x125xi32, #tpu.memory_space<vmem>>
        %dma_start3A_73 = tpu.memref_squeeze %dma_start3A_72 : memref<1x125xi32, #tpu.memory_space<vmem>> -> memref<125xi32, #tpu.memory_space<vmem>>
        %dma_start3A_74 = arith.constant 0 : i32
        %dma_start3A_75 = arith.constant 0 : i32
        %dma_start3A_76 = tpu.memref_slice %arg10[%dma_start3A_74, %dma_start3A_75] : memref<10000x128xf32, #tpu.memory_space<vmem_shared>> -> memref<10000x128xf32, #tpu.memory_space<vmem_shared>>
        tpu.enqueue_indirect_dma source(%arg9 : memref<125x128xf32, #tpu.memory_space<vmem>>) target(%dma_start3A_76 : memref<10000x128xf32, #tpu.memory_space<vmem_shared>>) offsets(%dma_start3A_73 : memref<125xi32, #tpu.memory_space<vmem>>) semaphore(%run_scoped3A : memref<!tpu.dma_semaphore, #tpu.memory_space<semaphore_mem>>) {add = true}
        %dma_wait3A_77 = arith.constant 0 : i32
        %dma_wait3A_78 = tpu.memref_slice %arg7[%add3A_70, %dma_wait3A_77] : memref<40x125xi32, #tpu.memory_space<vmem>> -> memref<1x125xi32, #tpu.memory_space<vmem>>
        %dma_wait3A_79 = tpu.memref_squeeze %dma_wait3A_78 : memref<1x125xi32, #tpu.memory_space<vmem>> -> memref<125xi32, #tpu.memory_space<vmem>>
        %dma_wait3A_80 = arith.constant 0 : i32
        %dma_wait3A_81 = arith.constant 0 : i32
        %dma_wait3A_82 = tpu.memref_slice %arg10[%dma_wait3A_80, %dma_wait3A_81] : memref<10000x128xf32, #tpu.memory_space<vmem_shared>> -> memref<10000x128xf32, #tpu.memory_space<vmem_shared>>
        tpu.wait_indirect_dma semaphore(%run_scoped3A : memref<!tpu.dma_semaphore, #tpu.memory_space<semaphore_mem>>) src(%arg9 : memref<125x128xf32, #tpu.memory_space<vmem>>) dst(%dma_wait3A_82 : memref<10000x128xf32, #tpu.memory_space<vmem_shared>>)
        tpu.yield
      }) : () -> ()
    }
    %scan3A_20 = arith.constant 20 : i32
    "tpu.region"() ({
      %run_scoped3A = tpu.sem_alloc : memref<!tpu.dma_semaphore, #tpu.memory_space<semaphore_mem>>
      %dma_start3A_39 = arith.constant 0 : i32
      %dma_start3A_40 = arith.constant 0 : i32
      %dma_start3A_41 = tpu.memref_slice %arg3[%add3A, %dma_start3A_39, %dma_start3A_40] : memref<32x80x125xi32, #tpu.memory_space<hbm>> -> memref<1x80x125xi32, #tpu.memory_space<hbm>>
      %dma_start3A_42 = tpu.memref_squeeze %dma_start3A_41 : memref<1x80x125xi32, #tpu.memory_space<hbm>> -> memref<80x125xi32, #tpu.memory_space<hbm>>
      %dma_start3A_43 = arith.constant 40 : i32
      %dma_start3A_44 = arith.constant 0 : i32
      %dma_start3A_45 = tpu.memref_slice %dma_start3A_42[%dma_start3A_43, %dma_start3A_44] : memref<80x125xi32, #tpu.memory_space<hbm>> -> memref<40x125xi32, #tpu.memory_space<hbm>>
      %dma_start3A_46 = arith.constant 0 : i32
      %dma_start3A_47 = arith.constant 0 : i32
      %dma_start3A_48 = tpu.memref_slice %arg3[%add3A, %dma_start3A_46, %dma_start3A_47] : memref<32x80x125xi32, #tpu.memory_space<hbm>> -> memref<1x80x125xi32, #tpu.memory_space<hbm>>
      %dma_start3A_49 = tpu.memref_squeeze %dma_start3A_48 : memref<1x80x125xi32, #tpu.memory_space<hbm>> -> memref<80x125xi32, #tpu.memory_space<hbm>>
      %dma_start3A_50 = arith.constant 40 : i32
      %dma_start3A_51 = arith.constant 0 : i32
      %dma_start3A_52 = tpu.memref_slice %dma_start3A_49[%dma_start3A_50, %dma_start3A_51] : memref<80x125xi32, #tpu.memory_space<hbm>> -> memref<40x125xi32, #tpu.memory_space<hbm>>
      tpu.enqueue_dma source(%dma_start3A_52 : memref<40x125xi32, #tpu.memory_space<hbm>>) target(%arg6 : memref<40x125xi32, #tpu.memory_space<vmem>>) target_semaphore(%run_scoped3A : memref<!tpu.dma_semaphore, #tpu.memory_space<semaphore_mem>>)
      %dma_wait3A = arith.constant 0 : i32
      %dma_wait3A_53 = arith.constant 0 : i32
      %dma_wait3A_54 = tpu.memref_slice %arg3[%add3A, %dma_wait3A, %dma_wait3A_53] : memref<32x80x125xi32, #tpu.memory_space<hbm>> -> memref<1x80x125xi32, #tpu.memory_space<hbm>>
      %dma_wait3A_55 = tpu.memref_squeeze %dma_wait3A_54 : memref<1x80x125xi32, #tpu.memory_space<hbm>> -> memref<80x125xi32, #tpu.memory_space<hbm>>
      %dma_wait3A_56 = arith.constant 40 : i32
      %dma_wait3A_57 = arith.constant 0 : i32
      %dma_wait3A_58 = tpu.memref_slice %dma_wait3A_55[%dma_wait3A_56, %dma_wait3A_57] : memref<80x125xi32, #tpu.memory_space<hbm>> -> memref<40x125xi32, #tpu.memory_space<hbm>>
      %dma_wait3A_59 = arith.constant 0 : i32
      %dma_wait3A_60 = arith.constant 0 : i32
      %dma_wait3A_61 = tpu.memref_slice %arg3[%add3A, %dma_wait3A_59, %dma_wait3A_60] : memref<32x80x125xi32, #tpu.memory_space<hbm>> -> memref<1x80x125xi32, #tpu.memory_space<hbm>>
      %dma_wait3A_62 = tpu.memref_squeeze %dma_wait3A_61 : memref<1x80x125xi32, #tpu.memory_space<hbm>> -> memref<80x125xi32, #tpu.memory_space<hbm>>
      %dma_wait3A_63 = arith.constant 40 : i32
      %dma_wait3A_64 = arith.constant 0 : i32
      %dma_wait3A_65 = tpu.memref_slice %dma_wait3A_62[%dma_wait3A_63, %dma_wait3A_64] : memref<80x125xi32, #tpu.memory_space<hbm>> -> memref<40x125xi32, #tpu.memory_space<hbm>>
      tpu.wait_dma2 semaphore(%run_scoped3A : memref<!tpu.dma_semaphore, #tpu.memory_space<semaphore_mem>>) src(%dma_wait3A_65 : memref<40x125xi32, #tpu.memory_space<hbm>>) dst(%arg6 : memref<40x125xi32, #tpu.memory_space<vmem>>)
      tpu.yield
    }) : () -> ()
    "tpu.region"() ({
      %run_scoped3A = tpu.sem_alloc : memref<!tpu.dma_semaphore, #tpu.memory_space<semaphore_mem>>
      %dma_start3A_39 = arith.constant 0 : i32
      %dma_start3A_40 = arith.constant 0 : i32
      %dma_start3A_41 = tpu.memref_slice %arg4[%add3A, %dma_start3A_39, %dma_start3A_40] : memref<32x80x125xi32, #tpu.memory_space<hbm>> -> memref<1x80x125xi32, #tpu.memory_space<hbm>>
      %dma_start3A_42 = tpu.memref_squeeze %dma_start3A_41 : memref<1x80x125xi32, #tpu.memory_space<hbm>> -> memref<80x125xi32, #tpu.memory_space<hbm>>
      %dma_start3A_43 = arith.constant 40 : i32
      %dma_start3A_44 = arith.constant 0 : i32
      %dma_start3A_45 = tpu.memref_slice %dma_start3A_42[%dma_start3A_43, %dma_start3A_44] : memref<80x125xi32, #tpu.memory_space<hbm>> -> memref<40x125xi32, #tpu.memory_space<hbm>>
      %dma_start3A_46 = arith.constant 0 : i32
      %dma_start3A_47 = arith.constant 0 : i32
      %dma_start3A_48 = tpu.memref_slice %arg4[%add3A, %dma_start3A_46, %dma_start3A_47] : memref<32x80x125xi32, #tpu.memory_space<hbm>> -> memref<1x80x125xi32, #tpu.memory_space<hbm>>
      %dma_start3A_49 = tpu.memref_squeeze %dma_start3A_48 : memref<1x80x125xi32, #tpu.memory_space<hbm>> -> memref<80x125xi32, #tpu.memory_space<hbm>>
      %dma_start3A_50 = arith.constant 40 : i32
      %dma_start3A_51 = arith.constant 0 : i32
      %dma_start3A_52 = tpu.memref_slice %dma_start3A_49[%dma_start3A_50, %dma_start3A_51] : memref<80x125xi32, #tpu.memory_space<hbm>> -> memref<40x125xi32, #tpu.memory_space<hbm>>
      tpu.enqueue_dma source(%dma_start3A_52 : memref<40x125xi32, #tpu.memory_space<hbm>>) target(%arg7 : memref<40x125xi32, #tpu.memory_space<vmem>>) target_semaphore(%run_scoped3A : memref<!tpu.dma_semaphore, #tpu.memory_space<semaphore_mem>>)
      %dma_wait3A = arith.constant 0 : i32
      %dma_wait3A_53 = arith.constant 0 : i32
      %dma_wait3A_54 = tpu.memref_slice %arg4[%add3A, %dma_wait3A, %dma_wait3A_53] : memref<32x80x125xi32, #tpu.memory_space<hbm>> -> memref<1x80x125xi32, #tpu.memory_space<hbm>>
      %dma_wait3A_55 = tpu.memref_squeeze %dma_wait3A_54 : memref<1x80x125xi32, #tpu.memory_space<hbm>> -> memref<80x125xi32, #tpu.memory_space<hbm>>
      %dma_wait3A_56 = arith.constant 40 : i32
      %dma_wait3A_57 = arith.constant 0 : i32
      %dma_wait3A_58 = tpu.memref_slice %dma_wait3A_55[%dma_wait3A_56, %dma_wait3A_57] : memref<80x125xi32, #tpu.memory_space<hbm>> -> memref<40x125xi32, #tpu.memory_space<hbm>>
      %dma_wait3A_59 = arith.constant 0 : i32
      %dma_wait3A_60 = arith.constant 0 : i32
      %dma_wait3A_61 = tpu.memref_slice %arg4[%add3A, %dma_wait3A_59, %dma_wait3A_60] : memref<32x80x125xi32, #tpu.memory_space<hbm>> -> memref<1x80x125xi32, #tpu.memory_space<hbm>>
      %dma_wait3A_62 = tpu.memref_squeeze %dma_wait3A_61 : memref<1x80x125xi32, #tpu.memory_space<hbm>> -> memref<80x125xi32, #tpu.memory_space<hbm>>
      %dma_wait3A_63 = arith.constant 40 : i32
      %dma_wait3A_64 = arith.constant 0 : i32
      %dma_wait3A_65 = tpu.memref_slice %dma_wait3A_62[%dma_wait3A_63, %dma_wait3A_64] : memref<80x125xi32, #tpu.memory_space<hbm>> -> memref<40x125xi32, #tpu.memory_space<hbm>>
      tpu.wait_dma2 semaphore(%run_scoped3A : memref<!tpu.dma_semaphore, #tpu.memory_space<semaphore_mem>>) src(%dma_wait3A_65 : memref<40x125xi32, #tpu.memory_space<hbm>>) dst(%arg7 : memref<40x125xi32, #tpu.memory_space<vmem>>)
      tpu.yield
    }) : () -> ()
    %dma_start3A_21 = arith.constant 0 : i32
    %dma_start3A_22 = arith.constant 0 : i32
    %dma_start3A_23 = tpu.memref_slice %arg6[%dma_start3A_21, %dma_start3A_22] : memref<40x125xi32, #tpu.memory_space<vmem>> -> memref<1x125xi32, #tpu.memory_space<vmem>>
    %dma_start3A_24 = tpu.memref_squeeze %dma_start3A_23 : memref<1x125xi32, #tpu.memory_space<vmem>> -> memref<125xi32, #tpu.memory_space<vmem>>
    %dma_start3A_25 = arith.constant 0 : i32
    %dma_start3A_26 = arith.constant 0 : i32
    %dma_start3A_27 = tpu.memref_slice %arg2[%dma_start3A_25, %dma_start3A_26] : memref<10000x128xf32, #tpu.memory_space<hbm>> -> memref<10000x128xf32, #tpu.memory_space<hbm>>
    tpu.enqueue_indirect_dma source(%dma_start3A_27 : memref<10000x128xf32, #tpu.memory_space<hbm>>) target(%arg8 : memref<125x128xf32, #tpu.memory_space<vmem>>) offsets(%dma_start3A_24 : memref<125xi32, #tpu.memory_space<vmem>>) semaphore(%arg11 : memref<!tpu.dma_semaphore, #tpu.memory_space<semaphore_mem>>)
    %scan3A_28 = arith.constant 0 : i32
    %scan3A_29 = arith.constant 20 : i32
    %scan3A_30 = arith.addi %scan3A_28, %scan3A_29 : i32
    %scan3A_31 = arith.constant 1 : i32
    scf.for %scan3A_39 = %scan3A_28 to %scan3A_30 step %scan3A_31  : i32 {
      %mul3A_40 = arith.constant 2 : i32
      %mul3A_41 = arith.muli %scan3A_39, %mul3A_40 : i32
      %add3A_42 = arith.constant 0 : i32
      %add3A_43 = arith.addi %add3A_42, %mul3A_41 : i32
      %dma_wait3A = arith.constant 0 : i32
      %dma_wait3A_44 = tpu.memref_slice %arg6[%add3A_43, %dma_wait3A] : memref<40x125xi32, #tpu.memory_space<vmem>> -> memref<1x125xi32, #tpu.memory_space<vmem>>
      %dma_wait3A_45 = tpu.memref_squeeze %dma_wait3A_44 : memref<1x125xi32, #tpu.memory_space<vmem>> -> memref<125xi32, #tpu.memory_space<vmem>>
      %dma_wait3A_46 = arith.constant 0 : i32
      %dma_wait3A_47 = arith.constant 0 : i32
      %dma_wait3A_48 = tpu.memref_slice %arg2[%dma_wait3A_46, %dma_wait3A_47] : memref<10000x128xf32, #tpu.memory_space<hbm>> -> memref<10000x128xf32, #tpu.memory_space<hbm>>
      tpu.wait_indirect_dma semaphore(%arg11 : memref<!tpu.dma_semaphore, #tpu.memory_space<semaphore_mem>>) src(%dma_wait3A_48 : memref<10000x128xf32, #tpu.memory_space<hbm>>) dst(%arg8 : memref<125x128xf32, #tpu.memory_space<vmem>>)
      %add3A_49 = arith.constant 1 : i32
      %add3A_50 = arith.addi %add3A_43, %add3A_49 : i32
      %dma_start3A_51 = arith.constant 0 : i32
      %dma_start3A_52 = tpu.memref_slice %arg6[%add3A_50, %dma_start3A_51] : memref<40x125xi32, #tpu.memory_space<vmem>> -> memref<1x125xi32, #tpu.memory_space<vmem>>
      %dma_start3A_53 = tpu.memref_squeeze %dma_start3A_52 : memref<1x125xi32, #tpu.memory_space<vmem>> -> memref<125xi32, #tpu.memory_space<vmem>>
      %dma_start3A_54 = arith.constant 0 : i32
      %dma_start3A_55 = arith.constant 0 : i32
      %dma_start3A_56 = tpu.memref_slice %arg2[%dma_start3A_54, %dma_start3A_55] : memref<10000x128xf32, #tpu.memory_space<hbm>> -> memref<10000x128xf32, #tpu.memory_space<hbm>>
      tpu.enqueue_indirect_dma source(%dma_start3A_56 : memref<10000x128xf32, #tpu.memory_space<hbm>>) target(%arg9 : memref<125x128xf32, #tpu.memory_space<vmem>>) offsets(%dma_start3A_53 : memref<125xi32, #tpu.memory_space<vmem>>) semaphore(%arg12 : memref<!tpu.dma_semaphore, #tpu.memory_space<semaphore_mem>>)
      "tpu.region"() ({
        %run_scoped3A = tpu.sem_alloc : memref<!tpu.dma_semaphore, #tpu.memory_space<semaphore_mem>>
        %dma_start3A_71 = arith.constant 0 : i32
        %dma_start3A_72 = tpu.memref_slice %arg7[%add3A_43, %dma_start3A_71] : memref<40x125xi32, #tpu.memory_space<vmem>> -> memref<1x125xi32, #tpu.memory_space<vmem>>
        %dma_start3A_73 = tpu.memref_squeeze %dma_start3A_72 : memref<1x125xi32, #tpu.memory_space<vmem>> -> memref<125xi32, #tpu.memory_space<vmem>>
        %dma_start3A_74 = arith.constant 0 : i32
        %dma_start3A_75 = arith.constant 0 : i32
        %dma_start3A_76 = tpu.memref_slice %arg10[%dma_start3A_74, %dma_start3A_75] : memref<10000x128xf32, #tpu.memory_space<vmem_shared>> -> memref<10000x128xf32, #tpu.memory_space<vmem_shared>>
        tpu.enqueue_indirect_dma source(%arg8 : memref<125x128xf32, #tpu.memory_space<vmem>>) target(%dma_start3A_76 : memref<10000x128xf32, #tpu.memory_space<vmem_shared>>) offsets(%dma_start3A_73 : memref<125xi32, #tpu.memory_space<vmem>>) semaphore(%run_scoped3A : memref<!tpu.dma_semaphore, #tpu.memory_space<semaphore_mem>>) {add = true}
        %dma_wait3A_77 = arith.constant 0 : i32
        %dma_wait3A_78 = tpu.memref_slice %arg7[%add3A_43, %dma_wait3A_77] : memref<40x125xi32, #tpu.memory_space<vmem>> -> memref<1x125xi32, #tpu.memory_space<vmem>>
        %dma_wait3A_79 = tpu.memref_squeeze %dma_wait3A_78 : memref<1x125xi32, #tpu.memory_space<vmem>> -> memref<125xi32, #tpu.memory_space<vmem>>
        %dma_wait3A_80 = arith.constant 0 : i32
        %dma_wait3A_81 = arith.constant 0 : i32
        %dma_wait3A_82 = tpu.memref_slice %arg10[%dma_wait3A_80, %dma_wait3A_81] : memref<10000x128xf32, #tpu.memory_space<vmem_shared>> -> memref<10000x128xf32, #tpu.memory_space<vmem_shared>>
        tpu.wait_indirect_dma semaphore(%run_scoped3A : memref<!tpu.dma_semaphore, #tpu.memory_space<semaphore_mem>>) src(%arg8 : memref<125x128xf32, #tpu.memory_space<vmem>>) dst(%dma_wait3A_82 : memref<10000x128xf32, #tpu.memory_space<vmem_shared>>)
        tpu.yield
      }) : () -> ()
      %add3A_57 = arith.constant 1 : i32
      %add3A_58 = arith.addi %add3A_43, %add3A_57 : i32
      %dma_wait3A_59 = arith.constant 0 : i32
      %dma_wait3A_60 = tpu.memref_slice %arg6[%add3A_58, %dma_wait3A_59] : memref<40x125xi32, #tpu.memory_space<vmem>> -> memref<1x125xi32, #tpu.memory_space<vmem>>
      %dma_wait3A_61 = tpu.memref_squeeze %dma_wait3A_60 : memref<1x125xi32, #tpu.memory_space<vmem>> -> memref<125xi32, #tpu.memory_space<vmem>>
      %dma_wait3A_62 = arith.constant 0 : i32
      %dma_wait3A_63 = arith.constant 0 : i32
      %dma_wait3A_64 = tpu.memref_slice %arg2[%dma_wait3A_62, %dma_wait3A_63] : memref<10000x128xf32, #tpu.memory_space<hbm>> -> memref<10000x128xf32, #tpu.memory_space<hbm>>
      tpu.wait_indirect_dma semaphore(%arg12 : memref<!tpu.dma_semaphore, #tpu.memory_space<semaphore_mem>>) src(%dma_wait3A_64 : memref<10000x128xf32, #tpu.memory_space<hbm>>) dst(%arg9 : memref<125x128xf32, #tpu.memory_space<vmem>>)
      %add3A_65 = arith.constant 2 : i32
      %add3A_66 = arith.addi %add3A_43, %add3A_65 : i32
      %lt3A = arith.constant 40 : i32
      %lt3A_67 = arith.cmpi slt, %add3A_66, %lt3A : i32
      %convert_element_type3A = arith.extui %lt3A_67 : i1 to i32
      %cond3A = arith.constant 0 : i32
      %cond3A_68 = arith.cmpi ne, %convert_element_type3A, %cond3A : i32
      scf.if %cond3A_68 {
        %add3A_71 = arith.constant 2 : i32
        %add3A_72 = arith.addi %add3A_43, %add3A_71 : i32
        %dma_start3A_73 = arith.constant 0 : i32
        %dma_start3A_74 = tpu.memref_slice %arg6[%add3A_72, %dma_start3A_73] : memref<40x125xi32, #tpu.memory_space<vmem>> -> memref<1x125xi32, #tpu.memory_space<vmem>>
        %dma_start3A_75 = tpu.memref_squeeze %dma_start3A_74 : memref<1x125xi32, #tpu.memory_space<vmem>> -> memref<125xi32, #tpu.memory_space<vmem>>
        %dma_start3A_76 = arith.constant 0 : i32
        %dma_start3A_77 = arith.constant 0 : i32
        %dma_start3A_78 = tpu.memref_slice %arg2[%dma_start3A_76, %dma_start3A_77] : memref<10000x128xf32, #tpu.memory_space<hbm>> -> memref<10000x128xf32, #tpu.memory_space<hbm>>
        tpu.enqueue_indirect_dma source(%dma_start3A_78 : memref<10000x128xf32, #tpu.memory_space<hbm>>) target(%arg8 : memref<125x128xf32, #tpu.memory_space<vmem>>) offsets(%dma_start3A_75 : memref<125xi32, #tpu.memory_space<vmem>>) semaphore(%arg11 : memref<!tpu.dma_semaphore, #tpu.memory_space<semaphore_mem>>)
      } else {
      }
      %add3A_69 = arith.constant 1 : i32
      %add3A_70 = arith.addi %add3A_43, %add3A_69 : i32
      "tpu.region"() ({
        %run_scoped3A = tpu.sem_alloc : memref<!tpu.dma_semaphore, #tpu.memory_space<semaphore_mem>>
        %dma_start3A_71 = arith.constant 0 : i32
        %dma_start3A_72 = tpu.memref_slice %arg7[%add3A_70, %dma_start3A_71] : memref<40x125xi32, #tpu.memory_space<vmem>> -> memref<1x125xi32, #tpu.memory_space<vmem>>
        %dma_start3A_73 = tpu.memref_squeeze %dma_start3A_72 : memref<1x125xi32, #tpu.memory_space<vmem>> -> memref<125xi32, #tpu.memory_space<vmem>>
        %dma_start3A_74 = arith.constant 0 : i32
        %dma_start3A_75 = arith.constant 0 : i32
        %dma_start3A_76 = tpu.memref_slice %arg10[%dma_start3A_74, %dma_start3A_75] : memref<10000x128xf32, #tpu.memory_space<vmem_shared>> -> memref<10000x128xf32, #tpu.memory_space<vmem_shared>>
        tpu.enqueue_indirect_dma source(%arg9 : memref<125x128xf32, #tpu.memory_space<vmem>>) target(%dma_start3A_76 : memref<10000x128xf32, #tpu.memory_space<vmem_shared>>) offsets(%dma_start3A_73 : memref<125xi32, #tpu.memory_space<vmem>>) semaphore(%run_scoped3A : memref<!tpu.dma_semaphore, #tpu.memory_space<semaphore_mem>>) {add = true}
        %dma_wait3A_77 = arith.constant 0 : i32
        %dma_wait3A_78 = tpu.memref_slice %arg7[%add3A_70, %dma_wait3A_77] : memref<40x125xi32, #tpu.memory_space<vmem>> -> memref<1x125xi32, #tpu.memory_space<vmem>>
        %dma_wait3A_79 = tpu.memref_squeeze %dma_wait3A_78 : memref<1x125xi32, #tpu.memory_space<vmem>> -> memref<125xi32, #tpu.memory_space<vmem>>
        %dma_wait3A_80 = arith.constant 0 : i32
        %dma_wait3A_81 = arith.constant 0 : i32
        %dma_wait3A_82 = tpu.memref_slice %arg10[%dma_wait3A_80, %dma_wait3A_81] : memref<10000x128xf32, #tpu.memory_space<vmem_shared>> -> memref<10000x128xf32, #tpu.memory_space<vmem_shared>>
        tpu.wait_indirect_dma semaphore(%run_scoped3A : memref<!tpu.dma_semaphore, #tpu.memory_space<semaphore_mem>>) src(%arg9 : memref<125x128xf32, #tpu.memory_space<vmem>>) dst(%dma_wait3A_82 : memref<10000x128xf32, #tpu.memory_space<vmem_shared>>)
        tpu.yield
      }) : () -> ()
    }
    %scan3A_32 = arith.constant 20 : i32
    %barrier3A_33 = arith.constant 0 : index
    tpu.barrier barrier_id(%barrier3A_33)
    %scan3A_34 = arith.constant 0 : i32
    %scan3A_35 = arith.constant 8 : i32
    %scan3A_36 = arith.addi %scan3A_34, %scan3A_35 : i32
    %scan3A_37 = arith.constant 1 : i32
    scf.for %scan3A_39 = %scan3A_34 to %scan3A_36 step %scan3A_37  : i32 {
      %mul3A_40 = arith.constant 1 : i32
      %mul3A_41 = arith.muli %scan3A_39, %mul3A_40 : i32
      %add3A_42 = arith.constant 0 : i32
      %add3A_43 = arith.addi %add3A_42, %mul3A_41 : i32
      %mul3A_44 = arith.constant 16 : i32
      %mul3A_45 = arith.muli %add3A_43, %mul3A_44 : i32
      %add3A_46 = arith.addi %mul3A_45, %arg1 : i32
      %lt3A = arith.constant 125 : i32
      %lt3A_47 = arith.cmpi slt, %add3A_46, %lt3A : i32
      %convert_element_type3A = arith.extui %lt3A_47 : i1 to i32
      %cond3A = arith.constant 0 : i32
      %cond3A_48 = arith.cmpi ne, %convert_element_type3A, %cond3A : i32
      scf.if %cond3A_48 {
        %mul3A_49 = arith.constant 80 : i32
        %mul3A_50 = arith.muli %add3A_46, %mul3A_49 : i32
        %mul3A_51 = arith.constant 80 : i32
        %mul3A_52 = arith.muli %add3A_46, %mul3A_51 : i32
        "tpu.region"() ({
          %run_scoped3A = tpu.sem_alloc : memref<!tpu.dma_semaphore, #tpu.memory_space<semaphore_mem>>
          %dma_start3A_53 = arith.constant 0 : i32
          %dma_start3A_54 = arith.constant 0 : i32
          %dma_start3A_55 = tpu.memref_slice %arg5[%arg0, %dma_start3A_53, %dma_start3A_54] : memref<2x10000x128xf32, #tpu.memory_space<hbm>> -> memref<1x10000x128xf32, #tpu.memory_space<hbm>>
          %dma_start3A_56 = tpu.memref_squeeze %dma_start3A_55 : memref<1x10000x128xf32, #tpu.memory_space<hbm>> -> memref<10000x128xf32, #tpu.memory_space<hbm>>
          %dma_start3A_57 = arith.constant 0 : i32
          %dma_start3A_58 = tpu.memref_slice %dma_start3A_56[%mul3A_52, %dma_start3A_57] : memref<10000x128xf32, #tpu.memory_space<hbm>> -> memref<80x128xf32, #tpu.memory_space<hbm>>
          %dma_start3A_59 = arith.constant 0 : i32
          %dma_start3A_60 = tpu.memref_slice %arg10[%mul3A_50, %dma_start3A_59] : memref<10000x128xf32, #tpu.memory_space<vmem_shared>> -> memref<80x128xf32, #tpu.memory_space<vmem_shared>>
          tpu.enqueue_dma source(%dma_start3A_60 : memref<80x128xf32, #tpu.memory_space<vmem_shared>>) target(%dma_start3A_58 : memref<80x128xf32, #tpu.memory_space<hbm>>) target_semaphore(%run_scoped3A : memref<!tpu.dma_semaphore, #tpu.memory_space<semaphore_mem>>)
          %dma_wait3A = arith.constant 0 : i32
          %dma_wait3A_61 = arith.constant 0 : i32
          %dma_wait3A_62 = tpu.memref_slice %arg5[%arg0, %dma_wait3A, %dma_wait3A_61] : memref<2x10000x128xf32, #tpu.memory_space<hbm>> -> memref<1x10000x128xf32, #tpu.memory_space<hbm>>
          %dma_wait3A_63 = tpu.memref_squeeze %dma_wait3A_62 : memref<1x10000x128xf32, #tpu.memory_space<hbm>> -> memref<10000x128xf32, #tpu.memory_space<hbm>>
          %dma_wait3A_64 = arith.constant 0 : i32
          %dma_wait3A_65 = tpu.memref_slice %dma_wait3A_63[%mul3A_52, %dma_wait3A_64] : memref<10000x128xf32, #tpu.memory_space<hbm>> -> memref<80x128xf32, #tpu.memory_space<hbm>>
          %dma_wait3A_66 = arith.constant 0 : i32
          %dma_wait3A_67 = tpu.memref_slice %arg10[%mul3A_50, %dma_wait3A_66] : memref<10000x128xf32, #tpu.memory_space<vmem_shared>> -> memref<80x128xf32, #tpu.memory_space<vmem_shared>>
          tpu.wait_dma2 semaphore(%run_scoped3A : memref<!tpu.dma_semaphore, #tpu.memory_space<semaphore_mem>>) src(%dma_wait3A_67 : memref<80x128xf32, #tpu.memory_space<vmem_shared>>) dst(%dma_wait3A_65 : memref<80x128xf32, #tpu.memory_space<hbm>>)
          tpu.yield
        }) : () -> ()
      } else {
      }
    }
    %scan3A_38 = arith.constant 8 : i32
    return
  }
}

module attributes {stable_mosaic.version = 14 : i64} {
  func.func @body(%arg0: i32, %arg1: memref<1000x128xf32, #tpu.memory_space<vmem>>, %arg2: memref<128x128xf32, #tpu.memory_space<vmem>>, %arg3: memref<1000x128xf32, #tpu.memory_space<vmem>>) attributes {dimension_semantics = [#tpu.dimension_semantics<arbitrary>], iteration_bounds = array<i64: 10>, scalar_prefetch = 0 : i64, scratch_operands = 0 : i64, tpu.core_type = #tpu.core_type<tc>, window_params = [{transform_indices = @transform_0, window_bounds = array<i64: 1000, 128>}, {pipeline_mode = #tpu.pipeline_mode<synchronous>, transform_indices = @transform_1, window_bounds = array<i64: 128, 128>}, {transform_indices = @transform_2, window_bounds = array<i64: 1000, 128>}]} {
    %get3A = arith.constant 0 : index
    %get3A_0 = arith.constant 0 : index
    %get3A_1 = vector.load %arg1[%get3A, %get3A_0] : memref<1000x128xf32, #tpu.memory_space<vmem>>, vector<1000x128xf32>
    %get3A_2 = arith.constant 0 : index
    %get3A_3 = arith.constant 0 : index
    %get3A_4 = vector.load %arg2[%get3A_2, %get3A_3] : memref<128x128xf32, #tpu.memory_space<vmem>>, vector<128x128xf32>
    %dot_general3A = arith.constant dense<0.000000e+00> : vector<1000x128xf32>
    %dot_general3A_5 = tpu.matmul %get3A_1, %get3A_4, %dot_general3A {dimension_numbers = #tpu.dot_dimension_numbers<[1], [0], [0], [1], [0, 0, 1, 1], [], []>, transpose_lhs_hint = false} : vector<1000x128xf32>, vector<128x128xf32>, vector<1000x128xf32> -> vector<1000x128xf32>
    %swap3A = arith.constant 0 : index
    %swap3A_6 = arith.constant 0 : index
    %swap3A_7 = vector.load %arg3[%swap3A, %swap3A_6] : memref<1000x128xf32, #tpu.memory_space<vmem>>, vector<1000x128xf32>
    tpu.vector_store %arg3[%swap3A, %swap3A_6], %dot_general3A_5 {strides = array<i32>} : memref<1000x128xf32, #tpu.memory_space<vmem>>, vector<1000x128xf32>,
    return
  }
  func.func @transform_0(%arg0: i32) -> (i32, i32) {
    %c0_i32 = arith.constant 0 : i32
    %c0_i32_0 = arith.constant 0 : i32
    return %arg0, %c0_i32 : i32, i32
  }
  func.func @transform_1(%arg0: i32) -> (i32, i32) {
    %c0_i32 = arith.constant 0 : i32
    %c0_i32_0 = arith.constant 0 : i32
    %c0_i32_1 = arith.constant 0 : i32
    return %c0_i32, %c0_i32_0 : i32, i32
  }
  func.func @transform_2(%arg0: i32) -> (i32, i32) {
    %c0_i32 = arith.constant 0 : i32
    %c0_i32_0 = arith.constant 0 : i32
    return %arg0, %c0_i32 : i32, i32
  }
}

module attributes {stable_mosaic.version = 14 : i64} {
  func.func @body(%arg0: i32, %arg1: memref<1000x128xf32, #tpu.memory_space<vmem>>, %arg2: memref<2x1000x128xf32, #tpu.memory_space<vmem>>, %arg3: memref<1000x128xf32, #tpu.memory_space<vmem>>) attributes {dimension_semantics = [#tpu.dimension_semantics<arbitrary>], iteration_bounds = array<i64: 10>, scalar_prefetch = 0 : i64, scratch_operands = 0 : i64, tpu.core_type = #tpu.core_type<tc>, window_params = [{transform_indices = @transform_0, window_bounds = array<i64: 1000, 128>}, {transform_indices = @transform_1, window_bounds = array<i64: 2, 1000, 128>}, {transform_indices = @transform_2, window_bounds = array<i64: 1000, 128>}]} {
    %get3A = arith.constant 0 : index
    %get3A_0 = arith.constant 0 : index
    %get3A_1 = vector.load %arg1[%get3A, %get3A_0] : memref<1000x128xf32, #tpu.memory_space<vmem>>, vector<1000x128xf32>
    %get3A_2 = arith.constant 0 : index
    %get3A_3 = arith.constant 0 : index
    %get3A_4 = arith.constant 0 : index
    %get3A_5 = vector.load %arg2[%get3A_2, %get3A_3, %get3A_4] : memref<2x1000x128xf32, #tpu.memory_space<vmem>>, vector<1x1000x1xf32>
    %get3A_6 = vector.shape_cast %get3A_5 : vector<1x1000x1xf32> to vector<1000x1xf32>
    %get3A_7 = arith.constant 1 : index
    %get3A_8 = arith.constant 0 : index
    %get3A_9 = arith.constant 0 : index
    %get3A_10 = vector.load %arg2[%get3A_7, %get3A_8, %get3A_9] : memref<2x1000x128xf32, #tpu.memory_space<vmem>>, vector<1x1000x1xf32>
    %get3A_11 = vector.shape_cast %get3A_10 : vector<1x1000x1xf32> to vector<1000x1xf32>
    %add3A = arith.addf %get3A_6, %get3A_11 : vector<1000x1xf32>
    %add3A_12 = arith.constant 1.000000e+00 : f32
    %add3A_13 = vector.broadcast %add3A_12 : f32 to vector<1000x1xf32>
    %add3A_14 = arith.addf %add3A, %add3A_13 : vector<1000x1xf32>
    %rsqrt3A = math.rsqrt %add3A_14 : vector<1000x1xf32>
    %mul3A = vector.broadcast %rsqrt3A : vector<1000x1xf32> to vector<1000x128xf32>
    %mul3A_15 = arith.mulf %get3A_1, %mul3A : vector<1000x128xf32>
    %swap3A = arith.constant 0 : index
    %swap3A_16 = arith.constant 0 : index
    %swap3A_17 = vector.load %arg3[%swap3A, %swap3A_16] : memref<1000x128xf32, #tpu.memory_space<vmem>>, vector<1000x128xf32>
    tpu.vector_store %arg3[%swap3A, %swap3A_16], %mul3A_15 {strides = array<i32>} : memref<1000x128xf32, #tpu.memory_space<vmem>>, vector<1000x128xf32>,
    return
  }
  func.func @transform_0(%arg0: i32) -> (i32, i32) {
    %c0_i32 = arith.constant 0 : i32
    %c0_i32_0 = arith.constant 0 : i32
    return %arg0, %c0_i32 : i32, i32
  }
  func.func @transform_1(%arg0: i32) -> (i32, i32, i32) {
    %c0_i32 = arith.constant 0 : i32
    %c0_i32_0 = arith.constant 0 : i32
    %c0_i32_1 = arith.constant 0 : i32
    return %c0_i32, %arg0, %c0_i32_0 : i32, i32, i32
  }
  func.func @transform_2(%arg0: i32) -> (i32, i32) {
    %c0_i32 = arith.constant 0 : i32
    %c0_i32_0 = arith.constant 0 : i32
    return %arg0, %c0_i32 : i32, i32
  }
}

module attributes {stable_mosaic.version = 14 : i64} {
  func.func @body(%arg0: i32, %arg1: memref<2x1000x128xf32, #tpu.memory_space<vmem>>, %arg2: memref<1000x128xf32, #tpu.memory_space<vmem>>, %arg3: memref<2x1000x128xf32, #tpu.memory_space<vmem>>, %arg4: memref<1x128xf32, #tpu.memory_space<vmem>>, %arg5: memref<128x128xf32, #tpu.memory_space<vmem>>, %arg6: memref<1000x128xf32, #tpu.memory_space<vmem>>) attributes {dimension_semantics = [#tpu.dimension_semantics<arbitrary>], iteration_bounds = array<i64: 10>, scalar_prefetch = 0 : i64, scratch_operands = 0 : i64, tpu.core_type = #tpu.core_type<tc>, window_params = [{transform_indices = @transform_0, window_bounds = array<i64: 2, 1000, 128>}, {transform_indices = @transform_1, window_bounds = array<i64: 1000, 128>}, {transform_indices = @transform_2, window_bounds = array<i64: 2, 1000, 128>}, {pipeline_mode = #tpu.pipeline_mode<synchronous>, transform_indices = @transform_3, window_bounds = array<i64: 1, 128>}, {pipeline_mode = #tpu.pipeline_mode<synchronous>, transform_indices = @transform_4, window_bounds = array<i64: 128, 128>}, {transform_indices = @transform_5, window_bounds = array<i64: 1000, 128>}]} {
    %get3A = arith.constant 0 : index
    %get3A_0 = arith.constant 0 : index
    %get3A_1 = arith.constant 0 : index
    %get3A_2 = vector.load %arg3[%get3A, %get3A_0, %get3A_1] : memref<2x1000x128xf32, #tpu.memory_space<vmem>>, vector<1x1000x1xf32>
    %get3A_3 = vector.shape_cast %get3A_2 : vector<1x1000x1xf32> to vector<1000x1xf32>
    %get3A_4 = arith.constant 1 : index
    %get3A_5 = arith.constant 0 : index
    %get3A_6 = arith.constant 0 : index
    %get3A_7 = vector.load %arg3[%get3A_4, %get3A_5, %get3A_6] : memref<2x1000x128xf32, #tpu.memory_space<vmem>>, vector<1x1000x1xf32>
    %get3A_8 = vector.shape_cast %get3A_7 : vector<1x1000x1xf32> to vector<1000x1xf32>
    %add3A = arith.addf %get3A_3, %get3A_8 : vector<1000x1xf32>
    %add3A_9 = arith.constant 1.000000e+00 : f32
    %add3A_10 = vector.broadcast %add3A_9 : f32 to vector<1000x1xf32>
    %add3A_11 = arith.addf %add3A, %add3A_10 : vector<1000x1xf32>
    %rsqrt3A = math.rsqrt %add3A_11 : vector<1000x1xf32>
    %get3A_12 = arith.constant 0 : index
    %get3A_13 = arith.constant 0 : index
    %get3A_14 = arith.constant 0 : index
    %get3A_15 = vector.load %arg1[%get3A_12, %get3A_13, %get3A_14] : memref<2x1000x128xf32, #tpu.memory_space<vmem>>, vector<1x1000x128xf32>
    %get3A_16 = vector.shape_cast %get3A_15 : vector<1x1000x128xf32> to vector<1000x128xf32>
    %get3A_17 = arith.constant 1 : index
    %get3A_18 = arith.constant 0 : index
    %get3A_19 = arith.constant 0 : index
    %get3A_20 = vector.load %arg1[%get3A_17, %get3A_18, %get3A_19] : memref<2x1000x128xf32, #tpu.memory_space<vmem>>, vector<1x1000x128xf32>
    %get3A_21 = vector.shape_cast %get3A_20 : vector<1x1000x128xf32> to vector<1000x128xf32>
    %add3A_22 = arith.addf %get3A_16, %get3A_21 : vector<1000x128xf32>
    %get3A_23 = arith.constant 0 : index
    %get3A_24 = arith.constant 0 : index
    %get3A_25 = vector.load %arg2[%get3A_23, %get3A_24] : memref<1000x128xf32, #tpu.memory_space<vmem>>, vector<1000x128xf32>
    %add3A_26 = arith.addf %add3A_22, %get3A_25 : vector<1000x128xf32>
    %mul3A = vector.broadcast %rsqrt3A : vector<1000x1xf32> to vector<1000x128xf32>
    %mul3A_27 = arith.mulf %mul3A, %add3A_26 : vector<1000x128xf32>
    %get3A_28 = arith.constant 0 : index
    %get3A_29 = arith.constant 0 : index
    %get3A_30 = vector.load %arg4[%get3A_28, %get3A_29] : memref<1x128xf32, #tpu.memory_space<vmem>>, vector<1x128xf32>
    %add3A_31 = vector.broadcast %get3A_30 : vector<1x128xf32> to vector<1000x128xf32>
    %add3A_32 = arith.addf %mul3A_27, %add3A_31 : vector<1000x128xf32>
    %max3A = arith.constant 0.000000e+00 : f32
    %max3A_33 = vector.broadcast %max3A : f32 to vector<1000x128xf32>
    %max3A_34 = arith.maximumf %add3A_32, %max3A_33 : vector<1000x128xf32>
    %get3A_35 = arith.constant 0 : index
    %get3A_36 = arith.constant 0 : index
    %get3A_37 = vector.load %arg5[%get3A_35, %get3A_36] : memref<128x128xf32, #tpu.memory_space<vmem>>, vector<128x128xf32>
    %dot_general3A = arith.constant dense<0.000000e+00> : vector<1000x128xf32>
    %dot_general3A_38 = tpu.matmul %max3A_34, %get3A_37, %dot_general3A {dimension_numbers = #tpu.dot_dimension_numbers<[1], [0], [0], [1], [0, 0, 1, 1], [], []>, transpose_lhs_hint = false} : vector<1000x128xf32>, vector<128x128xf32>, vector<1000x128xf32> -> vector<1000x128xf32>
    %mul3A_39 = vector.broadcast %rsqrt3A : vector<1000x1xf32> to vector<1000x128xf32>
    %mul3A_40 = arith.mulf %dot_general3A_38, %mul3A_39 : vector<1000x128xf32>
    %swap3A = arith.constant 0 : index
    %swap3A_41 = arith.constant 0 : index
    %swap3A_42 = vector.load %arg6[%swap3A, %swap3A_41] : memref<1000x128xf32, #tpu.memory_space<vmem>>, vector<1000x128xf32>
    tpu.vector_store %arg6[%swap3A, %swap3A_41], %mul3A_40 {strides = array<i32>} : memref<1000x128xf32, #tpu.memory_space<vmem>>, vector<1000x128xf32>,
    return
  }
  func.func @transform_0(%arg0: i32) -> (i32, i32, i32) {
    %c0_i32 = arith.constant 0 : i32
    %c0_i32_0 = arith.constant 0 : i32
    %c0_i32_1 = arith.constant 0 : i32
    return %c0_i32, %arg0, %c0_i32_0 : i32, i32, i32
  }
  func.func @transform_1(%arg0: i32) -> (i32, i32) {
    %c0_i32 = arith.constant 0 : i32
    %c0_i32_0 = arith.constant 0 : i32
    return %arg0, %c0_i32 : i32, i32
  }
  func.func @transform_2(%arg0: i32) -> (i32, i32, i32) {
    %c0_i32 = arith.constant 0 : i32
    %c0_i32_0 = arith.constant 0 : i32
    %c0_i32_1 = arith.constant 0 : i32
    return %c0_i32, %arg0, %c0_i32_0 : i32, i32, i32
  }
  func.func @transform_3(%arg0: i32) -> (i32, i32) {
    %c0_i32 = arith.constant 0 : i32
    %c0_i32_0 = arith.constant 0 : i32
    %c0_i32_1 = arith.constant 0 : i32
    return %c0_i32, %c0_i32_0 : i32, i32
  }
  func.func @transform_4(%arg0: i32) -> (i32, i32) {
    %c0_i32 = arith.constant 0 : i32
    %c0_i32_0 = arith.constant 0 : i32
    %c0_i32_1 = arith.constant 0 : i32
    return %c0_i32, %c0_i32_0 : i32, i32
  }
  func.func @transform_5(%arg0: i32) -> (i32, i32) {
    %c0_i32 = arith.constant 0 : i32
    %c0_i32_0 = arith.constant 0 : i32
    return %arg0, %c0_i32 : i32, i32
  }
}

module attributes {stable_mosaic.version = 14 : i64} {
  func.func @body(%arg0: i32, %arg1: memref<2x1000x128xf32, #tpu.memory_space<vmem>>, %arg2: memref<1000x128xf32, #tpu.memory_space<vmem>>, %arg3: memref<2x1000x128xf32, #tpu.memory_space<vmem>>, %arg4: memref<1x128xf32, #tpu.memory_space<vmem>>, %arg5: memref<1000x128xf32, #tpu.memory_space<vmem>>) attributes {dimension_semantics = [#tpu.dimension_semantics<arbitrary>], iteration_bounds = array<i64: 10>, scalar_prefetch = 0 : i64, scratch_operands = 0 : i64, tpu.core_type = #tpu.core_type<tc>, window_params = [{transform_indices = @transform_0, window_bounds = array<i64: 2, 1000, 128>}, {transform_indices = @transform_1, window_bounds = array<i64: 1000, 128>}, {transform_indices = @transform_2, window_bounds = array<i64: 2, 1000, 128>}, {pipeline_mode = #tpu.pipeline_mode<synchronous>, transform_indices = @transform_3, window_bounds = array<i64: 1, 128>}, {transform_indices = @transform_4, window_bounds = array<i64: 1000, 128>}]} {
    %get3A = arith.constant 0 : index
    %get3A_0 = arith.constant 0 : index
    %get3A_1 = arith.constant 0 : index
    %get3A_2 = vector.load %arg3[%get3A, %get3A_0, %get3A_1] : memref<2x1000x128xf32, #tpu.memory_space<vmem>>, vector<1x1000x1xf32>
    %get3A_3 = vector.shape_cast %get3A_2 : vector<1x1000x1xf32> to vector<1000x1xf32>
    %get3A_4 = arith.constant 1 : index
    %get3A_5 = arith.constant 0 : index
    %get3A_6 = arith.constant 0 : index
    %get3A_7 = vector.load %arg3[%get3A_4, %get3A_5, %get3A_6] : memref<2x1000x128xf32, #tpu.memory_space<vmem>>, vector<1x1000x1xf32>
    %get3A_8 = vector.shape_cast %get3A_7 : vector<1x1000x1xf32> to vector<1000x1xf32>
    %add3A = arith.addf %get3A_3, %get3A_8 : vector<1000x1xf32>
    %add3A_9 = arith.constant 1.000000e+00 : f32
    %add3A_10 = vector.broadcast %add3A_9 : f32 to vector<1000x1xf32>
    %add3A_11 = arith.addf %add3A, %add3A_10 : vector<1000x1xf32>
    %rsqrt3A = math.rsqrt %add3A_11 : vector<1000x1xf32>
    %get3A_12 = arith.constant 0 : index
    %get3A_13 = arith.constant 0 : index
    %get3A_14 = arith.constant 0 : index
    %get3A_15 = vector.load %arg1[%get3A_12, %get3A_13, %get3A_14] : memref<2x1000x128xf32, #tpu.memory_space<vmem>>, vector<1x1000x128xf32>
    %get3A_16 = vector.shape_cast %get3A_15 : vector<1x1000x128xf32> to vector<1000x128xf32>
    %get3A_17 = arith.constant 1 : index
    %get3A_18 = arith.constant 0 : index
    %get3A_19 = arith.constant 0 : index
    %get3A_20 = vector.load %arg1[%get3A_17, %get3A_18, %get3A_19] : memref<2x1000x128xf32, #tpu.memory_space<vmem>>, vector<1x1000x128xf32>
    %get3A_21 = vector.shape_cast %get3A_20 : vector<1x1000x128xf32> to vector<1000x128xf32>
    %add3A_22 = arith.addf %get3A_16, %get3A_21 : vector<1000x128xf32>
    %get3A_23 = arith.constant 0 : index
    %get3A_24 = arith.constant 0 : index
    %get3A_25 = vector.load %arg2[%get3A_23, %get3A_24] : memref<1000x128xf32, #tpu.memory_space<vmem>>, vector<1000x128xf32>
    %add3A_26 = arith.addf %add3A_22, %get3A_25 : vector<1000x128xf32>
    %mul3A = vector.broadcast %rsqrt3A : vector<1000x1xf32> to vector<1000x128xf32>
    %mul3A_27 = arith.mulf %mul3A, %add3A_26 : vector<1000x128xf32>
    %get3A_28 = arith.constant 0 : index
    %get3A_29 = arith.constant 0 : index
    %get3A_30 = vector.load %arg4[%get3A_28, %get3A_29] : memref<1x128xf32, #tpu.memory_space<vmem>>, vector<1x128xf32>
    %add3A_31 = vector.broadcast %get3A_30 : vector<1x128xf32> to vector<1000x128xf32>
    %add3A_32 = arith.addf %mul3A_27, %add3A_31 : vector<1000x128xf32>
    %max3A = arith.constant 0.000000e+00 : f32
    %max3A_33 = vector.broadcast %max3A : f32 to vector<1000x128xf32>
    %max3A_34 = arith.maximumf %add3A_32, %max3A_33 : vector<1000x128xf32>
    %swap3A = arith.constant 0 : index
    %swap3A_35 = arith.constant 0 : index
    %swap3A_36 = vector.load %arg5[%swap3A, %swap3A_35] : memref<1000x128xf32, #tpu.memory_space<vmem>>, vector<1000x128xf32>
    tpu.vector_store %arg5[%swap3A, %swap3A_35], %max3A_34 {strides = array<i32>} : memref<1000x128xf32, #tpu.memory_space<vmem>>, vector<1000x128xf32>,
    return
  }
  func.func @transform_0(%arg0: i32) -> (i32, i32, i32) {
    %c0_i32 = arith.constant 0 : i32
    %c0_i32_0 = arith.constant 0 : i32
    %c0_i32_1 = arith.constant 0 : i32
    return %c0_i32, %arg0, %c0_i32_0 : i32, i32, i32
  }
  func.func @transform_1(%arg0: i32) -> (i32, i32) {
    %c0_i32 = arith.constant 0 : i32
    %c0_i32_0 = arith.constant 0 : i32
    return %arg0, %c0_i32 : i32, i32
  }
  func.func @transform_2(%arg0: i32) -> (i32, i32, i32) {
    %c0_i32 = arith.constant 0 : i32
    %c0_i32_0 = arith.constant 0 : i32
    %c0_i32_1 = arith.constant 0 : i32
    return %c0_i32, %arg0, %c0_i32_0 : i32, i32, i32
  }
  func.func @transform_3(%arg0: i32) -> (i32, i32) {
    %c0_i32 = arith.constant 0 : i32
    %c0_i32_0 = arith.constant 0 : i32
    %c0_i32_1 = arith.constant 0 : i32
    return %c0_i32, %c0_i32_0 : i32, i32
  }
  func.func @transform_4(%arg0: i32) -> (i32, i32) {
    %c0_i32 = arith.constant 0 : i32
    %c0_i32_0 = arith.constant 0 : i32
    return %arg0, %c0_i32 : i32, i32
  }
}

</mosaic_0001>

<sc_bundles>
// kernel: kernel.12.cloned.1.call-start
scs
__scs_entry_jumppad:
0x0: {  	(pc) =	sbr.rel $0x88, $3  }
0x1: {  	(tag) =	ssettag $0x0;
	lr =	simm.s32 $0x1  }
0x2: {  	[smem:$0x3F9B] =	sst lr;
	_ =	strace $0xD0000000  }
0x3: {  	_ = 	snop  }
0x4: {  	_ = 	snop  }
0x5: {  	_ = 	snop  }
0x6: {  	_ = 	snop  }
0x7: {  	_ = 	snop  }
__scs_overlays_trampoline_lowered:
0x8: {  	[smem:$0x3FAA] =	sst s0  }
0x9: {  	[smem:$0x3FAB] =	sst s1  }
0xa: {  	[smem:$0x3FAC] =	sst s2  }
0xb: {  	[smem:$0x3FAD] =	sst s3  }
0xc: {  	[smem:$0x3FAE] =	sst s4  }
0xd: {  	[smem:$0x3FAF] =	sst s5  }
0xe: {  	[smem:$0x3FB0] =	sst s6  }
0xf: {  	[smem:$0x3FB1] =	sst s7  }
0x10: {  	[smem:$0x3FB2] =	sst s8  }
0x11: {  	[smem:$0x3FB3] =	sst s9;
	s0 =	simm.s32 @!p0 $0x0  }
0x12: {  	s1 =	sld [smem:$0x3F99];
	s0 =	simm.s32 @p0 $0x1  }
0x13: {  	[smem:$0x3FB4] =	sst s0;
	s0 =	simm.s32 @!p1 $0x0  }
0x14: {  	s2 =	sld [smem:$0x3F98];
	s0 =	simm.s32 @p1 $0x1  }
0x15: {  	[smem:$0x3FB5] =	sst s0;
	s0 =	simm.s32 @!p2 $0x0  }
0x16: {  	s3 =	sld [smem:$0x3FDB];
	s0 =	simm.s32 @p2 $0x1  }
0x17: {  	s4 =	simm.s32 $0x1BF5;
	[smem:$0x3FB7] =	sst s0  }
0x18: {  	s0 =	sld [smem:$0x3F9A];
	_ =	swait.ge [sflag:s4], $0x0  }
0x19: {  	s7 =	sld [smem:$0x3F9B]  }
0x1a: {  	s8 =	sadd.s32 $0xFFFFE003, lr  }
0x1b: {  	s9 =	sadd.s32 $0xFFFFFEF7, lr;
	s5 =	simm.s32 $0xFFFFFFFF;
	p2 =	slt.u32 s8, $0xFFFFF086  }
0x1c: {  	p1 =	slt.u32 s9, $0xF7A;
	s5 =	simm.s32 @!p2 $0x0  }
0x1d: {  	s5 =	simm.s32 @p1 $0x1;
	p0 =	seq.s32 s7, s2  }
0x1e: {  	s7 =	smul.u32 @!p0 $0xF7A, s2;
	p2 =	seq.s32 @!p0 s5, $0x0  }
0x1f: {  	s9 =	smul.u32 $0xF7A, s1;
	s8 =	simm.s32 @!p0 $0x1BF5;
	p2 =	por !p2, p0  }
0x20: {  	[sflag:s8] =	ssyncset.s32 @!p0 $0xFFFFF086;
	s6 =	sadd.s32 @!p0 s3, s7;
	s7 =	simm.s32 @!p0 $0x108  }
0x21: {  	s3 =	sadd.s32 s3, s9;
	s6 =	sadd.s32 @!p0 $0x88, s6;
	s7 =	simm.s32 @p2 $0x1082  }
0x22: {  	[simem:s7], [sflag:s8] =	dma.local @!p0 [hbm:s6], $0xF7A  }
0x23: {  	s9 =	sor.u32 $0xD0000000, s2;
	s6 =	simm.s32 $0x108;
	_ =	swait.ge @!p0 [sflag:s8], $0x0  }
0x24: {  	s3 =	sadd.s32 $0x88, s3;
	s6 =	simm.s32 @!p1 $0x1082;
	[sflag:s4] =	ssyncset.s32 $0xFFFFF086  }
0x25: {  	[simem:s6], [sflag:s4] =	dma.local [hbm:s3], $0xF7A  }
0x26: {  	[smem:$0x3F9B] =	sst s1;
	(tag) =	ssettag s2;
	_ =	strace s9  }
0x27: {  	s1 =	sld [smem:$0x3FAB]  }
0x28: {  	s2 =	sld [smem:$0x3FAC]  }
0x29: {  	s4 =	sld [smem:$0x3FAE]  }
0x2a: {  	p0 =	seq.s32 s5, $0x0;
	s5 =	sld [smem:$0x3FAF]  }
0x2b: {  	s6 =	sld [smem:$0x3FB0]  }
0x2c: {  	s7 =	sld [smem:$0x3FB1]  }
0x2d: {  	s3 =	simm.s32 $0x108;
	s8 =	sld [smem:$0x3FB2]  }
0x2e: {  	s3 =	simm.s32 @!p0 $0x1082;
	s9 =	sld [smem:$0x3FB3]  }
0x2f: {  	lr =	sadd.s32 s0, s3;
	s0 =	sld [smem:$0x3FAA]  }
0x30: {  	s3 =	sld [smem:$0x3FAD]  }
0x31: {  	[smem:$0x3FB6] =	sst s10  }
0x32: {  	s10 =	sld [smem:$0x3FB4];
	_ =	sdelay $0x3  }
0x33: {  	p0 =	seq.s32 s10, $0x1;
	s10 =	sld [smem:$0x3FB6];
	_ =	sdelay $0x3  }
0x34: {  	[smem:$0x3FB6] =	sst s10  }
0x35: {  	s10 =	sld [smem:$0x3FB5];
	_ =	sdelay $0x3  }
0x36: {  	p1 =	seq.s32 s10, $0x1;
	s10 =	sld [smem:$0x3FB6];
	_ =	sdelay $0x3  }
0x37: {  	[smem:$0x3FB6] =	sst s10  }
0x38: {  	s10 =	sld [smem:$0x3FB7]  }
0x39: {  	_ = 	snop;
	(pc) =	sbr.ind lr, $3  }
0x3a: {  	_ = 	snop  }
0x3b: {  	_ = 	snop  }
0x3c: {  	p2 =	seq.s32 s10, $0x1;
	s10 =	sld [smem:$0x3FB6]  }
0x3d: {  	_ =	shalt  }
0x3e: {  	_ =	shalt  }
0x3f: {  	_ =	shalt  }
0x40: {  	_ =	shalt  }
0x41: {  	_ =	shalt  }
0x42: {  	_ =	shalt  }
0x43: {  	_ =	shalt  }
0x44: {  	_ =	shalt  }
0x45: {  	_ =	shalt  }
0x46: {  	_ =	shalt  }
0x47: {  	_ =	shalt  }
0x48: {  	_ =	shalt  }
0x49: {  	_ =	shalt  }
0x4a: {  	_ =	shalt  }
0x4b: {  	_ =	shalt  }
0x4c: {  	_ =	shalt  }
0x4d: {  	_ =	shalt  }
0x4e: {  	_ =	shalt  }
0x4f: {  	_ =	shalt  }
0x50: {  	_ =	shalt  }
0x51: {  	_ =	shalt  }
0x52: {  	_ =	shalt  }
0x53: {  	_ =	shalt  }
0x54: {  	_ =	shalt  }
0x55: {  	_ =	shalt  }
0x56: {  	_ =	shalt  }
0x57: {  	_ =	shalt  }
0x58: {  	_ =	shalt  }
0x59: {  	_ =	shalt  }
0x5a: {  	_ =	shalt  }
0x5b: {  	_ =	shalt  }
0x5c: {  	_ =	shalt  }
0x5d: {  	_ =	shalt  }
0x5e: {  	_ =	shalt  }
0x5f: {  	_ =	shalt  }
0x60: {  	_ =	shalt  }
0x61: {  	_ =	shalt  }
0x62: {  	_ =	shalt  }
0x63: {  	_ =	shalt  }
0x64: {  	_ =	shalt  }
0x65: {  	_ =	shalt  }
0x66: {  	_ =	shalt  }
0x67: {  	_ =	shalt  }
0x68: {  	_ =	shalt  }
0x69: {  	_ =	shalt  }
0x6a: {  	_ =	shalt  }
0x6b: {  	_ =	shalt  }
0x6c: {  	_ =	shalt  }
0x6d: {  	_ =	shalt  }
0x6e: {  	_ =	shalt  }
0x6f: {  	_ =	shalt  }
0x70: {  	_ =	shalt  }
0x71: {  	_ =	shalt  }
0x72: {  	_ =	shalt  }
0x73: {  	_ =	shalt  }
0x74: {  	_ =	shalt  }
0x75: {  	_ =	shalt  }
0x76: {  	_ =	shalt  }
0x77: {  	_ =	shalt  }
0x78: {  	_ =	shalt  }
0x79: {  	_ =	shalt  }
0x7a: {  	_ =	shalt  }
0x7b: {  	_ =	shalt  }
0x7c: {  	_ =	shalt  }
0x7d: {  	_ =	shalt  }
0x7e: {  	_ =	shalt  }
0x7f: {  	_ =	shalt  }
0x80: {  	_ =	shalt  }
0x81: {  	_ =	shalt  }
0x82: {  	_ =	shalt  }
0x83: {  	_ =	shalt  }
0x84: {  	_ =	shalt  }
0x85: {  	_ =	shalt  }
0x86: {  	_ =	shalt  }
0x87: {  	_ =	shalt  }
.Lfunc_end0:
.L_simem_size_0:
called_computation.1_lowered:
.L_overlay_start_0:
0x88: {  	s2 =	sld [smem:$0x3FD9]  }
0x89: {  	s3 =	sld [smem:$0x3FFE];
	_ =	sdelay $0x1  }
0x8a: {  	s1 =	srdreg.scid  }
0x8b: {  	s0 =	sand.u32 $0x1, s1  }
0x8c: {  	s17 =	sshll.u32 s0, $0xA;
	s2 =	sadd.s32 s3, s2  }
0x8d: {  	s2 =	sadd.s32 s2, s17  }
0x8e: {  	[smem:$0x3FC2] =	sst s2  }
0x8f: {  	_ = 	snop  }
0x90: {  	s2 =	sld [smem:$0x3FD0];
	(tm) =	ssettm $0x1  }
0x91: {  	s18 =	sld [smem:$0x3FFB];
	_ =	sdelay $0x3  }
0x92: {  	_ =	strace s18  }
0x93: {  	s3 =	sld [smem:$0x3FFC];
	_ =	sdelay $0x3  }
0x94: {  	_ =	strace s3  }
0x95: {  	s3 =	sld [smem:$0x3FFD];
	_ =	sdelay $0x3  }
0x96: {  	_ =	strace s3  }
0x97: {  	_ =	strace $0x8FFFFFFF  }
0x98: {  	s19 =	sld [smem:$0x3FDB];
	_ =	sdelay $0x1  }
0x99: {  	s4 =	simm.s32 $_scs_section_size  }
0x9a: {  	s5 =	simm.s32 $_size__tile_overlayer_lowered;
	s6 =	simm.s32 $_tile_overlayer_lowered  }
0x9b: {  	s22 =	simm.s32 $0x1BFF;
	s21 =	sshll.u32 s6, $0x1;
	s3 =	sadd.s32 s4, s19  }
0x9c: {  	s7 =	simm.s32 $0x0;
	s20 =	sshll.u32 s5, $0x1;
	s5 =	sadd.s32 s21, s3  }
0x9d: {  	[timem:s7], [sflag:s22] =	dma.local [hbm:s5], s20  }
0x9e: {  	_ =	swait.ge [sflag:s22], s20  }
0x9f: {  	s4 =	ssub.s32 $0x0, s20;
	[sflag:s22] =	ssyncset.done $0x0  }
0xa0: {  	[sflag:s22] =	ssyncadd.s32 s4;
	_ =	sdelay $0x1  }
0xa1: {  	s23 =	simm.s32 $0x1B8B  }
0xa2: {  	_ =	swait.ge [sflag:s23], $0x1  }
0xa3: {  	[sflag:s23] =	ssyncset.done $0x0  }
0xa4: {  	s25 =	simm.s32 $0x1B8E;
	s24 =	sld [smem:$0x3FFE];
	[sflag:s23] =	ssyncadd.s32 $0xFFFFFFFF  }
0xa5: {  	s26 =	simm.s32 $execute0_lowered;
	[smem:$0x3FD2] =	sst s25  }
0xa6: {  	s5 =	sshll.u32 s26, $0x1;
	_ =	strace $0x80000049;
	[dreg:$0x1] =	wrdreg $0xFFFFFFFF  }
0xa7: {  	s28 =	simm.s32 $_size_execute0_lowered;
	s3 =	sadd.s32 s3, s5;
	[dreg:$0x0] =	wrdreg $0x0  }
0xa8: {  	s5 =	sshll.u32 s28, $0x1;
	[dreg:$0x2] =	wrdreg s3  }
0xa9: {  	[dreg:$0x3] =	wrdreg s5  }
0xaa: {  	[dreg:$0x4] =	wrdreg $0xC0  }
0xab: {  	_ =	task [dreg:s7], $0x5FFFF  }
0xac: {  	[dreg:$0x1] =	wrdreg $0xFFFFFFFF  }
0xad: {  	[dreg:$0x0] =	wrdreg $0x60  }
0xae: {  	[dreg:$0x2] =	wrdreg s2  }
0xaf: {  	[dreg:$0x3] =	wrdreg s24  }
0xb0: {  	[dreg:$0x4] =	wrdreg $0xA8000  }
0xb1: {  	[dreg:$0x5] =	wrdreg $0x9  }
0xb2: {  	_ =	task.clear_ibuf [dreg:s7], $0x6FFFF;
	_ =	strace $0x90000049  }
0xb3: {  	s29 =	simm.s32 $0x9;
	_ =	strace $0x8000004B  }
0xb4: {  	_ =	swait.ge [sflag:s29], $0x1  }
0xb5: {  	[sflag:s29] =	ssyncadd.s32 $0xFFFFFFFF  }
0xb6: {  	_ =	strace $0x9000004B  }
0xb7: {  	_ =	sfence  }
0xb8: {  	s30 =	sld [smem:$0x0];
	_ =	sdelay $0x2  }
0xb9: {  	s31 =	sshll.u32 s1, $0xD;
	s1 =	sshrl.u32 s1, $0x2  }
0xba: {  	s3 =	sand.u32 $0x4000, s31;
	s1 =	sadd.s32 s1, s30  }
0xbb: {  	s0 =	sor.u32 s3, s0;
	s1 =	sshll.u32 s1, $0x11  }
0xbc: {  	s0 =	sor.u32 s1, s0  }
0xbd: {  	s0 =	sadd.s32 $0x8F2B, s0  }
0xbe: {  	[sflag:s0] =	ssyncadd.remote.s32 $0x1  }
0xbf: {  	_ =	sfence.sel $0xFFFF  }
0xc0: {  	[dreg:$0x0] =	wrdreg $0xFFFFFFFF;
	(pc) =	sbr.abs _section_cstart, $3  }
0xc1: {  	[dreg:$0x1] =	wrdreg $0xFFFFFFFF  }
0xc2: {  	_ =	task.clear_ibuf [dreg:s7], $0x2FFFF;
	_ =	strace $0x9FFFFFFF  }
0xc3: {  	(tm) =	ssettm $0x7FFFFFFF  }
tec
execute0_lowered:
.L_overlay_start_1:
0x0: {  	(tag) =	ssettag $0x1  }
0x1: {  	s0 =	srdreg.scid  }
0x2: {  	s1 =	rddreg [dreg:$0x0];
	s22 =	stileid.u32  }
0x3: {  	s2 =	rddreg [dreg:$0x1];
	s0 =	sand.u32 $0x1, s0;
	s8 =	smul.u32 $0xA000, s22  }
0x4: {  	s3 =	rddreg [dreg:$0x2];
	s10 =	sor.u32 $0x10, s22;
	s6 =	smul.u32 $0x27100, s0  }
0x5: {  	s28 =	simm.s32 $0x7D;
	s11 =	sor.u32 $0x20, s22;
	s9 =	smul.u32 $0xA000, s10  }
0x6: {  	s29 =	simm.s32 $0x1;
	s13 =	sor.u32 $0x30, s22;
	s12 =	smul.u32 $0xA000, s11  }
0x7: {  	s30 =	simm.s32 $0x6800;
	s15 =	sor.u32 $0x40, s22;
	s14 =	smul.u32 $0xA000, s13  }
0x8: {  	s31 =	simm.s32 $0x2;
	s18 =	sor.u32 $0x60, s22;
	s16 =	smul.u32 $0xA000, s15  }
0x9: {  	s17 =	sor.u32 $0x50, s22;
	s20 =	sor.u32 $0x70, s22;
	s19 =	smul.u32 $0xA000, s18  }
0xa: {  	s4 =	sshll.u32 s0, $0x4;
	s0 =	ssub.s32 $0x2, s0;
	s21 =	smul.u32 $0xA000, s20  }
0xb: {  	s18 =	smul.u32 $0x500, s18;
	p0 =	sgt.u32 s20, $0x7C;
	s5 =	sor.u32 s22, s4  }
0xc: {  	s4 =	simm.s32 $0x0;
	s23 =	sshrl.u32 s0, $0x1;
	s22 =	smul.u32 $0x500, s22  }
0xd: {  	s24 =	sshrl.u32 s8, $0x2;
	s5 =	smul.u32 $0x500, s5;
	[smem:$0x7FF] =	sst s4  }
0xe: {  	s0 =	ssub.s32 s0, s23;
	s8 =	sadd.s32 s24, s3;
	s25 =	sshrl.u32 s9, $0x2  }
0xf: {  	s26 =	sshrl.u32 s12, $0x2;
	s23 =	smul.u32 $0x500, s10;
	s12 =	sshrl.u32 s14, $0x2  }
0x10: {  	s24 =	smul.u32 $0x500, s11;
	s14 =	sshrl.u32 s16, $0x2;
	s19 =	sshrl.u32 s19, $0x2  }
0x11: {  	s21 =	sshrl.u32 s21, $0x2;
	_ =	strace $0x8000004A;
	s0 =	smax.u32 s0, $0x1  }
0x12: {  	s9 =	sadd.s32 s25, s3;
	s10 =	sadd.s32 s26, s3;
	s11 =	sadd.s32 s12, s3  }
0x13: {  	s25 =	smul.u32 $0x500, s13;
	s12 =	sadd.s32 s14, s3;
	s7 =	sadd.s32 s5, s2  }
0x14: {  	s2 =	sadd.s32 s6, s2;
	[dreg:$0x4] =	wrdreg s0;
	s0 =	smul.u32 $0x500, s20  }
0x15: {  	s5 =	sadd.s32 $0x5A400, s7;
	s6 =	sadd.s32 $0x50400, s7;
	s7 =	smul.u32 $0xA000, s17  }
0x16: {  	s14 =	sadd.s32 s19, s3;
	s2 =	sadd.s32 $0x64400, s2;
	s17 =	smul.u32 $0x500, s17  }
0x17: {  	s22 =	sadd.s32 s22, s2;
	s23 =	sadd.s32 s23, s2;
	s26 =	sadd.s32 s24, s2  }
0x18: {  	s20 =	sadd.s32 s25, s2;
	s24 =	sadd.s32 @!p0 s0, s2;
	s25 =	simm.s32 $0x3  }
0x19: {  	s0 =	simm.s32 $0x2700;
	s16 =	sshrl.u32 s7, $0x2;
	[dreg:$0x5] =	wrdreg s22  }
0x1a: {  	s7 =	smul.u32 $0x500, s15;
	s15 =	sadd.s32 s21, s3;
	[dreg:$0x6] =	wrdreg s23  }
0x1b: {  	[dreg:$0x7] =	wrdreg s26;
	s22 =	sadd.s32 s17, s2;
	s23 =	sadd.s32 s18, s2  }
0x1c: {  	s26 =	simm.s32 $0x1400;
	s13 =	sadd.s32 s16, s3;
	s16 =	simm.s32 $0x2800  }
0x1d: {  	v0 =	vimm.f32 $0.0e+00;
	s21 =	sadd.s32 s7, s2;
	s2 =	simm.s32 $0x1380;
	s7 =	simm.s32 $0x2780  }
.LBB2_1:
0x1e: {  	s17 =	simm.s32 $0x70;
	s18 =	simm.s32 $0x3C0  }
.LBB2_2:
0x1f: {  	p1 =	sne.s32 s18, $0x9FC0;
	[tilespmem:s17+$0x2800] =	vst v0  }
0x20: {  	[tilespmem:s17+$0x2790] =	vst v0  }
0x21: {  	[tilespmem:s17+$0x27A0] =	vst v0  }
.Ltmp0:
0x22: {  	[tilespmem:s17+$0x27B0] =	vst v0;
	(pc) =	sbr.rel @p1 .LBB2_2-.Ltmp0, $4  }
0x23: {  	[tilespmem:s17+$0x27C0] =	vst v0  }
0x24: {  	[tilespmem:s17+$0x27D0] =	vst v0  }
0x25: {  	[tilespmem:s17+$0x27E0] =	vst v0  }
0x26: {  	[tilespmem:s17+$0x27F0] =	vst v0;
	s17 =	sshra.s32 s18, $0x2;
	s18 =	sadd.s32 $0x200, s18  }
0x27: {  	[tilespmem:s17+$0x2800] =	vst v0  }
0x28: {  	[tilespmem:s17+$0x2790] =	vst v0  }
0x29: {  	[tilespmem:s17+$0x27A0] =	vst v0  }
0x2a: {  	[tilespmem:s17+$0x27B0] =	vst v0  }
0x2b: {  	[tilespmem:s17+$0x27C0] =	vst v0  }
0x2c: {  	[tilespmem:s17+$0x27D0] =	vst v0  }
0x2d: {  	[tilespmem:s17+$0x27E0] =	vst v0  }
0x2e: {  	[tilespmem:s17+$0x27F0] =	vst v0  }
0x2f: {  	[spmem:s8] =	stream.linear.scatter [tilespmem:s16], [sflag:$0x3], $0x2800, $0x38;
	[tilespmem:$0x1E080] =	vst v63  }
0x30: {  	_ =	swait.ge [sflag:s25], $0x2800  }
0x31: {  	[sflag:s25] =	ssyncset.done $0x0  }
0x32: {  	[sflag:s25] =	ssyncadd.s32 $0xFFFFD800  }
0x33: {  	[spmem:s9] =	stream.linear.scatter [tilespmem:s16], [sflag:$0x3], $0x2800, $0x38;
	[tilespmem:$0x1E080] =	vst v63  }
0x34: {  	_ =	swait.ge [sflag:s25], $0x2800  }
0x35: {  	[sflag:s25] =	ssyncset.done $0x0  }
0x36: {  	[sflag:s25] =	ssyncadd.s32 $0xFFFFD800  }
0x37: {  	[spmem:s10] =	stream.linear.scatter [tilespmem:s16], [sflag:$0x3], $0x2800, $0x38;
	[tilespmem:$0x1E080] =	vst v63  }
0x38: {  	_ =	swait.ge [sflag:s25], $0x2800  }
0x39: {  	[sflag:s25] =	ssyncset.done $0x0  }
0x3a: {  	[sflag:s25] =	ssyncadd.s32 $0xFFFFD800  }
0x3b: {  	[spmem:s11] =	stream.linear.scatter [tilespmem:s16], [sflag:$0x3], $0x2800, $0x38;
	[tilespmem:$0x1E080] =	vst v63  }
0x3c: {  	_ =	swait.ge [sflag:s25], $0x2800  }
0x3d: {  	[sflag:s25] =	ssyncset.done $0x0  }
0x3e: {  	[sflag:s25] =	ssyncadd.s32 $0xFFFFD800  }
0x3f: {  	[spmem:s12] =	stream.linear.scatter [tilespmem:s16], [sflag:$0x3], $0x2800, $0x38;
	[tilespmem:$0x1E080] =	vst v63  }
0x40: {  	_ =	swait.ge [sflag:s25], $0x2800  }
0x41: {  	[sflag:s25] =	ssyncset.done $0x0  }
0x42: {  	[sflag:s25] =	ssyncadd.s32 $0xFFFFD800  }
0x43: {  	[spmem:s13] =	stream.linear.scatter [tilespmem:s16], [sflag:$0x3], $0x2800, $0x38;
	[tilespmem:$0x1E080] =	vst v63  }
0x44: {  	_ =	swait.ge [sflag:s25], $0x2800  }
0x45: {  	[sflag:s25] =	ssyncset.done $0x0  }
0x46: {  	[sflag:s25] =	ssyncadd.s32 $0xFFFFD800  }
0x47: {  	[spmem:s14] =	stream.linear.scatter [tilespmem:s16], [sflag:$0x3], $0x2800, $0x38;
	[tilespmem:$0x1E080] =	vst v63  }
0x48: {  	_ =	swait.ge [sflag:s25], $0x2800  }
0x49: {  	[sflag:s25] =	ssyncset.done $0x0  }
0x4a: {  	s17 =	simm.s32 @!p0 $0x2800;
	[sflag:s25] =	ssyncadd.s32 $0xFFFFD800  }
0x4b: {  	[spmem:s15] =	stream.linear.scatter @!p0 [tilespmem:s17], [sflag:$0x3], $0x2800, $0x38;
	[tilespmem:$0x1E080] =	vst v63  }
0x4c: {  	s17 =	simm.s32 @!p0 $0x3  }
0x4d: {  	_ =	swait.ge @!p0 [sflag:s17], $0x2800  }
0x4e: {  	[sflag:s17] =	ssyncset.done @!p0 $0x0  }
0x4f: {  	[sflag:s17] =	ssyncadd.s32 @!p0 $0xFFFFD800  }
0x50: {  	s19 =	simm.s32 $0x0;
	[bflag:$0x0] =	sbarrier.arrive $0xFFFF  }
0x51: {  	[tilespmem:s19], [sflag:$0x3] =	stream.linear.gather [hbm4b:s5+s19], $0x1400, $0x38;
	[tilespmem:$0x1E080] =	vst v63  }
0x52: {  	_ =	swait.ge [sflag:s25], $0x1400  }
0x53: {  	[sflag:s25] =	ssyncset.done $0x0  }
0x54: {  	[sflag:s25] =	ssyncadd.s32 $0xFFFFEC00  }
0x55: {  	[tilespmem:s26], [sflag:$0x3] =	stream.linear.gather [hbm4b:s6+s19], $0x1400, $0x38;
	[tilespmem:$0x1E080] =	vst v63  }
0x56: {  	_ =	swait.ge [sflag:s25], $0x1400  }
0x57: {  	[sflag:s25] =	ssyncset.done $0x0  }
0x58: {  	[sflag:s25] =	ssyncadd.s32 $0xFFFFEC00  }
0x59: {  	[tilespmem:s16], [sflag:$0x1] =	stream.indirect.gather [hbm4b:s1+s28], $0x80, s19, s28, $0xb8;
	[tilespmem:$0x1E080] =	vst v63  }
0x5a: {  	_ =	swait.ge [sflag:s29], $0x3E80  }
0x5b: {  	[sflag:s29] =	ssyncset.done $0x0  }
0x5c: {  	s18 =	simm.s32 $0x80;
	[sflag:s29] =	ssyncadd.s32 $0xFFFFC180  }
0x5d: {  	[tilespmem:s30], [sflag:$0x2] =	stream.indirect.gather [hbm4b:s1+s28], $0x80, s18, s28, $0xb8;
	[tilespmem:$0x1E080] =	vst v63  }
0x5e: {  	s19 =	simm.s32 $0x1400  }
0x5f: {  	[spmem:s3] =	stream.indirect.scatter.add.f32 [tilespmem:s16], [sflag:$0x3], $0x80, s19, s28, $0xb8;
	[tilespmem:$0x1E080] =	vst v63  }
0x60: {  	_ =	swait.ge [sflag:s25], $0x3E80  }
0x61: {  	[sflag:s25] =	ssyncset.done $0x0  }
0x62: {  	[sflag:s25] =	ssyncadd.s32 $0xFFFFC180  }
0x63: {  	_ =	swait.ge [sflag:s31], $0x3E80  }
0x64: {  	[sflag:s31] =	ssyncset.done $0x0  }
0x65: {  	s18 =	simm.s32 $0x100;
	[sflag:s31] =	ssyncadd.s32 $0xFFFFC180  }
0x66: {  	[tilespmem:s16], [sflag:$0x1] =	stream.indirect.gather [hbm4b:s1+s28], $0x80, s18, s28, $0xb8;
	[tilespmem:$0x1E080] =	vst v63  }
0x67: {  	s19 =	simm.s32 $0x1480  }
0x68: {  	[spmem:s3] =	stream.indirect.scatter.add.f32 [tilespmem:s30], [sflag:$0x3], $0x80, s19, s28, $0xb8;
	[tilespmem:$0x1E080] =	vst v63  }
0x69: {  	_ =	swait.ge [sflag:s25], $0x3E80  }
0x6a: {  	s17 =	simm.s32 $0x400;
	[sflag:s25] =	ssyncset.done $0x0  }
.LBB2_4:
0x6b: {  	p1 =	sne.s32 s17, $0x4800  }
0x6c: {  	[sflag:s25] =	ssyncadd.s32 $0xFFFFC180;
	s18 =	smov.u32 s17;
	s17 =	sadd.s32 $0x400, s17  }
0x6d: {  	_ = 	snop  }
0x6e: {  	_ =	swait.ge [sflag:s29], $0x3E80  }
0x6f: {  	s18 =	sshra.s32 s18, $0x2;
	[sflag:s29] =	ssyncset.done $0x0  }
0x70: {  	s19 =	sadd.s32 $0x80, s18;
	[sflag:s29] =	ssyncadd.s32 $0xFFFFC180  }
0x71: {  	[tilespmem:s30], [sflag:$0x2] =	stream.indirect.gather [hbm4b:s1+s28], $0x80, s19, s28, $0xb8;
	[tilespmem:$0x1E080] =	vst v63  }
0x72: {  	s19 =	sadd.s32 $0x1400, s18  }
0x73: {  	[spmem:s3] =	stream.indirect.scatter.add.f32 [tilespmem:s16], [sflag:$0x3], $0x80, s19, s28, $0xb8;
	[tilespmem:$0x1E080] =	vst v63  }
0x74: {  	_ =	swait.ge [sflag:s25], $0x3E80  }
0x75: {  	[sflag:s25] =	ssyncset.done $0x0  }
0x76: {  	[sflag:s25] =	ssyncadd.s32 $0xFFFFC180  }
0x77: {  	_ =	swait.ge [sflag:s31], $0x3E80  }
0x78: {  	[sflag:s31] =	ssyncset.done $0x0  }
0x79: {  	s19 =	sadd.s32 $0x100, s18;
	[sflag:s31] =	ssyncadd.s32 $0xFFFFC180  }
0x7a: {  	[tilespmem:s16], [sflag:$0x1] =	stream.indirect.gather [hbm4b:s1+s28], $0x80, s19, s28, $0xb8;
	[tilespmem:$0x1E080] =	vst v63  }
.Ltmp1:
0x7b: {  	_ = 	snop;
	(pc) =	sbr.rel @p1 .LBB2_4-.Ltmp1, $4  }
0x7c: {  	s18 =	sadd.s32 $0x1480, s18  }
0x7d: {  	[spmem:s3] =	stream.indirect.scatter.add.f32 [tilespmem:s30], [sflag:$0x3], $0x80, s18, s28, $0xb8;
	[tilespmem:$0x1E080] =	vst v63  }
0x7e: {  	_ =	swait.ge [sflag:s25], $0x3E80  }
0x7f: {  	[sflag:s25] =	ssyncset.done $0x0  }
0x80: {  	[sflag:s25] =	ssyncadd.s32 $0xFFFFC180  }
0x81: {  	_ =	swait.ge [sflag:s29], $0x3E80  }
0x82: {  	[sflag:s29] =	ssyncset.done $0x0  }
0x83: {  	[sflag:s29] =	ssyncadd.s32 $0xFFFFC180  }
0x84: {  	[tilespmem:s30], [sflag:$0x2] =	stream.indirect.gather [hbm4b:s1+s28], $0x80, s2, s28, $0xb8;
	[tilespmem:$0x1E080] =	vst v63  }
0x85: {  	_ = 	snop  }
0x86: {  	[spmem:s3] =	stream.indirect.scatter.add.f32 [tilespmem:s16], [sflag:$0x3], $0x80, s0, s28, $0xb8;
	[tilespmem:$0x1E080] =	vst v63  }
0x87: {  	_ =	swait.ge [sflag:s25], $0x3E80  }
0x88: {  	[sflag:s25] =	ssyncset.done $0x0  }
0x89: {  	[sflag:s25] =	ssyncadd.s32 $0xFFFFC180  }
0x8a: {  	_ =	swait.ge [sflag:s31], $0x3E80  }
0x8b: {  	[sflag:s31] =	ssyncset.done $0x0  }
0x8c: {  	[sflag:s31] =	ssyncadd.s32 $0xFFFFC180  }
0x8d: {  	[spmem:s3] =	stream.indirect.scatter.add.f32 [tilespmem:s30], [sflag:$0x3], $0x80, s7, s28, $0xb8;
	[tilespmem:$0x1E080] =	vst v63  }
0x8e: {  	_ =	swait.ge [sflag:s25], $0x3E80  }
0x8f: {  	[sflag:s25] =	ssyncset.done $0x0  }
0x90: {  	s17 =	sadd.s32 $0x280, s5;
	s18 =	simm.s32 $0x0;
	[sflag:s25] =	ssyncadd.s32 $0xFFFFC180  }
0x91: {  	[tilespmem:s18], [sflag:$0x3] =	stream.linear.gather [hbm4b:s17+s18], $0x1400, $0x38;
	[tilespmem:$0x1E080] =	vst v63  }
0x92: {  	_ =	swait.ge [sflag:s25], $0x1400  }
0x93: {  	[sflag:s25] =	ssyncset.done $0x0  }
0x94: {  	s19 =	sadd.s32 $0x280, s6;
	[sflag:s25] =	ssyncadd.s32 $0xFFFFEC00  }
0x95: {  	[tilespmem:s26], [sflag:$0x3] =	stream.linear.gather [hbm4b:s19+s18], $0x1400, $0x38;
	[tilespmem:$0x1E080] =	vst v63  }
0x96: {  	_ =	swait.ge [sflag:s25], $0x1400  }
0x97: {  	[sflag:s25] =	ssyncset.done $0x0  }
0x98: {  	[sflag:s25] =	ssyncadd.s32 $0xFFFFEC00  }
0x99: {  	[tilespmem:s16], [sflag:$0x1] =	stream.indirect.gather [hbm4b:s1+s28], $0x80, s18, s28, $0xb8;
	[tilespmem:$0x1E080] =	vst v63  }
0x9a: {  	_ =	swait.ge [sflag:s29], $0x3E80  }
0x9b: {  	[sflag:s29] =	ssyncset.done $0x0  }
0x9c: {  	s18 =	simm.s32 $0x80;
	[sflag:s29] =	ssyncadd.s32 $0xFFFFC180  }
0x9d: {  	[tilespmem:s30], [sflag:$0x2] =	stream.indirect.gather [hbm4b:s1+s28], $0x80, s18, s28, $0xb8;
	[tilespmem:$0x1E080] =	vst v63  }
0x9e: {  	s19 =	simm.s32 $0x1400  }
0x9f: {  	[spmem:s3] =	stream.indirect.scatter.add.f32 [tilespmem:s16], [sflag:$0x3], $0x80, s19, s28, $0xb8;
	[tilespmem:$0x1E080] =	vst v63  }
0xa0: {  	_ =	swait.ge [sflag:s25], $0x3E80  }
0xa1: {  	[sflag:s25] =	ssyncset.done $0x0  }
0xa2: {  	[sflag:s25] =	ssyncadd.s32 $0xFFFFC180  }
0xa3: {  	_ =	swait.ge [sflag:s31], $0x3E80  }
0xa4: {  	[sflag:s31] =	ssyncset.done $0x0  }
0xa5: {  	s18 =	simm.s32 $0x100;
	[sflag:s31] =	ssyncadd.s32 $0xFFFFC180  }
0xa6: {  	[tilespmem:s16], [sflag:$0x1] =	stream.indirect.gather [hbm4b:s1+s28], $0x80, s18, s28, $0xb8;
	[tilespmem:$0x1E080] =	vst v63  }
0xa7: {  	s19 =	simm.s32 $0x1480  }
0xa8: {  	[spmem:s3] =	stream.indirect.scatter.add.f32 [tilespmem:s30], [sflag:$0x3], $0x80, s19, s28, $0xb8;
	[tilespmem:$0x1E080] =	vst v63  }
0xa9: {  	_ =	swait.ge [sflag:s25], $0x3E80  }
0xaa: {  	s17 =	simm.s32 $0x400;
	[sflag:s25] =	ssyncset.done $0x0  }
.LBB2_6:
0xab: {  	p1 =	sne.s32 s17, $0x4800  }
0xac: {  	[sflag:s25] =	ssyncadd.s32 $0xFFFFC180;
	s18 =	smov.u32 s17;
	s17 =	sadd.s32 $0x400, s17  }
0xad: {  	_ = 	snop  }
0xae: {  	_ =	swait.ge [sflag:s29], $0x3E80  }
0xaf: {  	s18 =	sshra.s32 s18, $0x2;
	[sflag:s29] =	ssyncset.done $0x0  }
0xb0: {  	s19 =	sadd.s32 $0x80, s18;
	[sflag:s29] =	ssyncadd.s32 $0xFFFFC180  }
0xb1: {  	[tilespmem:s30], [sflag:$0x2] =	stream.indirect.gather [hbm4b:s1+s28], $0x80, s19, s28, $0xb8;
	[tilespmem:$0x1E080] =	vst v63  }
0xb2: {  	s19 =	sadd.s32 $0x1400, s18  }
0xb3: {  	[spmem:s3] =	stream.indirect.scatter.add.f32 [tilespmem:s16], [sflag:$0x3], $0x80, s19, s28, $0xb8;
	[tilespmem:$0x1E080] =	vst v63  }
0xb4: {  	_ =	swait.ge [sflag:s25], $0x3E80  }
0xb5: {  	[sflag:s25] =	ssyncset.done $0x0  }
0xb6: {  	[sflag:s25] =	ssyncadd.s32 $0xFFFFC180  }
0xb7: {  	_ =	swait.ge [sflag:s31], $0x3E80  }
0xb8: {  	[sflag:s31] =	ssyncset.done $0x0  }
0xb9: {  	s19 =	sadd.s32 $0x100, s18;
	[sflag:s31] =	ssyncadd.s32 $0xFFFFC180  }
0xba: {  	[tilespmem:s16], [sflag:$0x1] =	stream.indirect.gather [hbm4b:s1+s28], $0x80, s19, s28, $0xb8;
	[tilespmem:$0x1E080] =	vst v63  }
.Ltmp2:
0xbb: {  	_ = 	snop;
	(pc) =	sbr.rel @p1 .LBB2_6-.Ltmp2, $4  }
0xbc: {  	s18 =	sadd.s32 $0x1480, s18  }
0xbd: {  	[spmem:s3] =	stream.indirect.scatter.add.f32 [tilespmem:s30], [sflag:$0x3], $0x80, s18, s28, $0xb8;
	[tilespmem:$0x1E080] =	vst v63  }
0xbe: {  	_ =	swait.ge [sflag:s25], $0x3E80  }
0xbf: {  	[sflag:s25] =	ssyncset.done $0x0  }
0xc0: {  	[sflag:s25] =	ssyncadd.s32 $0xFFFFC180  }
0xc1: {  	_ =	swait.ge [sflag:s29], $0x3E80  }
0xc2: {  	[sflag:s29] =	ssyncset.done $0x0  }
0xc3: {  	[sflag:s29] =	ssyncadd.s32 $0xFFFFC180  }
0xc4: {  	[tilespmem:s30], [sflag:$0x2] =	stream.indirect.gather [hbm4b:s1+s28], $0x80, s2, s28, $0xb8;
	[tilespmem:$0x1E080] =	vst v63  }
0xc5: {  	_ = 	snop  }
0xc6: {  	[spmem:s3] =	stream.indirect.scatter.add.f32 [tilespmem:s16], [sflag:$0x3], $0x80, s0, s28, $0xb8;
	[tilespmem:$0x1E080] =	vst v63  }
0xc7: {  	_ =	swait.ge [sflag:s25], $0x3E80  }
0xc8: {  	[sflag:s25] =	ssyncset.done $0x0  }
0xc9: {  	[sflag:s25] =	ssyncadd.s32 $0xFFFFC180  }
0xca: {  	_ =	swait.ge [sflag:s31], $0x3E80  }
0xcb: {  	[sflag:s31] =	ssyncset.done $0x0  }
0xcc: {  	[sflag:s31] =	ssyncadd.s32 $0xFFFFC180  }
0xcd: {  	[spmem:s3] =	stream.indirect.scatter.add.f32 [tilespmem:s30], [sflag:$0x3], $0x80, s7, s28, $0xb8;
	[tilespmem:$0x1E080] =	vst v63  }
0xce: {  	_ =	swait.ge [sflag:s25], $0x3E80  }
0xcf: {  	[sflag:s25] =	ssyncset.done $0x0  }
0xd0: {  	s17 =	stileid.u32;
	[sflag:s25] =	ssyncadd.s32 $0xFFFFC180  }
0xd1: {  	s17 =	sshll.u32 s17, $0x6;
	[bflag:$0x0] =	sbarrier.arrive $0xFFFF  }
0xd2: {  	s18 =	sshrl.u32 s8, $0x3;
	s17 =	sor.u32 $0x1C03, s17;
	s19 =	rddreg [dreg:$0x5]  }
0xd3: {  	[hbm:s19], [sflag:s17] =	dma.local [spmem:s18], $0x500  }
0xd4: {  	_ =	swait.ge [sflag:s25], $0x500  }
0xd5: {  	[sflag:s25] =	ssyncset.done $0x0  }
0xd6: {  	s18 =	sshrl.u32 s9, $0x3;
	s19 =	rddreg [dreg:$0x6];
	[sflag:s25] =	ssyncadd.s32 $0xFFFFFB00  }
0xd7: {  	[hbm:s19], [sflag:s17] =	dma.local [spmem:s18], $0x500  }
0xd8: {  	_ =	swait.ge [sflag:s25], $0x500  }
0xd9: {  	[sflag:s25] =	ssyncset.done $0x0  }
0xda: {  	s18 =	sshrl.u32 s10, $0x3;
	s19 =	rddreg [dreg:$0x7];
	[sflag:s25] =	ssyncadd.s32 $0xFFFFFB00  }
0xdb: {  	[hbm:s19], [sflag:s17] =	dma.local [spmem:s18], $0x500  }
0xdc: {  	_ =	swait.ge [sflag:s25], $0x500  }
0xdd: {  	[sflag:s25] =	ssyncset.done $0x0  }
0xde: {  	s19 =	sshrl.u32 s11, $0x3;
	[sflag:s25] =	ssyncadd.s32 $0xFFFFFB00  }
0xdf: {  	[hbm:s20], [sflag:s17] =	dma.local [spmem:s19], $0x500  }
0xe0: {  	_ =	swait.ge [sflag:s25], $0x500  }
0xe1: {  	[sflag:s25] =	ssyncset.done $0x0  }
0xe2: {  	s19 =	sshrl.u32 s12, $0x3;
	[sflag:s25] =	ssyncadd.s32 $0xFFFFFB00  }
0xe3: {  	[hbm:s21], [sflag:s17] =	dma.local [spmem:s19], $0x500  }
0xe4: {  	_ =	swait.ge [sflag:s25], $0x500  }
0xe5: {  	[sflag:s25] =	ssyncset.done $0x0  }
0xe6: {  	s19 =	sshrl.u32 s13, $0x3;
	[sflag:s25] =	ssyncadd.s32 $0xFFFFFB00  }
0xe7: {  	[hbm:s22], [sflag:s17] =	dma.local [spmem:s19], $0x500  }
0xe8: {  	_ =	swait.ge [sflag:s25], $0x500  }
0xe9: {  	[sflag:s25] =	ssyncset.done $0x0  }
0xea: {  	s19 =	sshrl.u32 s14, $0x3;
	[sflag:s25] =	ssyncadd.s32 $0xFFFFFB00  }
0xeb: {  	[hbm:s23], [sflag:s17] =	dma.local [spmem:s19], $0x500  }
0xec: {  	_ =	swait.ge [sflag:s25], $0x500  }
0xed: {  	[sflag:s25] =	ssyncset.done $0x0  }
0xee: {  	s18 =	sshrl.u32 @!p0 s15, $0x3;
	[sflag:s25] =	ssyncadd.s32 $0xFFFFFB00  }
0xef: {  	[hbm:s24], [sflag:s17] =	dma.local @!p0 [spmem:s18], $0x500  }
0xf0: {  	s17 =	simm.s32 @!p0 $0x3  }
0xf1: {  	_ =	swait.ge @!p0 [sflag:s17], $0x500  }
0xf2: {  	s4 =	sadd.s32 $0x1, s4;
	s19 =	rddreg [dreg:$0x4]  }
0xf3: {  	p1 =	sne.s32 s4, s19  }
.Ltmp3:
0xf4: {  	_ = 	snop;
	(pc) =	sbr.rel @p1 .LBB2_1-.Ltmp3, $3  }
0xf5: {  	_ =	sdelay $0x1  }
0xf6: {  	[sflag:s17] =	ssyncset.done @!p0 $0x0  }
0xf7: {  	[sflag:s17] =	ssyncadd.s32 @!p0 $0xFFFFFB00  }
0xf8: {  	_ =	sfence.sel $0x180000  }
0xf9: {  	[bflag:$0x0] =	sbarrier.arrive $0xFFFF  }
0xfa: {  	_ =	strace $0x9000004A  }
0xfb: {  	s0 =	stileid.u32;
	[bflag:$0x2] =	sbarrier.arrive $0xFFFF  }
0xfc: {  	p0 =	sne.s32 s0, $0x0;
	s0 =	rddreg [dreg:$0x3]  }
0xfd: {  	s0 =	sadd.s32 @!p0 $0x100000, s0  }
0xfe: {  	[sflag:s0] =	ssyncadd.tile.s32 @!p0 $0x1;
	_ =	shalt  }
.Lfunc_end2:
_tile_overlayer_lowered:
.L_overlay_start_2:
0xff: {  	(tag) =	ssettag $0x2  }
0x100: {  	s0 =	rddreg [dreg:$0x0];
	s2 =	stileid.u32  }
0x101: {  	s1 =	rddreg [dreg:$0x1];
	p0 =	sne.s32 s2, $0x0  }
0x102: {  	s3 =	rddreg [dreg:$0x2];
	[bflag:$0x3] =	sbarrier.arrive $0xFFFF;
	s2 =	simm.s32 @!p0 $0x1C03  }
0x103: {  	[timem:s3], [sflag:s2] =	dma.local @!p0 [hbm:s0], s1  }
0x104: {  	s0 =	simm.s32 @!p0 $0x3  }
0x105: {  	_ =	swait.ge @!p0 [sflag:s0], s1  }
0x106: {  	s1 =	ssub.s32 @!p0 $0x0, s1;
	[sflag:s0] =	ssyncset.done @!p0 $0x0  }
0x107: {  	[sflag:s0] =	ssyncadd.s32 @!p0 s1  }
0x108: {  	[bflag:$0x3] =	sbarrier.arrive $0xFFFF  }
0x109: {  	_ =	shalt  }

// kernel: kernel.15.cloned.1.call-start
scs
__scs_entry_jumppad:
0x0: {  	(pc) =	sbr.rel $0x88, $3  }
0x1: {  	(tag) =	ssettag $0x0;
	lr =	simm.s32 $0x1  }
0x2: {  	[smem:$0x3F9B] =	sst lr;
	_ =	strace $0xD0000000  }
0x3: {  	_ = 	snop  }
0x4: {  	_ = 	snop  }
0x5: {  	_ = 	snop  }
0x6: {  	_ = 	snop  }
0x7: {  	_ = 	snop  }
__scs_overlays_trampoline_lowered:
0x8: {  	[smem:$0x3FAA] =	sst s0  }
0x9: {  	[smem:$0x3FAB] =	sst s1  }
0xa: {  	[smem:$0x3FAC] =	sst s2  }
0xb: {  	[smem:$0x3FAD] =	sst s3  }
0xc: {  	[smem:$0x3FAE] =	sst s4  }
0xd: {  	[smem:$0x3FAF] =	sst s5  }
0xe: {  	[smem:$0x3FB0] =	sst s6  }
0xf: {  	[smem:$0x3FB1] =	sst s7  }
0x10: {  	[smem:$0x3FB2] =	sst s8  }
0x11: {  	[smem:$0x3FB3] =	sst s9;
	s0 =	simm.s32 @!p0 $0x0  }
0x12: {  	s1 =	sld [smem:$0x3F99];
	s0 =	simm.s32 @p0 $0x1  }
0x13: {  	[smem:$0x3FB4] =	sst s0;
	s0 =	simm.s32 @!p1 $0x0  }
0x14: {  	s2 =	sld [smem:$0x3F98];
	s0 =	simm.s32 @p1 $0x1  }
0x15: {  	[smem:$0x3FB5] =	sst s0;
	s0 =	simm.s32 @!p2 $0x0  }
0x16: {  	s3 =	sld [smem:$0x3FDB];
	s0 =	simm.s32 @p2 $0x1  }
0x17: {  	s4 =	simm.s32 $0x1BF5;
	[smem:$0x3FB7] =	sst s0  }
0x18: {  	s0 =	sld [smem:$0x3F9A];
	_ =	swait.ge [sflag:s4], $0x0  }
0x19: {  	s7 =	sld [smem:$0x3F9B]  }
0x1a: {  	s8 =	sadd.s32 $0xFFFFE003, lr  }
0x1b: {  	s9 =	sadd.s32 $0xFFFFFEF7, lr;
	s5 =	simm.s32 $0xFFFFFFFF;
	p2 =	slt.u32 s8, $0xFFFFF086  }
0x1c: {  	p1 =	slt.u32 s9, $0xF7A;
	s5 =	simm.s32 @!p2 $0x0  }
0x1d: {  	s5 =	simm.s32 @p1 $0x1;
	p0 =	seq.s32 s7, s2  }
0x1e: {  	s7 =	smul.u32 @!p0 $0xF7A, s2;
	p2 =	seq.s32 @!p0 s5, $0x0  }
0x1f: {  	s9 =	smul.u32 $0xF7A, s1;
	s8 =	simm.s32 @!p0 $0x1BF5;
	p2 =	por !p2, p0  }
0x20: {  	[sflag:s8] =	ssyncset.s32 @!p0 $0xFFFFF086;
	s6 =	sadd.s32 @!p0 s3, s7;
	s7 =	simm.s32 @!p0 $0x108  }
0x21: {  	s3 =	sadd.s32 s3, s9;
	s6 =	sadd.s32 @!p0 $0x88, s6;
	s7 =	simm.s32 @p2 $0x1082  }
0x22: {  	[simem:s7], [sflag:s8] =	dma.local @!p0 [hbm:s6], $0xF7A  }
0x23: {  	s9 =	sor.u32 $0xD0000000, s2;
	s6 =	simm.s32 $0x108;
	_ =	swait.ge @!p0 [sflag:s8], $0x0  }
0x24: {  	s3 =	sadd.s32 $0x88, s3;
	s6 =	simm.s32 @!p1 $0x1082;
	[sflag:s4] =	ssyncset.s32 $0xFFFFF086  }
0x25: {  	[simem:s6], [sflag:s4] =	dma.local [hbm:s3], $0xF7A  }
0x26: {  	[smem:$0x3F9B] =	sst s1;
	(tag) =	ssettag s2;
	_ =	strace s9  }
0x27: {  	s1 =	sld [smem:$0x3FAB]  }
0x28: {  	s2 =	sld [smem:$0x3FAC]  }
0x29: {  	s4 =	sld [smem:$0x3FAE]  }
0x2a: {  	p0 =	seq.s32 s5, $0x0;
	s5 =	sld [smem:$0x3FAF]  }
0x2b: {  	s6 =	sld [smem:$0x3FB0]  }
0x2c: {  	s7 =	sld [smem:$0x3FB1]  }
0x2d: {  	s3 =	simm.s32 $0x108;
	s8 =	sld [smem:$0x3FB2]  }
0x2e: {  	s3 =	simm.s32 @!p0 $0x1082;
	s9 =	sld [smem:$0x3FB3]  }
0x2f: {  	lr =	sadd.s32 s0, s3;
	s0 =	sld [smem:$0x3FAA]  }
0x30: {  	s3 =	sld [smem:$0x3FAD]  }
0x31: {  	[smem:$0x3FB6] =	sst s10  }
0x32: {  	s10 =	sld [smem:$0x3FB4];
	_ =	sdelay $0x3  }
0x33: {  	p0 =	seq.s32 s10, $0x1;
	s10 =	sld [smem:$0x3FB6];
	_ =	sdelay $0x3  }
0x34: {  	[smem:$0x3FB6] =	sst s10  }
0x35: {  	s10 =	sld [smem:$0x3FB5];
	_ =	sdelay $0x3  }
0x36: {  	p1 =	seq.s32 s10, $0x1;
	s10 =	sld [smem:$0x3FB6];
	_ =	sdelay $0x3  }
0x37: {  	[smem:$0x3FB6] =	sst s10  }
0x38: {  	s10 =	sld [smem:$0x3FB7]  }
0x39: {  	_ = 	snop;
	(pc) =	sbr.ind lr, $3  }
0x3a: {  	_ = 	snop  }
0x3b: {  	_ = 	snop  }
0x3c: {  	p2 =	seq.s32 s10, $0x1;
	s10 =	sld [smem:$0x3FB6]  }
0x3d: {  	_ =	shalt  }
0x3e: {  	_ =	shalt  }
0x3f: {  	_ =	shalt  }
0x40: {  	_ =	shalt  }
0x41: {  	_ =	shalt  }
0x42: {  	_ =	shalt  }
0x43: {  	_ =	shalt  }
0x44: {  	_ =	shalt  }
0x45: {  	_ =	shalt  }
0x46: {  	_ =	shalt  }
0x47: {  	_ =	shalt  }
0x48: {  	_ =	shalt  }
0x49: {  	_ =	shalt  }
0x4a: {  	_ =	shalt  }
0x4b: {  	_ =	shalt  }
0x4c: {  	_ =	shalt  }
0x4d: {  	_ =	shalt  }
0x4e: {  	_ =	shalt  }
0x4f: {  	_ =	shalt  }
0x50: {  	_ =	shalt  }
0x51: {  	_ =	shalt  }
0x52: {  	_ =	shalt  }
0x53: {  	_ =	shalt  }
0x54: {  	_ =	shalt  }
0x55: {  	_ =	shalt  }
0x56: {  	_ =	shalt  }
0x57: {  	_ =	shalt  }
0x58: {  	_ =	shalt  }
0x59: {  	_ =	shalt  }
0x5a: {  	_ =	shalt  }
0x5b: {  	_ =	shalt  }
0x5c: {  	_ =	shalt  }
0x5d: {  	_ =	shalt  }
0x5e: {  	_ =	shalt  }
0x5f: {  	_ =	shalt  }
0x60: {  	_ =	shalt  }
0x61: {  	_ =	shalt  }
0x62: {  	_ =	shalt  }
0x63: {  	_ =	shalt  }
0x64: {  	_ =	shalt  }
0x65: {  	_ =	shalt  }
0x66: {  	_ =	shalt  }
0x67: {  	_ =	shalt  }
0x68: {  	_ =	shalt  }
0x69: {  	_ =	shalt  }
0x6a: {  	_ =	shalt  }
0x6b: {  	_ =	shalt  }
0x6c: {  	_ =	shalt  }
0x6d: {  	_ =	shalt  }
0x6e: {  	_ =	shalt  }
0x6f: {  	_ =	shalt  }
0x70: {  	_ =	shalt  }
0x71: {  	_ =	shalt  }
0x72: {  	_ =	shalt  }
0x73: {  	_ =	shalt  }
0x74: {  	_ =	shalt  }
0x75: {  	_ =	shalt  }
0x76: {  	_ =	shalt  }
0x77: {  	_ =	shalt  }
0x78: {  	_ =	shalt  }
0x79: {  	_ =	shalt  }
0x7a: {  	_ =	shalt  }
0x7b: {  	_ =	shalt  }
0x7c: {  	_ =	shalt  }
0x7d: {  	_ =	shalt  }
0x7e: {  	_ =	shalt  }
0x7f: {  	_ =	shalt  }
0x80: {  	_ =	shalt  }
0x81: {  	_ =	shalt  }
0x82: {  	_ =	shalt  }
0x83: {  	_ =	shalt  }
0x84: {  	_ =	shalt  }
0x85: {  	_ =	shalt  }
0x86: {  	_ =	shalt  }
0x87: {  	_ =	shalt  }
.Lfunc_end0:
.L_simem_size_0:
called_computation.2_lowered:
.L_overlay_start_0:
0x88: {  	s2 =	sld [smem:$0x3FD9]  }
0x89: {  	s3 =	sld [smem:$0x3FFE];
	_ =	sdelay $0x1  }
0x8a: {  	s1 =	srdreg.scid  }
0x8b: {  	s0 =	sand.u32 $0x1, s1  }
0x8c: {  	s17 =	sshll.u32 s0, $0xA;
	s2 =	sadd.s32 s3, s2  }
0x8d: {  	s2 =	sadd.s32 s2, s17  }
0x8e: {  	[smem:$0x3FC2] =	sst s2  }
0x8f: {  	_ = 	snop  }
0x90: {  	s2 =	sld [smem:$0x3FD0];
	(tm) =	ssettm $0x1  }
0x91: {  	s18 =	sld [smem:$0x3FFB];
	_ =	sdelay $0x3  }
0x92: {  	_ =	strace s18  }
0x93: {  	s3 =	sld [smem:$0x3FFC];
	_ =	sdelay $0x3  }
0x94: {  	_ =	strace s3  }
0x95: {  	s3 =	sld [smem:$0x3FFD];
	_ =	sdelay $0x3  }
0x96: {  	_ =	strace s3  }
0x97: {  	_ =	strace $0x8FFFFFFF  }
0x98: {  	s19 =	sld [smem:$0x3FDB];
	_ =	sdelay $0x1  }
0x99: {  	s4 =	simm.s32 $_scs_section_size  }
0x9a: {  	s5 =	simm.s32 $_size__tile_overlayer_lowered;
	s6 =	simm.s32 $_tile_overlayer_lowered  }
0x9b: {  	s22 =	simm.s32 $0x1BFF;
	s21 =	sshll.u32 s6, $0x1;
	s3 =	sadd.s32 s4, s19  }
0x9c: {  	s7 =	simm.s32 $0x0;
	s20 =	sshll.u32 s5, $0x1;
	s5 =	sadd.s32 s21, s3  }
0x9d: {  	[timem:s7], [sflag:s22] =	dma.local [hbm:s5], s20  }
0x9e: {  	_ =	swait.ge [sflag:s22], s20  }
0x9f: {  	s4 =	ssub.s32 $0x0, s20;
	[sflag:s22] =	ssyncset.done $0x0  }
0xa0: {  	[sflag:s22] =	ssyncadd.s32 s4;
	_ =	sdelay $0x1  }
0xa1: {  	s23 =	simm.s32 $0x1B8B  }
0xa2: {  	_ =	swait.ge [sflag:s23], $0x1  }
0xa3: {  	[sflag:s23] =	ssyncset.done $0x0  }
0xa4: {  	s25 =	simm.s32 $0x1B8E;
	s24 =	sld [smem:$0x3FFE];
	[sflag:s23] =	ssyncadd.s32 $0xFFFFFFFF  }
0xa5: {  	s26 =	simm.s32 $execute0_lowered;
	[smem:$0x3FD2] =	sst s25  }
0xa6: {  	s5 =	sshll.u32 s26, $0x1;
	_ =	strace $0x8000004C;
	[dreg:$0x1] =	wrdreg $0xFFFFFFFF  }
0xa7: {  	s28 =	simm.s32 $_size_execute0_lowered;
	s3 =	sadd.s32 s3, s5;
	[dreg:$0x0] =	wrdreg $0x0  }
0xa8: {  	s5 =	sshll.u32 s28, $0x1;
	[dreg:$0x2] =	wrdreg s3  }
0xa9: {  	[dreg:$0x3] =	wrdreg s5  }
0xaa: {  	[dreg:$0x4] =	wrdreg $0xC0  }
0xab: {  	_ =	task [dreg:s7], $0x5FFFF  }
0xac: {  	[dreg:$0x1] =	wrdreg $0xFFFFFFFF  }
0xad: {  	[dreg:$0x0] =	wrdreg $0x60  }
0xae: {  	[dreg:$0x2] =	wrdreg s2  }
0xaf: {  	[dreg:$0x3] =	wrdreg s24  }
0xb0: {  	[dreg:$0x4] =	wrdreg $0xA8000  }
0xb1: {  	[dreg:$0x5] =	wrdreg $0x9  }
0xb2: {  	_ =	task.clear_ibuf [dreg:s7], $0x6FFFF;
	_ =	strace $0x9000004C  }
0xb3: {  	s29 =	simm.s32 $0x9;
	_ =	strace $0x8000004E  }
0xb4: {  	_ =	swait.ge [sflag:s29], $0x1  }
0xb5: {  	[sflag:s29] =	ssyncadd.s32 $0xFFFFFFFF  }
0xb6: {  	_ =	strace $0x9000004E  }
0xb7: {  	_ =	sfence  }
0xb8: {  	s30 =	sld [smem:$0x0];
	_ =	sdelay $0x2  }
0xb9: {  	s31 =	sshll.u32 s1, $0xD;
	s1 =	sshrl.u32 s1, $0x2  }
0xba: {  	s3 =	sand.u32 $0x4000, s31;
	s1 =	sadd.s32 s1, s30  }
0xbb: {  	s0 =	sor.u32 s3, s0;
	s1 =	sshll.u32 s1, $0x11  }
0xbc: {  	s0 =	sor.u32 s1, s0  }
0xbd: {  	s0 =	sadd.s32 $0x8F2B, s0  }
0xbe: {  	[sflag:s0] =	ssyncadd.remote.s32 $0x1  }
0xbf: {  	_ =	sfence.sel $0xFFFF  }
0xc0: {  	[dreg:$0x0] =	wrdreg $0xFFFFFFFF;
	(pc) =	sbr.abs _section_cstart, $3  }
0xc1: {  	[dreg:$0x1] =	wrdreg $0xFFFFFFFF  }
0xc2: {  	_ =	task.clear_ibuf [dreg:s7], $0x2FFFF;
	_ =	strace $0x9FFFFFFF  }
0xc3: {  	(tm) =	ssettm $0x7FFFFFFF  }
tec
execute0_lowered:
.L_overlay_start_1:
0x0: {  	(tag) =	ssettag $0x1  }
0x1: {  	s0 =	srdreg.scid  }
0x2: {  	s1 =	rddreg [dreg:$0x0];
	s22 =	stileid.u32  }
0x3: {  	s2 =	rddreg [dreg:$0x1];
	s0 =	sand.u32 $0x1, s0;
	s8 =	smul.u32 $0xA000, s22  }
0x4: {  	s3 =	rddreg [dreg:$0x2];
	s10 =	sor.u32 $0x10, s22;
	s6 =	smul.u32 $0x27100, s0  }
0x5: {  	s28 =	simm.s32 $0x7D;
	s11 =	sor.u32 $0x20, s22;
	s9 =	smul.u32 $0xA000, s10  }
0x6: {  	s29 =	simm.s32 $0x1;
	s13 =	sor.u32 $0x30, s22;
	s12 =	smul.u32 $0xA000, s11  }
0x7: {  	s30 =	simm.s32 $0x6800;
	s15 =	sor.u32 $0x40, s22;
	s14 =	smul.u32 $0xA000, s13  }
0x8: {  	s31 =	simm.s32 $0x2;
	s18 =	sor.u32 $0x60, s22;
	s16 =	smul.u32 $0xA000, s15  }
0x9: {  	s17 =	sor.u32 $0x50, s22;
	s20 =	sor.u32 $0x70, s22;
	s19 =	smul.u32 $0xA000, s18  }
0xa: {  	s4 =	sshll.u32 s0, $0x4;
	s0 =	ssub.s32 $0x2, s0;
	s21 =	smul.u32 $0xA000, s20  }
0xb: {  	s18 =	smul.u32 $0x500, s18;
	p0 =	sgt.u32 s20, $0x7C;
	s5 =	sor.u32 s22, s4  }
0xc: {  	s4 =	simm.s32 $0x0;
	s23 =	sshrl.u32 s0, $0x1;
	s22 =	smul.u32 $0x500, s22  }
0xd: {  	s24 =	sshrl.u32 s8, $0x2;
	s5 =	smul.u32 $0x500, s5;
	[smem:$0x7FF] =	sst s4  }
0xe: {  	s0 =	ssub.s32 s0, s23;
	s8 =	sadd.s32 s24, s3;
	s25 =	sshrl.u32 s9, $0x2  }
0xf: {  	s26 =	sshrl.u32 s12, $0x2;
	s23 =	smul.u32 $0x500, s10;
	s12 =	sshrl.u32 s14, $0x2  }
0x10: {  	s24 =	smul.u32 $0x500, s11;
	s14 =	sshrl.u32 s16, $0x2;
	s19 =	sshrl.u32 s19, $0x2  }
0x11: {  	s21 =	sshrl.u32 s21, $0x2;
	_ =	strace $0x8000004D;
	s0 =	smax.u32 s0, $0x1  }
0x12: {  	s9 =	sadd.s32 s25, s3;
	s10 =	sadd.s32 s26, s3;
	s11 =	sadd.s32 s12, s3  }
0x13: {  	s25 =	smul.u32 $0x500, s13;
	s12 =	sadd.s32 s14, s3;
	s7 =	sadd.s32 s5, s2  }
0x14: {  	s2 =	sadd.s32 s6, s2;
	[dreg:$0x4] =	wrdreg s0;
	s0 =	smul.u32 $0x500, s20  }
0x15: {  	s5 =	sadd.s32 $0x5A400, s7;
	s6 =	sadd.s32 $0x50400, s7;
	s7 =	smul.u32 $0xA000, s17  }
0x16: {  	s14 =	sadd.s32 s19, s3;
	s2 =	sadd.s32 $0x64400, s2;
	s17 =	smul.u32 $0x500, s17  }
0x17: {  	s22 =	sadd.s32 s22, s2;
	s23 =	sadd.s32 s23, s2;
	s26 =	sadd.s32 s24, s2  }
0x18: {  	s20 =	sadd.s32 s25, s2;
	s24 =	sadd.s32 @!p0 s0, s2;
	s25 =	simm.s32 $0x3  }
0x19: {  	s0 =	simm.s32 $0x2700;
	s16 =	sshrl.u32 s7, $0x2;
	[dreg:$0x5] =	wrdreg s22  }
0x1a: {  	s7 =	smul.u32 $0x500, s15;
	s15 =	sadd.s32 s21, s3;
	[dreg:$0x6] =	wrdreg s23  }
0x1b: {  	[dreg:$0x7] =	wrdreg s26;
	s22 =	sadd.s32 s17, s2;
	s23 =	sadd.s32 s18, s2  }
0x1c: {  	s26 =	simm.s32 $0x1400;
	s13 =	sadd.s32 s16, s3;
	s16 =	simm.s32 $0x2800  }
0x1d: {  	v0 =	vimm.f32 $0.0e+00;
	s21 =	sadd.s32 s7, s2;
	s2 =	simm.s32 $0x1380;
	s7 =	simm.s32 $0x2780  }
.LBB2_1:
0x1e: {  	s17 =	simm.s32 $0x70;
	s18 =	simm.s32 $0x3C0  }
.LBB2_2:
0x1f: {  	p1 =	sne.s32 s18, $0x9FC0;
	[tilespmem:s17+$0x2800] =	vst v0  }
0x20: {  	[tilespmem:s17+$0x2790] =	vst v0  }
0x21: {  	[tilespmem:s17+$0x27A0] =	vst v0  }
.Ltmp0:
0x22: {  	[tilespmem:s17+$0x27B0] =	vst v0;
	(pc) =	sbr.rel @p1 .LBB2_2-.Ltmp0, $4  }
0x23: {  	[tilespmem:s17+$0x27C0] =	vst v0  }
0x24: {  	[tilespmem:s17+$0x27D0] =	vst v0  }
0x25: {  	[tilespmem:s17+$0x27E0] =	vst v0  }
0x26: {  	[tilespmem:s17+$0x27F0] =	vst v0;
	s17 =	sshra.s32 s18, $0x2;
	s18 =	sadd.s32 $0x200, s18  }
0x27: {  	[tilespmem:s17+$0x2800] =	vst v0  }
0x28: {  	[tilespmem:s17+$0x2790] =	vst v0  }
0x29: {  	[tilespmem:s17+$0x27A0] =	vst v0  }
0x2a: {  	[tilespmem:s17+$0x27B0] =	vst v0  }
0x2b: {  	[tilespmem:s17+$0x27C0] =	vst v0  }
0x2c: {  	[tilespmem:s17+$0x27D0] =	vst v0  }
0x2d: {  	[tilespmem:s17+$0x27E0] =	vst v0  }
0x2e: {  	[tilespmem:s17+$0x27F0] =	vst v0  }
0x2f: {  	[spmem:s8] =	stream.linear.scatter [tilespmem:s16], [sflag:$0x3], $0x2800, $0x38;
	[tilespmem:$0x1E080] =	vst v63  }
0x30: {  	_ =	swait.ge [sflag:s25], $0x2800  }
0x31: {  	[sflag:s25] =	ssyncset.done $0x0  }
0x32: {  	[sflag:s25] =	ssyncadd.s32 $0xFFFFD800  }
0x33: {  	[spmem:s9] =	stream.linear.scatter [tilespmem:s16], [sflag:$0x3], $0x2800, $0x38;
	[tilespmem:$0x1E080] =	vst v63  }
0x34: {  	_ =	swait.ge [sflag:s25], $0x2800  }
0x35: {  	[sflag:s25] =	ssyncset.done $0x0  }
0x36: {  	[sflag:s25] =	ssyncadd.s32 $0xFFFFD800  }
0x37: {  	[spmem:s10] =	stream.linear.scatter [tilespmem:s16], [sflag:$0x3], $0x2800, $0x38;
	[tilespmem:$0x1E080] =	vst v63  }
0x38: {  	_ =	swait.ge [sflag:s25], $0x2800  }
0x39: {  	[sflag:s25] =	ssyncset.done $0x0  }
0x3a: {  	[sflag:s25] =	ssyncadd.s32 $0xFFFFD800  }
0x3b: {  	[spmem:s11] =	stream.linear.scatter [tilespmem:s16], [sflag:$0x3], $0x2800, $0x38;
	[tilespmem:$0x1E080] =	vst v63  }
0x3c: {  	_ =	swait.ge [sflag:s25], $0x2800  }
0x3d: {  	[sflag:s25] =	ssyncset.done $0x0  }
0x3e: {  	[sflag:s25] =	ssyncadd.s32 $0xFFFFD800  }
0x3f: {  	[spmem:s12] =	stream.linear.scatter [tilespmem:s16], [sflag:$0x3], $0x2800, $0x38;
	[tilespmem:$0x1E080] =	vst v63  }
0x40: {  	_ =	swait.ge [sflag:s25], $0x2800  }
0x41: {  	[sflag:s25] =	ssyncset.done $0x0  }
0x42: {  	[sflag:s25] =	ssyncadd.s32 $0xFFFFD800  }
0x43: {  	[spmem:s13] =	stream.linear.scatter [tilespmem:s16], [sflag:$0x3], $0x2800, $0x38;
	[tilespmem:$0x1E080] =	vst v63  }
0x44: {  	_ =	swait.ge [sflag:s25], $0x2800  }
0x45: {  	[sflag:s25] =	ssyncset.done $0x0  }
0x46: {  	[sflag:s25] =	ssyncadd.s32 $0xFFFFD800  }
0x47: {  	[spmem:s14] =	stream.linear.scatter [tilespmem:s16], [sflag:$0x3], $0x2800, $0x38;
	[tilespmem:$0x1E080] =	vst v63  }
0x48: {  	_ =	swait.ge [sflag:s25], $0x2800  }
0x49: {  	[sflag:s25] =	ssyncset.done $0x0  }
0x4a: {  	s17 =	simm.s32 @!p0 $0x2800;
	[sflag:s25] =	ssyncadd.s32 $0xFFFFD800  }
0x4b: {  	[spmem:s15] =	stream.linear.scatter @!p0 [tilespmem:s17], [sflag:$0x3], $0x2800, $0x38;
	[tilespmem:$0x1E080] =	vst v63  }
0x4c: {  	s17 =	simm.s32 @!p0 $0x3  }
0x4d: {  	_ =	swait.ge @!p0 [sflag:s17], $0x2800  }
0x4e: {  	[sflag:s17] =	ssyncset.done @!p0 $0x0  }
0x4f: {  	[sflag:s17] =	ssyncadd.s32 @!p0 $0xFFFFD800  }
0x50: {  	s19 =	simm.s32 $0x0;
	[bflag:$0x0] =	sbarrier.arrive $0xFFFF  }
0x51: {  	[tilespmem:s19], [sflag:$0x3] =	stream.linear.gather [hbm4b:s5+s19], $0x1400, $0x38;
	[tilespmem:$0x1E080] =	vst v63  }
0x52: {  	_ =	swait.ge [sflag:s25], $0x1400  }
0x53: {  	[sflag:s25] =	ssyncset.done $0x0  }
0x54: {  	[sflag:s25] =	ssyncadd.s32 $0xFFFFEC00  }
0x55: {  	[tilespmem:s26], [sflag:$0x3] =	stream.linear.gather [hbm4b:s6+s19], $0x1400, $0x38;
	[tilespmem:$0x1E080] =	vst v63  }
0x56: {  	_ =	swait.ge [sflag:s25], $0x1400  }
0x57: {  	[sflag:s25] =	ssyncset.done $0x0  }
0x58: {  	[sflag:s25] =	ssyncadd.s32 $0xFFFFEC00  }
0x59: {  	[tilespmem:s16], [sflag:$0x1] =	stream.indirect.gather [hbm4b:s1+s28], $0x80, s19, s28, $0xb8;
	[tilespmem:$0x1E080] =	vst v63  }
0x5a: {  	_ =	swait.ge [sflag:s29], $0x3E80  }
0x5b: {  	[sflag:s29] =	ssyncset.done $0x0  }
0x5c: {  	s18 =	simm.s32 $0x80;
	[sflag:s29] =	ssyncadd.s32 $0xFFFFC180  }
0x5d: {  	[tilespmem:s30], [sflag:$0x2] =	stream.indirect.gather [hbm4b:s1+s28], $0x80, s18, s28, $0xb8;
	[tilespmem:$0x1E080] =	vst v63  }
0x5e: {  	s19 =	simm.s32 $0x1400  }
0x5f: {  	[spmem:s3] =	stream.indirect.scatter.add.f32 [tilespmem:s16], [sflag:$0x3], $0x80, s19, s28, $0xb8;
	[tilespmem:$0x1E080] =	vst v63  }
0x60: {  	_ =	swait.ge [sflag:s25], $0x3E80  }
0x61: {  	[sflag:s25] =	ssyncset.done $0x0  }
0x62: {  	[sflag:s25] =	ssyncadd.s32 $0xFFFFC180  }
0x63: {  	_ =	swait.ge [sflag:s31], $0x3E80  }
0x64: {  	[sflag:s31] =	ssyncset.done $0x0  }
0x65: {  	s18 =	simm.s32 $0x100;
	[sflag:s31] =	ssyncadd.s32 $0xFFFFC180  }
0x66: {  	[tilespmem:s16], [sflag:$0x1] =	stream.indirect.gather [hbm4b:s1+s28], $0x80, s18, s28, $0xb8;
	[tilespmem:$0x1E080] =	vst v63  }
0x67: {  	s19 =	simm.s32 $0x1480  }
0x68: {  	[spmem:s3] =	stream.indirect.scatter.add.f32 [tilespmem:s30], [sflag:$0x3], $0x80, s19, s28, $0xb8;
	[tilespmem:$0x1E080] =	vst v63  }
0x69: {  	_ =	swait.ge [sflag:s25], $0x3E80  }
0x6a: {  	s17 =	simm.s32 $0x400;
	[sflag:s25] =	ssyncset.done $0x0  }
.LBB2_4:
0x6b: {  	p1 =	sne.s32 s17, $0x4800  }
0x6c: {  	[sflag:s25] =	ssyncadd.s32 $0xFFFFC180;
	s18 =	smov.u32 s17;
	s17 =	sadd.s32 $0x400, s17  }
0x6d: {  	_ = 	snop  }
0x6e: {  	_ =	swait.ge [sflag:s29], $0x3E80  }
0x6f: {  	s18 =	sshra.s32 s18, $0x2;
	[sflag:s29] =	ssyncset.done $0x0  }
0x70: {  	s19 =	sadd.s32 $0x80, s18;
	[sflag:s29] =	ssyncadd.s32 $0xFFFFC180  }
0x71: {  	[tilespmem:s30], [sflag:$0x2] =	stream.indirect.gather [hbm4b:s1+s28], $0x80, s19, s28, $0xb8;
	[tilespmem:$0x1E080] =	vst v63  }
0x72: {  	s19 =	sadd.s32 $0x1400, s18  }
0x73: {  	[spmem:s3] =	stream.indirect.scatter.add.f32 [tilespmem:s16], [sflag:$0x3], $0x80, s19, s28, $0xb8;
	[tilespmem:$0x1E080] =	vst v63  }
0x74: {  	_ =	swait.ge [sflag:s25], $0x3E80  }
0x75: {  	[sflag:s25] =	ssyncset.done $0x0  }
0x76: {  	[sflag:s25] =	ssyncadd.s32 $0xFFFFC180  }
0x77: {  	_ =	swait.ge [sflag:s31], $0x3E80  }
0x78: {  	[sflag:s31] =	ssyncset.done $0x0  }
0x79: {  	s19 =	sadd.s32 $0x100, s18;
	[sflag:s31] =	ssyncadd.s32 $0xFFFFC180  }
0x7a: {  	[tilespmem:s16], [sflag:$0x1] =	stream.indirect.gather [hbm4b:s1+s28], $0x80, s19, s28, $0xb8;
	[tilespmem:$0x1E080] =	vst v63  }
.Ltmp1:
0x7b: {  	_ = 	snop;
	(pc) =	sbr.rel @p1 .LBB2_4-.Ltmp1, $4  }
0x7c: {  	s18 =	sadd.s32 $0x1480, s18  }
0x7d: {  	[spmem:s3] =	stream.indirect.scatter.add.f32 [tilespmem:s30], [sflag:$0x3], $0x80, s18, s28, $0xb8;
	[tilespmem:$0x1E080] =	vst v63  }
0x7e: {  	_ =	swait.ge [sflag:s25], $0x3E80  }
0x7f: {  	[sflag:s25] =	ssyncset.done $0x0  }
0x80: {  	[sflag:s25] =	ssyncadd.s32 $0xFFFFC180  }
0x81: {  	_ =	swait.ge [sflag:s29], $0x3E80  }
0x82: {  	[sflag:s29] =	ssyncset.done $0x0  }
0x83: {  	[sflag:s29] =	ssyncadd.s32 $0xFFFFC180  }
0x84: {  	[tilespmem:s30], [sflag:$0x2] =	stream.indirect.gather [hbm4b:s1+s28], $0x80, s2, s28, $0xb8;
	[tilespmem:$0x1E080] =	vst v63  }
0x85: {  	_ = 	snop  }
0x86: {  	[spmem:s3] =	stream.indirect.scatter.add.f32 [tilespmem:s16], [sflag:$0x3], $0x80, s0, s28, $0xb8;
	[tilespmem:$0x1E080] =	vst v63  }
0x87: {  	_ =	swait.ge [sflag:s25], $0x3E80  }
0x88: {  	[sflag:s25] =	ssyncset.done $0x0  }
0x89: {  	[sflag:s25] =	ssyncadd.s32 $0xFFFFC180  }
0x8a: {  	_ =	swait.ge [sflag:s31], $0x3E80  }
0x8b: {  	[sflag:s31] =	ssyncset.done $0x0  }
0x8c: {  	[sflag:s31] =	ssyncadd.s32 $0xFFFFC180  }
0x8d: {  	[spmem:s3] =	stream.indirect.scatter.add.f32 [tilespmem:s30], [sflag:$0x3], $0x80, s7, s28, $0xb8;
	[tilespmem:$0x1E080] =	vst v63  }
0x8e: {  	_ =	swait.ge [sflag:s25], $0x3E80  }
0x8f: {  	[sflag:s25] =	ssyncset.done $0x0  }
0x90: {  	s17 =	sadd.s32 $0x280, s5;
	s18 =	simm.s32 $0x0;
	[sflag:s25] =	ssyncadd.s32 $0xFFFFC180  }
0x91: {  	[tilespmem:s18], [sflag:$0x3] =	stream.linear.gather [hbm4b:s17+s18], $0x1400, $0x38;
	[tilespmem:$0x1E080] =	vst v63  }
0x92: {  	_ =	swait.ge [sflag:s25], $0x1400  }
0x93: {  	[sflag:s25] =	ssyncset.done $0x0  }
0x94: {  	s19 =	sadd.s32 $0x280, s6;
	[sflag:s25] =	ssyncadd.s32 $0xFFFFEC00  }
0x95: {  	[tilespmem:s26], [sflag:$0x3] =	stream.linear.gather [hbm4b:s19+s18], $0x1400, $0x38;
	[tilespmem:$0x1E080] =	vst v63  }
0x96: {  	_ =	swait.ge [sflag:s25], $0x1400  }
0x97: {  	[sflag:s25] =	ssyncset.done $0x0  }
0x98: {  	[sflag:s25] =	ssyncadd.s32 $0xFFFFEC00  }
0x99: {  	[tilespmem:s16], [sflag:$0x1] =	stream.indirect.gather [hbm4b:s1+s28], $0x80, s18, s28, $0xb8;
	[tilespmem:$0x1E080] =	vst v63  }
0x9a: {  	_ =	swait.ge [sflag:s29], $0x3E80  }
0x9b: {  	[sflag:s29] =	ssyncset.done $0x0  }
0x9c: {  	s18 =	simm.s32 $0x80;
	[sflag:s29] =	ssyncadd.s32 $0xFFFFC180  }
0x9d: {  	[tilespmem:s30], [sflag:$0x2] =	stream.indirect.gather [hbm4b:s1+s28], $0x80, s18, s28, $0xb8;
	[tilespmem:$0x1E080] =	vst v63  }
0x9e: {  	s19 =	simm.s32 $0x1400  }
0x9f: {  	[spmem:s3] =	stream.indirect.scatter.add.f32 [tilespmem:s16], [sflag:$0x3], $0x80, s19, s28, $0xb8;
	[tilespmem:$0x1E080] =	vst v63  }
0xa0: {  	_ =	swait.ge [sflag:s25], $0x3E80  }
0xa1: {  	[sflag:s25] =	ssyncset.done $0x0  }
0xa2: {  	[sflag:s25] =	ssyncadd.s32 $0xFFFFC180  }
0xa3: {  	_ =	swait.ge [sflag:s31], $0x3E80  }
0xa4: {  	[sflag:s31] =	ssyncset.done $0x0  }
0xa5: {  	s18 =	simm.s32 $0x100;
	[sflag:s31] =	ssyncadd.s32 $0xFFFFC180  }
0xa6: {  	[tilespmem:s16], [sflag:$0x1] =	stream.indirect.gather [hbm4b:s1+s28], $0x80, s18, s28, $0xb8;
	[tilespmem:$0x1E080] =	vst v63  }
0xa7: {  	s19 =	simm.s32 $0x1480  }
0xa8: {  	[spmem:s3] =	stream.indirect.scatter.add.f32 [tilespmem:s30], [sflag:$0x3], $0x80, s19, s28, $0xb8;
	[tilespmem:$0x1E080] =	vst v63  }
0xa9: {  	_ =	swait.ge [sflag:s25], $0x3E80  }
0xaa: {  	s17 =	simm.s32 $0x400;
	[sflag:s25] =	ssyncset.done $0x0  }
.LBB2_6:
0xab: {  	p1 =	sne.s32 s17, $0x4800  }
0xac: {  	[sflag:s25] =	ssyncadd.s32 $0xFFFFC180;
	s18 =	smov.u32 s17;
	s17 =	sadd.s32 $0x400, s17  }
0xad: {  	_ = 	snop  }
0xae: {  	_ =	swait.ge [sflag:s29], $0x3E80  }
0xaf: {  	s18 =	sshra.s32 s18, $0x2;
	[sflag:s29] =	ssyncset.done $0x0  }
0xb0: {  	s19 =	sadd.s32 $0x80, s18;
	[sflag:s29] =	ssyncadd.s32 $0xFFFFC180  }
0xb1: {  	[tilespmem:s30], [sflag:$0x2] =	stream.indirect.gather [hbm4b:s1+s28], $0x80, s19, s28, $0xb8;
	[tilespmem:$0x1E080] =	vst v63  }
0xb2: {  	s19 =	sadd.s32 $0x1400, s18  }
0xb3: {  	[spmem:s3] =	stream.indirect.scatter.add.f32 [tilespmem:s16], [sflag:$0x3], $0x80, s19, s28, $0xb8;
	[tilespmem:$0x1E080] =	vst v63  }
0xb4: {  	_ =	swait.ge [sflag:s25], $0x3E80  }
0xb5: {  	[sflag:s25] =	ssyncset.done $0x0  }
0xb6: {  	[sflag:s25] =	ssyncadd.s32 $0xFFFFC180  }
0xb7: {  	_ =	swait.ge [sflag:s31], $0x3E80  }
0xb8: {  	[sflag:s31] =	ssyncset.done $0x0  }
0xb9: {  	s19 =	sadd.s32 $0x100, s18;
	[sflag:s31] =	ssyncadd.s32 $0xFFFFC180  }
0xba: {  	[tilespmem:s16], [sflag:$0x1] =	stream.indirect.gather [hbm4b:s1+s28], $0x80, s19, s28, $0xb8;
	[tilespmem:$0x1E080] =	vst v63  }
.Ltmp2:
0xbb: {  	_ = 	snop;
	(pc) =	sbr.rel @p1 .LBB2_6-.Ltmp2, $4  }
0xbc: {  	s18 =	sadd.s32 $0x1480, s18  }
0xbd: {  	[spmem:s3] =	stream.indirect.scatter.add.f32 [tilespmem:s30], [sflag:$0x3], $0x80, s18, s28, $0xb8;
	[tilespmem:$0x1E080] =	vst v63  }
0xbe: {  	_ =	swait.ge [sflag:s25], $0x3E80  }
0xbf: {  	[sflag:s25] =	ssyncset.done $0x0  }
0xc0: {  	[sflag:s25] =	ssyncadd.s32 $0xFFFFC180  }
0xc1: {  	_ =	swait.ge [sflag:s29], $0x3E80  }
0xc2: {  	[sflag:s29] =	ssyncset.done $0x0  }
0xc3: {  	[sflag:s29] =	ssyncadd.s32 $0xFFFFC180  }
0xc4: {  	[tilespmem:s30], [sflag:$0x2] =	stream.indirect.gather [hbm4b:s1+s28], $0x80, s2, s28, $0xb8;
	[tilespmem:$0x1E080] =	vst v63  }
0xc5: {  	_ = 	snop  }
0xc6: {  	[spmem:s3] =	stream.indirect.scatter.add.f32 [tilespmem:s16], [sflag:$0x3], $0x80, s0, s28, $0xb8;
	[tilespmem:$0x1E080] =	vst v63  }
0xc7: {  	_ =	swait.ge [sflag:s25], $0x3E80  }
0xc8: {  	[sflag:s25] =	ssyncset.done $0x0  }
0xc9: {  	[sflag:s25] =	ssyncadd.s32 $0xFFFFC180  }
0xca: {  	_ =	swait.ge [sflag:s31], $0x3E80  }
0xcb: {  	[sflag:s31] =	ssyncset.done $0x0  }
0xcc: {  	[sflag:s31] =	ssyncadd.s32 $0xFFFFC180  }
0xcd: {  	[spmem:s3] =	stream.indirect.scatter.add.f32 [tilespmem:s30], [sflag:$0x3], $0x80, s7, s28, $0xb8;
	[tilespmem:$0x1E080] =	vst v63  }
0xce: {  	_ =	swait.ge [sflag:s25], $0x3E80  }
0xcf: {  	[sflag:s25] =	ssyncset.done $0x0  }
0xd0: {  	s17 =	stileid.u32;
	[sflag:s25] =	ssyncadd.s32 $0xFFFFC180  }
0xd1: {  	s17 =	sshll.u32 s17, $0x6;
	[bflag:$0x0] =	sbarrier.arrive $0xFFFF  }
0xd2: {  	s18 =	sshrl.u32 s8, $0x3;
	s17 =	sor.u32 $0x1C03, s17;
	s19 =	rddreg [dreg:$0x5]  }
0xd3: {  	[hbm:s19], [sflag:s17] =	dma.local [spmem:s18], $0x500  }
0xd4: {  	_ =	swait.ge [sflag:s25], $0x500  }
0xd5: {  	[sflag:s25] =	ssyncset.done $0x0  }
0xd6: {  	s18 =	sshrl.u32 s9, $0x3;
	s19 =	rddreg [dreg:$0x6];
	[sflag:s25] =	ssyncadd.s32 $0xFFFFFB00  }
0xd7: {  	[hbm:s19], [sflag:s17] =	dma.local [spmem:s18], $0x500  }
0xd8: {  	_ =	swait.ge [sflag:s25], $0x500  }
0xd9: {  	[sflag:s25] =	ssyncset.done $0x0  }
0xda: {  	s18 =	sshrl.u32 s10, $0x3;
	s19 =	rddreg [dreg:$0x7];
	[sflag:s25] =	ssyncadd.s32 $0xFFFFFB00  }
0xdb: {  	[hbm:s19], [sflag:s17] =	dma.local [spmem:s18], $0x500  }
0xdc: {  	_ =	swait.ge [sflag:s25], $0x500  }
0xdd: {  	[sflag:s25] =	ssyncset.done $0x0  }
0xde: {  	s19 =	sshrl.u32 s11, $0x3;
	[sflag:s25] =	ssyncadd.s32 $0xFFFFFB00  }
0xdf: {  	[hbm:s20], [sflag:s17] =	dma.local [spmem:s19], $0x500  }
0xe0: {  	_ =	swait.ge [sflag:s25], $0x500  }
0xe1: {  	[sflag:s25] =	ssyncset.done $0x0  }
0xe2: {  	s19 =	sshrl.u32 s12, $0x3;
	[sflag:s25] =	ssyncadd.s32 $0xFFFFFB00  }
0xe3: {  	[hbm:s21], [sflag:s17] =	dma.local [spmem:s19], $0x500  }
0xe4: {  	_ =	swait.ge [sflag:s25], $0x500  }
0xe5: {  	[sflag:s25] =	ssyncset.done $0x0  }
0xe6: {  	s19 =	sshrl.u32 s13, $0x3;
	[sflag:s25] =	ssyncadd.s32 $0xFFFFFB00  }
0xe7: {  	[hbm:s22], [sflag:s17] =	dma.local [spmem:s19], $0x500  }
0xe8: {  	_ =	swait.ge [sflag:s25], $0x500  }
0xe9: {  	[sflag:s25] =	ssyncset.done $0x0  }
0xea: {  	s19 =	sshrl.u32 s14, $0x3;
	[sflag:s25] =	ssyncadd.s32 $0xFFFFFB00  }
0xeb: {  	[hbm:s23], [sflag:s17] =	dma.local [spmem:s19], $0x500  }
0xec: {  	_ =	swait.ge [sflag:s25], $0x500  }
0xed: {  	[sflag:s25] =	ssyncset.done $0x0  }
0xee: {  	s18 =	sshrl.u32 @!p0 s15, $0x3;
	[sflag:s25] =	ssyncadd.s32 $0xFFFFFB00  }
0xef: {  	[hbm:s24], [sflag:s17] =	dma.local @!p0 [spmem:s18], $0x500  }
0xf0: {  	s17 =	simm.s32 @!p0 $0x3  }
0xf1: {  	_ =	swait.ge @!p0 [sflag:s17], $0x500  }
0xf2: {  	s4 =	sadd.s32 $0x1, s4;
	s19 =	rddreg [dreg:$0x4]  }
0xf3: {  	p1 =	sne.s32 s4, s19  }
.Ltmp3:
0xf4: {  	_ = 	snop;
	(pc) =	sbr.rel @p1 .LBB2_1-.Ltmp3, $3  }
0xf5: {  	_ =	sdelay $0x1  }
0xf6: {  	[sflag:s17] =	ssyncset.done @!p0 $0x0  }
0xf7: {  	[sflag:s17] =	ssyncadd.s32 @!p0 $0xFFFFFB00  }
0xf8: {  	_ =	sfence.sel $0x180000  }
0xf9: {  	[bflag:$0x0] =	sbarrier.arrive $0xFFFF  }
0xfa: {  	_ =	strace $0x9000004D  }
0xfb: {  	s0 =	stileid.u32;
	[bflag:$0x2] =	sbarrier.arrive $0xFFFF  }
0xfc: {  	p0 =	sne.s32 s0, $0x0;
	s0 =	rddreg [dreg:$0x3]  }
0xfd: {  	s0 =	sadd.s32 @!p0 $0x100000, s0  }
0xfe: {  	[sflag:s0] =	ssyncadd.tile.s32 @!p0 $0x1;
	_ =	shalt  }
.Lfunc_end2:
_tile_overlayer_lowered:
.L_overlay_start_2:
0xff: {  	(tag) =	ssettag $0x2  }
0x100: {  	s0 =	rddreg [dreg:$0x0];
	s2 =	stileid.u32  }
0x101: {  	s1 =	rddreg [dreg:$0x1];
	p0 =	sne.s32 s2, $0x0  }
0x102: {  	s3 =	rddreg [dreg:$0x2];
	[bflag:$0x3] =	sbarrier.arrive $0xFFFF;
	s2 =	simm.s32 @!p0 $0x1C03  }
0x103: {  	[timem:s3], [sflag:s2] =	dma.local @!p0 [hbm:s0], s1  }
0x104: {  	s0 =	simm.s32 @!p0 $0x3  }
0x105: {  	_ =	swait.ge @!p0 [sflag:s0], s1  }
0x106: {  	s1 =	ssub.s32 @!p0 $0x0, s1;
	[sflag:s0] =	ssyncset.done @!p0 $0x0  }
0x107: {  	[sflag:s0] =	ssyncadd.s32 @!p0 s1  }
0x108: {  	[bflag:$0x3] =	sbarrier.arrive $0xFFFF  }
0x109: {  	_ =	shalt  }

// kernel: kernel.9.cloned.1.call-start
scs
__scs_entry_jumppad:
0x0: {  	(pc) =	sbr.rel $0x88, $3  }
0x1: {  	(tag) =	ssettag $0x0;
	lr =	simm.s32 $0x1  }
0x2: {  	[smem:$0x3F9B] =	sst lr;
	_ =	strace $0xD0000000  }
0x3: {  	_ = 	snop  }
0x4: {  	_ = 	snop  }
0x5: {  	_ = 	snop  }
0x6: {  	_ = 	snop  }
0x7: {  	_ = 	snop  }
__scs_overlays_trampoline_lowered:
0x8: {  	[smem:$0x3FAA] =	sst s0  }
0x9: {  	[smem:$0x3FAB] =	sst s1  }
0xa: {  	[smem:$0x3FAC] =	sst s2  }
0xb: {  	[smem:$0x3FAD] =	sst s3  }
0xc: {  	[smem:$0x3FAE] =	sst s4  }
0xd: {  	[smem:$0x3FAF] =	sst s5  }
0xe: {  	[smem:$0x3FB0] =	sst s6  }
0xf: {  	[smem:$0x3FB1] =	sst s7  }
0x10: {  	[smem:$0x3FB2] =	sst s8  }
0x11: {  	[smem:$0x3FB3] =	sst s9;
	s0 =	simm.s32 @!p0 $0x0  }
0x12: {  	s1 =	sld [smem:$0x3F99];
	s0 =	simm.s32 @p0 $0x1  }
0x13: {  	[smem:$0x3FB4] =	sst s0;
	s0 =	simm.s32 @!p1 $0x0  }
0x14: {  	s2 =	sld [smem:$0x3F98];
	s0 =	simm.s32 @p1 $0x1  }
0x15: {  	[smem:$0x3FB5] =	sst s0;
	s0 =	simm.s32 @!p2 $0x0  }
0x16: {  	s3 =	sld [smem:$0x3FDB];
	s0 =	simm.s32 @p2 $0x1  }
0x17: {  	s4 =	simm.s32 $0x1BF5;
	[smem:$0x3FB7] =	sst s0  }
0x18: {  	s0 =	sld [smem:$0x3F9A];
	_ =	swait.ge [sflag:s4], $0x0  }
0x19: {  	s7 =	sld [smem:$0x3F9B]  }
0x1a: {  	s8 =	sadd.s32 $0xFFFFE003, lr  }
0x1b: {  	s9 =	sadd.s32 $0xFFFFFEF7, lr;
	s5 =	simm.s32 $0xFFFFFFFF;
	p2 =	slt.u32 s8, $0xFFFFF086  }
0x1c: {  	p1 =	slt.u32 s9, $0xF7A;
	s5 =	simm.s32 @!p2 $0x0  }
0x1d: {  	s5 =	simm.s32 @p1 $0x1;
	p0 =	seq.s32 s7, s2  }
0x1e: {  	s7 =	smul.u32 @!p0 $0xF7A, s2;
	p2 =	seq.s32 @!p0 s5, $0x0  }
0x1f: {  	s9 =	smul.u32 $0xF7A, s1;
	s8 =	simm.s32 @!p0 $0x1BF5;
	p2 =	por !p2, p0  }
0x20: {  	[sflag:s8] =	ssyncset.s32 @!p0 $0xFFFFF086;
	s6 =	sadd.s32 @!p0 s3, s7;
	s7 =	simm.s32 @!p0 $0x108  }
0x21: {  	s3 =	sadd.s32 s3, s9;
	s6 =	sadd.s32 @!p0 $0x88, s6;
	s7 =	simm.s32 @p2 $0x1082  }
0x22: {  	[simem:s7], [sflag:s8] =	dma.local @!p0 [hbm:s6], $0xF7A  }
0x23: {  	s9 =	sor.u32 $0xD0000000, s2;
	s6 =	simm.s32 $0x108;
	_ =	swait.ge @!p0 [sflag:s8], $0x0  }
0x24: {  	s3 =	sadd.s32 $0x88, s3;
	s6 =	simm.s32 @!p1 $0x1082;
	[sflag:s4] =	ssyncset.s32 $0xFFFFF086  }
0x25: {  	[simem:s6], [sflag:s4] =	dma.local [hbm:s3], $0xF7A  }
0x26: {  	[smem:$0x3F9B] =	sst s1;
	(tag) =	ssettag s2;
	_ =	strace s9  }
0x27: {  	s1 =	sld [smem:$0x3FAB]  }
0x28: {  	s2 =	sld [smem:$0x3FAC]  }
0x29: {  	s4 =	sld [smem:$0x3FAE]  }
0x2a: {  	p0 =	seq.s32 s5, $0x0;
	s5 =	sld [smem:$0x3FAF]  }
0x2b: {  	s6 =	sld [smem:$0x3FB0]  }
0x2c: {  	s7 =	sld [smem:$0x3FB1]  }
0x2d: {  	s3 =	simm.s32 $0x108;
	s8 =	sld [smem:$0x3FB2]  }
0x2e: {  	s3 =	simm.s32 @!p0 $0x1082;
	s9 =	sld [smem:$0x3FB3]  }
0x2f: {  	lr =	sadd.s32 s0, s3;
	s0 =	sld [smem:$0x3FAA]  }
0x30: {  	s3 =	sld [smem:$0x3FAD]  }
0x31: {  	[smem:$0x3FB6] =	sst s10  }
0x32: {  	s10 =	sld [smem:$0x3FB4];
	_ =	sdelay $0x3  }
0x33: {  	p0 =	seq.s32 s10, $0x1;
	s10 =	sld [smem:$0x3FB6];
	_ =	sdelay $0x3  }
0x34: {  	[smem:$0x3FB6] =	sst s10  }
0x35: {  	s10 =	sld [smem:$0x3FB5];
	_ =	sdelay $0x3  }
0x36: {  	p1 =	seq.s32 s10, $0x1;
	s10 =	sld [smem:$0x3FB6];
	_ =	sdelay $0x3  }
0x37: {  	[smem:$0x3FB6] =	sst s10  }
0x38: {  	s10 =	sld [smem:$0x3FB7]  }
0x39: {  	_ = 	snop;
	(pc) =	sbr.ind lr, $3  }
0x3a: {  	_ = 	snop  }
0x3b: {  	_ = 	snop  }
0x3c: {  	p2 =	seq.s32 s10, $0x1;
	s10 =	sld [smem:$0x3FB6]  }
0x3d: {  	_ =	shalt  }
0x3e: {  	_ =	shalt  }
0x3f: {  	_ =	shalt  }
0x40: {  	_ =	shalt  }
0x41: {  	_ =	shalt  }
0x42: {  	_ =	shalt  }
0x43: {  	_ =	shalt  }
0x44: {  	_ =	shalt  }
0x45: {  	_ =	shalt  }
0x46: {  	_ =	shalt  }
0x47: {  	_ =	shalt  }
0x48: {  	_ =	shalt  }
0x49: {  	_ =	shalt  }
0x4a: {  	_ =	shalt  }
0x4b: {  	_ =	shalt  }
0x4c: {  	_ =	shalt  }
0x4d: {  	_ =	shalt  }
0x4e: {  	_ =	shalt  }
0x4f: {  	_ =	shalt  }
0x50: {  	_ =	shalt  }
0x51: {  	_ =	shalt  }
0x52: {  	_ =	shalt  }
0x53: {  	_ =	shalt  }
0x54: {  	_ =	shalt  }
0x55: {  	_ =	shalt  }
0x56: {  	_ =	shalt  }
0x57: {  	_ =	shalt  }
0x58: {  	_ =	shalt  }
0x59: {  	_ =	shalt  }
0x5a: {  	_ =	shalt  }
0x5b: {  	_ =	shalt  }
0x5c: {  	_ =	shalt  }
0x5d: {  	_ =	shalt  }
0x5e: {  	_ =	shalt  }
0x5f: {  	_ =	shalt  }
0x60: {  	_ =	shalt  }
0x61: {  	_ =	shalt  }
0x62: {  	_ =	shalt  }
0x63: {  	_ =	shalt  }
0x64: {  	_ =	shalt  }
0x65: {  	_ =	shalt  }
0x66: {  	_ =	shalt  }
0x67: {  	_ =	shalt  }
0x68: {  	_ =	shalt  }
0x69: {  	_ =	shalt  }
0x6a: {  	_ =	shalt  }
0x6b: {  	_ =	shalt  }
0x6c: {  	_ =	shalt  }
0x6d: {  	_ =	shalt  }
0x6e: {  	_ =	shalt  }
0x6f: {  	_ =	shalt  }
0x70: {  	_ =	shalt  }
0x71: {  	_ =	shalt  }
0x72: {  	_ =	shalt  }
0x73: {  	_ =	shalt  }
0x74: {  	_ =	shalt  }
0x75: {  	_ =	shalt  }
0x76: {  	_ =	shalt  }
0x77: {  	_ =	shalt  }
0x78: {  	_ =	shalt  }
0x79: {  	_ =	shalt  }
0x7a: {  	_ =	shalt  }
0x7b: {  	_ =	shalt  }
0x7c: {  	_ =	shalt  }
0x7d: {  	_ =	shalt  }
0x7e: {  	_ =	shalt  }
0x7f: {  	_ =	shalt  }
0x80: {  	_ =	shalt  }
0x81: {  	_ =	shalt  }
0x82: {  	_ =	shalt  }
0x83: {  	_ =	shalt  }
0x84: {  	_ =	shalt  }
0x85: {  	_ =	shalt  }
0x86: {  	_ =	shalt  }
0x87: {  	_ =	shalt  }
.Lfunc_end0:
.L_simem_size_0:
called_computation_lowered:
.L_overlay_start_0:
0x88: {  	s2 =	sld [smem:$0x3FD9]  }
0x89: {  	s3 =	sld [smem:$0x3FFE];
	_ =	sdelay $0x1  }
0x8a: {  	s1 =	srdreg.scid  }
0x8b: {  	s0 =	sand.u32 $0x1, s1  }
0x8c: {  	s17 =	sshll.u32 s0, $0xA;
	s2 =	sadd.s32 s3, s2  }
0x8d: {  	s2 =	sadd.s32 s2, s17  }
0x8e: {  	[smem:$0x3FC2] =	sst s2  }
0x8f: {  	_ = 	snop  }
0x90: {  	s2 =	sld [smem:$0x3FD0];
	(tm) =	ssettm $0x1  }
0x91: {  	s18 =	sld [smem:$0x3FFB];
	_ =	sdelay $0x3  }
0x92: {  	_ =	strace s18  }
0x93: {  	s3 =	sld [smem:$0x3FFC];
	_ =	sdelay $0x3  }
0x94: {  	_ =	strace s3  }
0x95: {  	s3 =	sld [smem:$0x3FFD];
	_ =	sdelay $0x3  }
0x96: {  	_ =	strace s3  }
0x97: {  	_ =	strace $0x8FFFFFFF  }
0x98: {  	s19 =	sld [smem:$0x3FDB];
	_ =	sdelay $0x1  }
0x99: {  	s4 =	simm.s32 $_scs_section_size  }
0x9a: {  	s5 =	simm.s32 $_size__tile_overlayer_lowered;
	s6 =	simm.s32 $_tile_overlayer_lowered  }
0x9b: {  	s22 =	simm.s32 $0x1BFF;
	s21 =	sshll.u32 s6, $0x1;
	s3 =	sadd.s32 s4, s19  }
0x9c: {  	s7 =	simm.s32 $0x0;
	s20 =	sshll.u32 s5, $0x1;
	s5 =	sadd.s32 s21, s3  }
0x9d: {  	[timem:s7], [sflag:s22] =	dma.local [hbm:s5], s20  }
0x9e: {  	_ =	swait.ge [sflag:s22], s20  }
0x9f: {  	s4 =	ssub.s32 $0x0, s20;
	[sflag:s22] =	ssyncset.done $0x0  }
0xa0: {  	[sflag:s22] =	ssyncadd.s32 s4;
	_ =	sdelay $0x1  }
0xa1: {  	s23 =	simm.s32 $0x1B8B  }
0xa2: {  	_ =	swait.ge [sflag:s23], $0x1  }
0xa3: {  	[sflag:s23] =	ssyncset.done $0x0  }
0xa4: {  	s25 =	simm.s32 $0x1B8E;
	s24 =	sld [smem:$0x3FFE];
	[sflag:s23] =	ssyncadd.s32 $0xFFFFFFFF  }
0xa5: {  	s26 =	simm.s32 $execute0_lowered;
	[smem:$0x3FD2] =	sst s25  }
0xa6: {  	s5 =	sshll.u32 s26, $0x1;
	_ =	strace $0x80000046;
	[dreg:$0x1] =	wrdreg $0xFFFFFFFF  }
0xa7: {  	s28 =	simm.s32 $_size_execute0_lowered;
	s3 =	sadd.s32 s3, s5;
	[dreg:$0x0] =	wrdreg $0x0  }
0xa8: {  	s5 =	sshll.u32 s28, $0x1;
	[dreg:$0x2] =	wrdreg s3  }
0xa9: {  	[dreg:$0x3] =	wrdreg s5  }
0xaa: {  	[dreg:$0x4] =	wrdreg $0xC0  }
0xab: {  	_ =	task [dreg:s7], $0x5FFFF  }
0xac: {  	[dreg:$0x1] =	wrdreg $0xFFFFFFFF  }
0xad: {  	[dreg:$0x0] =	wrdreg $0x60  }
0xae: {  	[dreg:$0x2] =	wrdreg s2  }
0xaf: {  	[dreg:$0x3] =	wrdreg s24  }
0xb0: {  	[dreg:$0x4] =	wrdreg $0x90000  }
0xb1: {  	[dreg:$0x5] =	wrdreg $0x9  }
0xb2: {  	_ =	task.clear_ibuf [dreg:s7], $0x6FFFF;
	_ =	strace $0x90000046  }
0xb3: {  	s29 =	simm.s32 $0x9;
	_ =	strace $0x80000048  }
0xb4: {  	_ =	swait.ge [sflag:s29], $0x1  }
0xb5: {  	[sflag:s29] =	ssyncadd.s32 $0xFFFFFFFF  }
0xb6: {  	_ =	strace $0x90000048  }
0xb7: {  	_ =	sfence  }
0xb8: {  	s30 =	sld [smem:$0x0];
	_ =	sdelay $0x2  }
0xb9: {  	s31 =	sshll.u32 s1, $0xD;
	s1 =	sshrl.u32 s1, $0x2  }
0xba: {  	s3 =	sand.u32 $0x4000, s31;
	s1 =	sadd.s32 s1, s30  }
0xbb: {  	s0 =	sor.u32 s3, s0;
	s1 =	sshll.u32 s1, $0x11  }
0xbc: {  	s0 =	sor.u32 s1, s0  }
0xbd: {  	s0 =	sadd.s32 $0x8F2B, s0  }
0xbe: {  	[sflag:s0] =	ssyncadd.remote.s32 $0x1  }
0xbf: {  	_ =	sfence.sel $0xFFFF  }
0xc0: {  	[dreg:$0x0] =	wrdreg $0xFFFFFFFF;
	(pc) =	sbr.abs _section_cstart, $3  }
0xc1: {  	[dreg:$0x1] =	wrdreg $0xFFFFFFFF  }
0xc2: {  	_ =	task.clear_ibuf [dreg:s7], $0x2FFFF;
	_ =	strace $0x9FFFFFFF  }
0xc3: {  	(tm) =	ssettm $0x7FFFFFFF  }
tec
execute0_lowered:
.L_overlay_start_1:
0x0: {  	(tag) =	ssettag $0x1  }
0x1: {  	s3 =	srdreg.scid  }
0x2: {  	s6 =	sand.u32 $0x1, s3  }
0x3: {  	s7 =	smul.u32 $0x27100, s6  }
0x4: {  	s3 =	stileid.u32;
	s8 =	smul.u32 $0x5000, s6  }
0x5: {  	s10 =	smul.u32 $0xA000, s3;
	s11 =	sor.u32 $0x10, s3  }
0x6: {  	s13 =	sor.u32 $0x20, s3;
	s12 =	smul.u32 $0xA000, s11  }
0x7: {  	s15 =	sor.u32 $0x30, s3;
	s14 =	smul.u32 $0xA000, s13  }
0x8: {  	s17 =	sor.u32 $0x40, s3;
	s16 =	smul.u32 $0xA000, s15  }
0x9: {  	s19 =	sor.u32 $0x50, s3;
	s18 =	smul.u32 $0xA000, s17  }
0xa: {  	s21 =	sor.u32 $0x60, s3;
	s20 =	smul.u32 $0xA000, s19  }
0xb: {  	s5 =	rddreg [dreg:$0x0];
	s23 =	sor.u32 $0x70, s3;
	s22 =	smul.u32 $0xA000, s21  }
0xc: {  	s4 =	rddreg [dreg:$0x1];
	s24 =	smul.u32 $0xA000, s23  }
0xd: {  	s1 =	rddreg [dreg:$0x2];
	s25 =	smul.u32 $0x500, s11  }
0xe: {  	s0 =	rddreg [dreg:$0x3];
	s2 =	simm.s32 $0x0;
	s26 =	smul.u32 $0x500, s13  }
0xf: {  	[smem:$0x7FF] =	sst s2;
	s6 =	ssub.s32 $0x2, s6;
	s28 =	smul.u32 $0x500, s15  }
0x10: {  	_ =	strace $0x80000047;
	s9 =	sshrl.u32 s6, $0x1;
	s29 =	smul.u32 $0x500, s17  }
0x11: {  	s30 =	smul.u32 $0x500, s19;
	p0 =	sgt.u32 s23, $0x7C;
	s17 =	simm.s32 $0x6800  }
0x12: {  	s7 =	sadd.s32 s7, s4;
	s4 =	smul.u32 $0x500, s3;
	s9 =	ssub.s32 s6, s9  }
0x13: {  	s10 =	sshrl.u32 s10, $0x2;
	s6 =	sadd.s32 $0x2200, s7;
	s7 =	smax.u32 s9, $0x1  }
0x14: {  	s12 =	sshrl.u32 s12, $0x2;
	s14 =	sshrl.u32 s14, $0x2;
	s16 =	sshrl.u32 s16, $0x2  }
0x15: {  	s18 =	sshrl.u32 s18, $0x2;
	s20 =	sshrl.u32 s20, $0x2;
	s22 =	sshrl.u32 s22, $0x2  }
0x16: {  	s31 =	sshrl.u32 s24, $0x2;
	s24 =	smul.u32 $0x500, s21;
	s8 =	sadd.s32 s4, s8  }
0x17: {  	s9 =	sadd.s32 s12, s1;
	s11 =	sadd.s32 s16, s1;
	s12 =	sadd.s32 s18, s1  }
0x18: {  	s13 =	sadd.s32 s20, s1;
	s15 =	sadd.s32 s31, s1;
	s31 =	smul.u32 $0x500, s23  }
0x19: {  	s16 =	simm.s32 $0x1;
	s18 =	simm.s32 $0x7D;
	s19 =	sadd.s32 s25, s6  }
0x1a: {  	s20 =	sadd.s32 s26, s6;
	s21 =	sadd.s32 s28, s6;
	s23 =	sadd.s32 s30, s6  }
0x1b: {  	s26 =	simm.s32 $0x2800;
	s28 =	simm.s32 $0x0;
	s5 =	sadd.s32 s5, s8  }
0x1c: {  	s8 =	sadd.s32 s10, s1;
	s10 =	sadd.s32 s14, s1;
	s14 =	sadd.s32 s22, s1  }
0x1d: {  	v0 =	vimm.f32 $1.000000000e+00;
	v1 =	vimm.f32 $0.0e+00;
	s22 =	sadd.s32 s29, s6;
	s24 =	sadd.s32 s24, s6;
	s25 =	sadd.s32 @!p0 s31, s6  }
.LBB2_1:
0x1e: {  	[tilespmem:s2], [sflag:$0x1] =	stream.linear.gather [hbm4b:s5+s2], $0x2800, $0x38;
	[tilespmem:$0x1C880] =	vst v63  }
0x1f: {  	_ =	swait.ge [sflag:s16], $0x2800  }
0x20: {  	[sflag:s16] =	ssyncset.done $0x0  }
0x21: {  	s29 =	simm.s32 $0x70;
	s30 =	simm.s32 $0x3C0;
	[sflag:s16] =	ssyncadd.s32 $0xFFFFD800  }
.LBB2_2:
0x22: {  	p1 =	sne.s32 s30, $0xF9C0;
	[tilespmem:s29+$0x2800] =	vst v0  }
0x23: {  	[tilespmem:s29+$0x2790] =	vst v0  }
0x24: {  	[tilespmem:s29+$0x27A0] =	vst v0  }
.Ltmp0:
0x25: {  	[tilespmem:s29+$0x27B0] =	vst v0;
	(pc) =	sbr.rel @p1 .LBB2_2-.Ltmp0, $4  }
0x26: {  	[tilespmem:s29+$0x27C0] =	vst v0  }
0x27: {  	[tilespmem:s29+$0x27D0] =	vst v0  }
0x28: {  	[tilespmem:s29+$0x27E0] =	vst v0  }
0x29: {  	[tilespmem:s29+$0x27F0] =	vst v0;
	s29 =	sshra.s32 s30, $0x2;
	s30 =	sadd.s32 $0x200, s30  }
0x2a: {  	[tilespmem:s29+$0x2800] =	vst v0  }
0x2b: {  	[tilespmem:s29+$0x2790] =	vst v0  }
0x2c: {  	[tilespmem:s29+$0x27A0] =	vst v0  }
0x2d: {  	[tilespmem:s29+$0x27B0] =	vst v0  }
0x2e: {  	[tilespmem:s29+$0x27C0] =	vst v0  }
0x2f: {  	[tilespmem:s29+$0x27D0] =	vst v0  }
0x30: {  	[tilespmem:s29+$0x27E0] =	vst v0  }
0x31: {  	[tilespmem:s29+$0x27F0] =	vst v0;
	s29 =	simm.s32 $0x70;
	s30 =	simm.s32 $0x3C0  }
.LBB2_4:
0x32: {  	p1 =	sne.s32 s30, $0x9FC0;
	[tilespmem:s29+$0x6800] =	vst v1  }
0x33: {  	[tilespmem:s29+$0x6790] =	vst v1  }
0x34: {  	[tilespmem:s29+$0x67A0] =	vst v1  }
.Ltmp1:
0x35: {  	[tilespmem:s29+$0x67B0] =	vst v1;
	(pc) =	sbr.rel @p1 .LBB2_4-.Ltmp1, $4  }
0x36: {  	[tilespmem:s29+$0x67C0] =	vst v1  }
0x37: {  	[tilespmem:s29+$0x67D0] =	vst v1  }
0x38: {  	[tilespmem:s29+$0x67E0] =	vst v1  }
0x39: {  	[tilespmem:s29+$0x67F0] =	vst v1;
	s29 =	sshra.s32 s30, $0x2;
	s30 =	sadd.s32 $0x200, s30  }
0x3a: {  	[tilespmem:s29+$0x6800] =	vst v1  }
0x3b: {  	[tilespmem:s29+$0x6790] =	vst v1  }
0x3c: {  	[tilespmem:s29+$0x67A0] =	vst v1  }
0x3d: {  	[tilespmem:s29+$0x67B0] =	vst v1  }
0x3e: {  	[tilespmem:s29+$0x67C0] =	vst v1  }
0x3f: {  	[tilespmem:s29+$0x67D0] =	vst v1  }
0x40: {  	[tilespmem:s29+$0x67E0] =	vst v1  }
0x41: {  	[tilespmem:s29+$0x67F0] =	vst v1  }
0x42: {  	[spmem:s8] =	stream.linear.scatter [tilespmem:s17], [sflag:$0x1], $0x2800, $0x38;
	[tilespmem:$0x1C880] =	vst v63  }
0x43: {  	_ =	swait.ge [sflag:s16], $0x2800  }
0x44: {  	[sflag:s16] =	ssyncset.done $0x0  }
0x45: {  	[sflag:s16] =	ssyncadd.s32 $0xFFFFD800  }
0x46: {  	[spmem:s9] =	stream.linear.scatter [tilespmem:s17], [sflag:$0x1], $0x2800, $0x38;
	[tilespmem:$0x1C880] =	vst v63  }
0x47: {  	_ =	swait.ge [sflag:s16], $0x2800  }
0x48: {  	[sflag:s16] =	ssyncset.done $0x0  }
0x49: {  	[sflag:s16] =	ssyncadd.s32 $0xFFFFD800  }
0x4a: {  	[spmem:s10] =	stream.linear.scatter [tilespmem:s17], [sflag:$0x1], $0x2800, $0x38;
	[tilespmem:$0x1C880] =	vst v63  }
0x4b: {  	_ =	swait.ge [sflag:s16], $0x2800  }
0x4c: {  	[sflag:s16] =	ssyncset.done $0x0  }
0x4d: {  	[sflag:s16] =	ssyncadd.s32 $0xFFFFD800  }
0x4e: {  	[spmem:s11] =	stream.linear.scatter [tilespmem:s17], [sflag:$0x1], $0x2800, $0x38;
	[tilespmem:$0x1C880] =	vst v63  }
0x4f: {  	_ =	swait.ge [sflag:s16], $0x2800  }
0x50: {  	[sflag:s16] =	ssyncset.done $0x0  }
0x51: {  	[sflag:s16] =	ssyncadd.s32 $0xFFFFD800  }
0x52: {  	[spmem:s12] =	stream.linear.scatter [tilespmem:s17], [sflag:$0x1], $0x2800, $0x38;
	[tilespmem:$0x1C880] =	vst v63  }
0x53: {  	_ =	swait.ge [sflag:s16], $0x2800  }
0x54: {  	[sflag:s16] =	ssyncset.done $0x0  }
0x55: {  	[sflag:s16] =	ssyncadd.s32 $0xFFFFD800  }
0x56: {  	[spmem:s13] =	stream.linear.scatter [tilespmem:s17], [sflag:$0x1], $0x2800, $0x38;
	[tilespmem:$0x1C880] =	vst v63  }
0x57: {  	_ =	swait.ge [sflag:s16], $0x2800  }
0x58: {  	[sflag:s16] =	ssyncset.done $0x0  }
0x59: {  	[sflag:s16] =	ssyncadd.s32 $0xFFFFD800  }
0x5a: {  	[spmem:s14] =	stream.linear.scatter [tilespmem:s17], [sflag:$0x1], $0x2800, $0x38;
	[tilespmem:$0x1C880] =	vst v63  }
0x5b: {  	_ =	swait.ge [sflag:s16], $0x2800  }
0x5c: {  	[sflag:s16] =	ssyncset.done $0x0  }
0x5d: {  	s29 =	simm.s32 @!p0 $0x6800;
	[sflag:s16] =	ssyncadd.s32 $0xFFFFD800  }
0x5e: {  	[spmem:s15] =	stream.linear.scatter @!p0 [tilespmem:s29], [sflag:$0x1], $0x2800, $0x38;
	[tilespmem:$0x1C880] =	vst v63  }
0x5f: {  	s29 =	simm.s32 @!p0 $0x1  }
0x60: {  	_ =	swait.ge @!p0 [sflag:s29], $0x2800  }
0x61: {  	[sflag:s29] =	ssyncset.done @!p0 $0x0  }
0x62: {  	[sflag:s29] =	ssyncadd.s32 @!p0 $0xFFFFD800  }
0x63: {  	s29 =	simm.s32 $0x0;
	[bflag:$0x0] =	sbarrier.arrive $0xFFFF  }
0x64: {  	[spmem:s1] =	stream.indirect.scatter.add.f32 [tilespmem:s26], [sflag:$0x1], $0x80, s29, s18, $0xb8;
	[tilespmem:$0x1C880] =	vst v63  }
0x65: {  	_ =	swait.ge [sflag:s16], $0x3E80  }
0x66: {  	s29 =	simm.s32 $0x200;
	[sflag:s16] =	ssyncset.done $0x0  }
.LBB2_6:
0x67: {  	s30 =	sshra.s32 s29, $0x2;
	[sflag:s16] =	ssyncadd.s32 $0xFFFFC180;
	p1 =	sne.s32 s29, $0x9E00  }
0x68: {  	[spmem:s1] =	stream.indirect.scatter.add.f32 [tilespmem:s26], [sflag:$0x1], $0x80, s30, s18, $0xb8;
	[tilespmem:$0x1C880] =	vst v63  }
.Ltmp2:
0x69: {  	_ = 	snop;
	(pc) =	sbr.rel @p1 .LBB2_6-.Ltmp2, $4  }
0x6a: {  	_ = 	snop  }
0x6b: {  	s29 =	sadd.s32 $0x200, s29  }
0x6c: {  	_ =	swait.ge [sflag:s16], $0x3E80  }
0x6d: {  	[sflag:s16] =	ssyncset.done $0x0  }
0x6e: {  	[sflag:s16] =	ssyncadd.s32 $0xFFFFC180;
	s29 =	sshll.u32 s3, $0x6;
	s30 =	sadd.s32 s4, s6  }
0x6f: {  	s31 =	sshrl.u32 s8, $0x3;
	[bflag:$0x0] =	sbarrier.arrive $0xFFFF;
	s29 =	sor.u32 $0x1C01, s29  }
0x70: {  	[hbm:s30], [sflag:s29] =	dma.local [spmem:s31], $0x500  }
0x71: {  	_ =	swait.ge [sflag:s16], $0x500  }
0x72: {  	[sflag:s16] =	ssyncset.done $0x0  }
0x73: {  	s31 =	sshrl.u32 s9, $0x3;
	[sflag:s16] =	ssyncadd.s32 $0xFFFFFB00  }
0x74: {  	[hbm:s19], [sflag:s29] =	dma.local [spmem:s31], $0x500  }
0x75: {  	_ =	swait.ge [sflag:s16], $0x500  }
0x76: {  	[sflag:s16] =	ssyncset.done $0x0  }
0x77: {  	s31 =	sshrl.u32 s10, $0x3;
	[sflag:s16] =	ssyncadd.s32 $0xFFFFFB00  }
0x78: {  	[hbm:s20], [sflag:s29] =	dma.local [spmem:s31], $0x500  }
0x79: {  	_ =	swait.ge [sflag:s16], $0x500  }
0x7a: {  	[sflag:s16] =	ssyncset.done $0x0  }
0x7b: {  	s31 =	sshrl.u32 s11, $0x3;
	[sflag:s16] =	ssyncadd.s32 $0xFFFFFB00  }
0x7c: {  	[hbm:s21], [sflag:s29] =	dma.local [spmem:s31], $0x500  }
0x7d: {  	_ =	swait.ge [sflag:s16], $0x500  }
0x7e: {  	[sflag:s16] =	ssyncset.done $0x0  }
0x7f: {  	s31 =	sshrl.u32 s12, $0x3;
	[sflag:s16] =	ssyncadd.s32 $0xFFFFFB00  }
0x80: {  	[hbm:s22], [sflag:s29] =	dma.local [spmem:s31], $0x500  }
0x81: {  	_ =	swait.ge [sflag:s16], $0x500  }
0x82: {  	[sflag:s16] =	ssyncset.done $0x0  }
0x83: {  	s31 =	sshrl.u32 s13, $0x3;
	[sflag:s16] =	ssyncadd.s32 $0xFFFFFB00  }
0x84: {  	[hbm:s23], [sflag:s29] =	dma.local [spmem:s31], $0x500  }
0x85: {  	_ =	swait.ge [sflag:s16], $0x500  }
0x86: {  	[sflag:s16] =	ssyncset.done $0x0  }
0x87: {  	s31 =	sshrl.u32 s14, $0x3;
	[sflag:s16] =	ssyncadd.s32 $0xFFFFFB00  }
0x88: {  	[hbm:s24], [sflag:s29] =	dma.local [spmem:s31], $0x500  }
0x89: {  	_ =	swait.ge [sflag:s16], $0x500  }
0x8a: {  	s28 =	sadd.s32 $0x1, s28;
	[sflag:s16] =	ssyncset.done $0x0  }
0x8b: {  	p1 =	sne.s32 s28, s7;
	s30 =	sshrl.u32 @!p0 s15, $0x3;
	[sflag:s16] =	ssyncadd.s32 $0xFFFFFB00  }
0x8c: {  	[hbm:s25], [sflag:s29] =	dma.local @!p0 [spmem:s30], $0x500  }
.Ltmp3:
0x8d: {  	_ = 	snop;
	(pc) =	sbr.rel @p1 .LBB2_1-.Ltmp3, $4  }
0x8e: {  	s29 =	simm.s32 @!p0 $0x1  }
0x8f: {  	_ =	swait.ge @!p0 [sflag:s29], $0x500  }
0x90: {  	[sflag:s29] =	ssyncset.done @!p0 $0x0  }
0x91: {  	[sflag:s29] =	ssyncadd.s32 @!p0 $0xFFFFFB00  }
0x92: {  	_ =	sfence.sel $0x180000  }
0x93: {  	[bflag:$0x0] =	sbarrier.arrive $0xFFFF  }
0x94: {  	p0 =	sne.s32 s3, $0x0;
	_ =	strace $0x90000047  }
0x95: {  	s0 =	sadd.s32 @!p0 $0x100000, s0;
	[bflag:$0x2] =	sbarrier.arrive $0xFFFF  }
0x96: {  	[sflag:s0] =	ssyncadd.tile.s32 @!p0 $0x1;
	_ =	shalt  }
.Lfunc_end2:
_tile_overlayer_lowered:
.L_overlay_start_2:
0x97: {  	(tag) =	ssettag $0x2  }
0x98: {  	s0 =	rddreg [dreg:$0x0];
	s2 =	stileid.u32  }
0x99: {  	s1 =	rddreg [dreg:$0x1];
	p0 =	sne.s32 s2, $0x0  }
0x9a: {  	s3 =	rddreg [dreg:$0x2];
	[bflag:$0x3] =	sbarrier.arrive $0xFFFF;
	s2 =	simm.s32 @!p0 $0x1C01  }
0x9b: {  	[timem:s3], [sflag:s2] =	dma.local @!p0 [hbm:s0], s1  }
0x9c: {  	s0 =	simm.s32 @!p0 $0x1  }
0x9d: {  	_ =	swait.ge @!p0 [sflag:s0], s1  }
0x9e: {  	s1 =	ssub.s32 @!p0 $0x0, s1;
	[sflag:s0] =	ssyncset.done @!p0 $0x0  }
0x9f: {  	[sflag:s0] =	ssyncadd.s32 @!p0 s1  }
0xa0: {  	[bflag:$0x3] =	sbarrier.arrive $0xFFFF  }
0xa1: {  	_ =	shalt  }

</sc_bundles>
